<compile_context>
chip_gen: v7x
topology: tpu7x:2x2x1
jax: 0.10.2.dev20260603
libtpu: 0.0.44.dev20260713+nightly
codegen_flags: <defaults>
</compile_context>

<pallas_src>
import functools

import jax
import jax.numpy as jnp
from jax import lax
from jax.experimental import pallas as pl
from jax.experimental.pallas import tpu as pltpu
from jax.experimental.pallas import tpu_sc as plsc

N = 10000
K = 32
CIN = 128
COUT = 128
KP = 15
SIGMA = 0.6
NGROUPS = 16
NEG_SLOPE = 0.1
EPS = 1e-5

NW = 32
CHUNK = 128
NPAD = 10240
PER_W = NPAD * K // NW
NCHUNK = PER_W // CHUNK
L = 16

BN = 200
NB = N // BN


def _sc_gather_body(feats_hbm, px_hbm, py_hbm, pz_hbm, idx_hbm,
                    gout_hbm, cout_hbm,
                    idx_v, rows_a, rows_b, rows_c, rows_d,
                    pxt, pyt, pzt, cbuf_a, cbuf_b, cbuf_c, cbuf_d,
                    sem_f1, sem_f2, sem_w1, sem_w2):
    c = lax.axis_index("c")
    s = lax.axis_index("s")
    wid = s * 2 + c
    base = wid * PER_W
    cbase = wid * NCHUNK

    pltpu.sync_copy(idx_hbm.at[pl.ds(base, PER_W)], idx_v)
    pltpu.sync_copy(px_hbm, pxt)
    pltpu.sync_copy(py_hbm, pyt)
    pltpu.sync_copy(pz_hbm, pzt)

    def coords(i, cbuf):
        for j in range(CHUNK // L):
            iv = idx_v[pl.ds(i * CHUNK + j * L, L)]
            cbuf[pl.ds(j * L, L)] = plsc.load_gather(pxt, [iv])
            cbuf[pl.ds(CHUNK + j * L, L)] = plsc.load_gather(pyt, [iv])
            cbuf[pl.ds(2 * CHUNK + j * L, L)] = plsc.load_gather(pzt, [iv])

    def do_phase(i0, rows_x, rows_y, cbuf_x, cbuf_y, sem_g, sem_wr):
        i1 = i0 + 1
        gx = pltpu.async_copy(
            feats_hbm.at[idx_v.at[pl.ds(i0 * CHUNK, CHUNK)]], rows_x, sem_g)
        gy = pltpu.async_copy(
            feats_hbm.at[idx_v.at[pl.ds(i1 * CHUNK, CHUNK)]], rows_y, sem_g)
        coords(i0, cbuf_x)
        coords(i1, cbuf_y)
        gx.wait()
        wx = pltpu.async_copy(
            rows_x, gout_hbm.at[pl.ds(pl.multiple_of(base + i0 * CHUNK, CHUNK),
                                      CHUNK)], sem_wr)
        gy.wait()
        wy = pltpu.async_copy(
            rows_y, gout_hbm.at[pl.ds(pl.multiple_of(base + i1 * CHUNK, CHUNK),
                                      CHUNK)], sem_wr)
        wcx = pltpu.async_copy(
            cbuf_x, cout_hbm.at[pl.ds(pl.multiple_of((cbase + i0) * 3 * CHUNK,
                                                     CHUNK), 3 * CHUNK)],
            sem_wr)
        wcy = pltpu.async_copy(
            cbuf_y, cout_hbm.at[pl.ds(pl.multiple_of((cbase + i1) * 3 * CHUNK,
                                                     CHUNK), 3 * CHUNK)],
            sem_wr)
        return (wx, wy, wcx, wcy)

    def wait_all(hs):
        for h in hs:
            h.wait()

    def body(jj, carry):
        i0 = 8 * jj
        h1 = do_phase(i0, rows_a, rows_b, cbuf_a, cbuf_b, sem_f1, sem_w1)
        h2 = do_phase(i0 + 2, rows_c, rows_d, cbuf_c, cbuf_d, sem_f2, sem_w2)
        wait_all(h1)
        h3 = do_phase(i0 + 4, rows_a, rows_b, cbuf_a, cbuf_b, sem_f1, sem_w1)
        wait_all(h2)
        h4 = do_phase(i0 + 6, rows_c, rows_d, cbuf_c, cbuf_d, sem_f2, sem_w2)
        wait_all(h3)
        wait_all(h4)
        return carry

    lax.fori_loop(0, NCHUNK // 8, body, 0)


def _make_sc_gather():
    return functools.partial(
        pl.kernel,
        mesh=plsc.VectorSubcoreMesh(core_axis_name="c", subcore_axis_name="s"),
        compiler_params=pltpu.CompilerParams(needs_layout_passes=False),
        out_type=[
            jax.ShapeDtypeStruct((NPAD * K, CIN), jnp.float32),
            jax.ShapeDtypeStruct((NW * NCHUNK * 3 * CHUNK,), jnp.float32),
        ],
        scratch_types=[
            pltpu.VMEM((PER_W,), jnp.int32),
            pltpu.VMEM((CHUNK, CIN), jnp.float32),
            pltpu.VMEM((CHUNK, CIN), jnp.float32),
            pltpu.VMEM((CHUNK, CIN), jnp.float32),
            pltpu.VMEM((CHUNK, CIN), jnp.float32),
            pltpu.VMEM((N,), jnp.float32),
            pltpu.VMEM((N,), jnp.float32),
            pltpu.VMEM((N,), jnp.float32),
            pltpu.VMEM((3 * CHUNK,), jnp.float32),
            pltpu.VMEM((3 * CHUNK,), jnp.float32),
            pltpu.VMEM((3 * CHUNK,), jnp.float32),
            pltpu.VMEM((3 * CHUNK,), jnp.float32),
            pltpu.SemaphoreType.DMA,
            pltpu.SemaphoreType.DMA,
            pltpu.SemaphoreType.DMA,
            pltpu.SemaphoreType.DMA,
        ],
    )(_sc_gather_body)


def _conv_body(g_ref, px_ref, py_ref, pz_ref, q_ref, kp_ref, w_ref, b_ref,
               y_ref, part_ref):
    gb = g_ref[...]
    px = px_ref[...]
    py = py_ref[...]
    pz = pz_ref[...]
    qx = q_ref[:, 0:1]
    qy = q_ref[:, 1:2]
    qz = q_ref[:, 2:3]

    nf = jnp.sum(gb, axis=-1)
    nnum = jnp.sum((nf > 0.0).astype(jnp.float32), axis=-1)
    nnum = jnp.maximum(nnum, 1.0)

    kx = kp_ref[0:KP, 0:1]
    ky = kp_ref[0:KP, 1:2]
    kz = kp_ref[0:KP, 2:3]
    dx = (px - qx)[:, None, :] - kx[None, :, :]
    dy = (py - qy)[:, None, :] - ky[None, :, :]
    dz = (pz - qz)[:, None, :] - kz[None, :, :]
    sq = dx * dx + dy * dy + dz * dz
    w3 = jnp.maximum(1.0 - jnp.sqrt(sq) * (1.0 / SIGMA), 0.0)
    wf3 = lax.dot_general(w3, gb, (((2,), (1,)), ((0,), (0,))),
                          preferred_element_type=jnp.float32)
    wf = wf3.reshape(BN, KP * CIN)

    y = lax.dot_general(wf, w_ref[...], (((1,), (0,)), ((), ())),
                        preferred_element_type=jnp.float32)
    y = y / nnum[:, None] + b_ref[...]
    y_ref[...] = y

    s1 = jnp.sum(y, axis=0)
    s2 = jnp.sum(y * y, axis=0)
    part_ref[...] = jnp.concatenate(
        [s1[None, None, :], s2[None, None, :],
         jnp.zeros((1, 6, COUT), jnp.float32)], axis=1)


def _norm_body(y_ref, part_ref, gnw_ref, gnb_ref, o_ref):
    part = part_ref[...]
    s1 = jnp.sum(part[:, 0, :], axis=0)
    s2 = jnp.sum(part[:, 1, :], axis=0)

    ci = lax.broadcasted_iota(jnp.int32, (COUT, COUT), 0) // (COUT // NGROUPS)
    cj = lax.broadcasted_iota(jnp.int32, (COUT, COUT), 1) // (COUT // NGROUPS)
    same = (ci == cj).astype(jnp.float32)

    cnt = float(N * (COUT // NGROUPS))
    m = lax.dot_general(s1[None, :], same, (((1,), (0,)), ((), ())),
                        preferred_element_type=jnp.float32) / cnt
    e2 = lax.dot_general(s2[None, :], same, (((1,), (0,)), ((), ())),
                         preferred_element_type=jnp.float32) / cnt
    inv = lax.rsqrt(e2 - m * m + EPS)

    y = y_ref[...]
    x = (y - m) * inv * gnw_ref[...] + gnb_ref[...]
    o_ref[...] = jnp.where(x >= 0.0, x, NEG_SLOPE * x)


def _tc_calls(g3, px3, py3, pz3, q8, kp, wb, kp_bias, gn_weight, gn_bias):
    y, part = pl.pallas_call(
        _conv_body,
        grid=(NB,),
        in_specs=[
            pl.BlockSpec((BN, K, CIN), lambda i: (i, 0, 0)),
            pl.BlockSpec((BN, K), lambda i: (i, 0)),
            pl.BlockSpec((BN, K), lambda i: (i, 0)),
            pl.BlockSpec((BN, K), lambda i: (i, 0)),
            pl.BlockSpec((BN, 8), lambda i: (i, 0)),
            pl.BlockSpec((16, 16), lambda i: (0, 0)),
            pl.BlockSpec((KP * CIN, COUT), lambda i: (0, 0)),
            pl.BlockSpec((1, COUT), lambda i: (0, 0)),
        ],
        out_specs=[
            pl.BlockSpec((BN, COUT), lambda i: (i, 0)),
            pl.BlockSpec((1, 8, COUT), lambda i: (i, 0, 0)),
        ],
        out_shape=[
            jax.ShapeDtypeStruct((N, COUT), jnp.float32),
            jax.ShapeDtypeStruct((NB, 8, COUT), jnp.float32),
        ],
    )(g3, px3, py3, pz3, q8, jnp.pad(kp, ((0, 16 - KP), (0, 13))),
      wb, kp_bias.reshape(1, COUT))

    out = pl.pallas_call(
        _norm_body,
        grid=(NB,),
        in_specs=[
            pl.BlockSpec((BN, COUT), lambda i: (i, 0)),
            pl.BlockSpec((NB, 8, COUT), lambda i: (0, 0, 0)),
            pl.BlockSpec((1, COUT), lambda i: (0, 0)),
            pl.BlockSpec((1, COUT), lambda i: (0, 0)),
        ],
        out_specs=pl.BlockSpec((BN, COUT), lambda i: (i, 0)),
        out_shape=jax.ShapeDtypeStruct((N, COUT), jnp.float32),
    )(y, part, gn_weight.reshape(1, COUT), gn_bias.reshape(1, COUT))
    return out


def kernel(s_feats, q_points, s_points, neighbor_indices, kernel_points,
           kp_weights, kp_bias, gn_weight, gn_bias):
    idx = neighbor_indices.astype(jnp.int32)
    idx = jnp.pad(idx, ((0, NPAD - N), (0, 0))).reshape(-1)
    q8 = jnp.pad(q_points, ((0, 0), (0, 5)))
    wb = kp_weights.reshape(KP * CIN, COUT)
    spx = s_points[:, 0]
    spy = s_points[:, 1]
    spz = s_points[:, 2]

    gflat, cflat = _make_sc_gather()(s_feats, spx, spy, spz, idx)
    g3 = gflat.reshape(NPAD, K, CIN)
    cf = cflat.reshape(NW * NCHUNK, 3 * CHUNK)
    px3 = cf[:, 0:CHUNK].reshape(NPAD, K)
    py3 = cf[:, CHUNK:2 * CHUNK].reshape(NPAD, K)
    pz3 = cf[:, 2 * CHUNK:3 * CHUNK].reshape(NPAD, K)

    return _tc_calls(g3, px3, py3, pz3, q8, kernel_points, wb, kp_bias,
                     gn_weight, gn_bias)

# --- scband reference (transcript-rebuilt; emitter-appended) ---
"""Pipeline reference for scband-conv-block-88167088652501 (READ-ONLY COPY).

The authoritative reference and input builder live on the scoring server;
editing this copy changes nothing except your own understanding.
"""

import jax, jax.numpy as jnp
import numpy as np

N = 10000
K = 32
C_IN = 128
C_OUT = 128
KP = 15
SIGMA = 0.6
NUM_GROUPS = 16
NEG_SLOPE = 0.1
EPS = 1e-5


def setup_inputs(seed: int = 0):
    key = jax.random.key(seed)
    ks = jax.random.split(key, 8)
    s_feats = jax.random.normal(ks[0], (N, C_IN), dtype=jnp.float32)
    q_points = jax.random.uniform(ks[1], (N, 3), dtype=jnp.float32)
    s_points = jax.random.uniform(ks[2], (N, 3), dtype=jnp.float32)
    neighbor_indices = jax.random.randint(ks[3], (N, K), 0, N, dtype=jnp.int64)
    # fixed kernel point dispositions scaled to the radius (buffer in torch)
    kernel_points = jax.random.uniform(ks[4], (KP, 3), dtype=jnp.float32, minval=-1.0, maxval=1.0)
    kp_weights = jax.random.normal(ks[5], (KP, C_IN, C_OUT), dtype=jnp.float32) * 0.02
    kp_bias = jax.random.normal(ks[6], (C_OUT,), dtype=jnp.float32) * 0.01
    gn_weight = jnp.ones((C_OUT,), dtype=jnp.float32)
    gn_bias = jnp.zeros((C_OUT,), dtype=jnp.float32)
    return {
        's_feats': s_feats,
        'q_points': q_points,
        's_points': s_points,
        'neighbor_indices': neighbor_indices,
        'kernel_points': kernel_points,
        'kp_weights': kp_weights,
        'kp_bias': kp_bias,
        'gn_weight': gn_weight,
        'gn_bias': gn_bias,
    }


def reference(s_feats, q_points, s_points, neighbor_indices, kernel_points, kp_weights, kp_bias, gn_weight, gn_bias):
    # ---- KPConv ----
    # pad support points with a far-away shadow point and feats with a zero row
    pad_pts = jnp.concatenate([s_points, jnp.full((1, 3), 1e6, dtype=s_points.dtype)], axis=0)
    neighbors = pad_pts[neighbor_indices]                      # (N, K, 3) gather
    rel = neighbors - q_points[:, None, :]                     # (N, K, 3)
    diff = rel[:, :, None, :] - kernel_points[None, None, :, :]  # (N, K, KP, 3)
    sq_dist = jnp.sum(diff * diff, axis=-1)                    # (N, K, KP)
    neighbor_weights = jnp.maximum(1.0 - jnp.sqrt(sq_dist) / SIGMA, 0.0)
    neighbor_weights = jnp.swapaxes(neighbor_weights, 1, 2)    # (N, KP, K)
    pad_feats = jnp.concatenate([s_feats, jnp.zeros((1, s_feats.shape[1]), dtype=s_feats.dtype)], axis=0)
    neighbor_feats = pad_feats[neighbor_indices]               # (N, K, C_in) gather
    weighted_feats = jnp.matmul(neighbor_weights, neighbor_feats)  # (N, KP, C_in)
    out = jnp.einsum('nkc,kcd->nd', weighted_feats, kp_weights)    # (N, C_out)
    # normalize by valid-neighbor count (KPConv convention)
    nf_sum = jnp.sum(neighbor_feats, axis=-1)                  # (N, K)
    n_num = jnp.sum(nf_sum > 0.0, axis=-1)                     # (N,)
    n_num = jnp.maximum(n_num, 1)
    out = out / n_num[:, None].astype(out.dtype)
    out = out + kp_bias
    # ---- GroupNorm over (1, C, N) layout ----
    n, c = out.shape
    g = NUM_GROUPS
    xg = out.T.reshape(g, (c // g) * n)
    mean = jnp.mean(xg, axis=1, keepdims=True)
    var = jnp.var(xg, axis=1, keepdims=True)
    xg = (xg - mean) / jnp.sqrt(var + EPS)
    xn = xg.reshape(c, n).T
    xn = xn * gn_weight + gn_bias
    # ---- LeakyReLU ----
    return jnp.where(xn >= 0, xn, NEG_SLOPE * xn)

if __name__ == "__main__":
    import jax
    _d = setup_inputs()
    print(jax.jit(kernel)(*tuple(_d.values())))

</pallas_src>

<mosaic_0001>
#map = affine_map<(d0, d1) -> (0, 0)>
#map1 = affine_map<(d0, d1) -> (0)>
module attributes {stable_mosaic.version = 14 : i64} {
  func.func @_sc_gather_body(%arg0: i32, %arg1: i32, %arg2: memref<10000x128xf32, #tpu.memory_space<hbm>>, %arg3: memref<10000xf32, #tpu.memory_space<hbm>>, %arg4: memref<10000xf32, #tpu.memory_space<hbm>>, %arg5: memref<10000xf32, #tpu.memory_space<hbm>>, %arg6: memref<327680xi32, #tpu.memory_space<hbm>>, %arg7: memref<327680x128xf32, #tpu.memory_space<hbm>>, %arg8: memref<983040xf32, #tpu.memory_space<hbm>>, %arg9: memref<10240xi32, #tpu.memory_space<vmem>>, %arg10: memref<128x128xf32, #tpu.memory_space<vmem>>, %arg11: memref<128x128xf32, #tpu.memory_space<vmem>>, %arg12: memref<128x128xf32, #tpu.memory_space<vmem>>, %arg13: memref<128x128xf32, #tpu.memory_space<vmem>>, %arg14: memref<10000xf32, #tpu.memory_space<vmem>>, %arg15: memref<10000xf32, #tpu.memory_space<vmem>>, %arg16: memref<10000xf32, #tpu.memory_space<vmem>>, %arg17: memref<384xf32, #tpu.memory_space<vmem>>, %arg18: memref<384xf32, #tpu.memory_space<vmem>>, %arg19: memref<384xf32, #tpu.memory_space<vmem>>, %arg20: memref<384xf32, #tpu.memory_space<vmem>>, %arg21: memref<!tpu.dma_semaphore, #tpu.memory_space<semaphore_mem>>, %arg22: memref<!tpu.dma_semaphore, #tpu.memory_space<semaphore_mem>>, %arg23: memref<!tpu.dma_semaphore, #tpu.memory_space<semaphore_mem>>, %arg24: memref<!tpu.dma_semaphore, #tpu.memory_space<semaphore_mem>>) attributes {dimension_semantics = [#tpu.dimension_semantics<core_parallel>, #tpu.dimension_semantics<subcore_parallel>], iteration_bounds = array<i64: 2, 16>, scalar_prefetch = 0 : i64, scratch_operands = 16 : i64, tpu.core_type = #tpu.core_type<sc_vector_subcore>, window_params = [{transform_indices = #map}, {transform_indices = #map1}, {transform_indices = #map1}, {transform_indices = #map1}, {transform_indices = #map1}, {transform_indices = #map}, {transform_indices = #map1}]} {
    %mul3A = arith.constant 2 : i32
    %mul3A_0 = arith.muli %arg1, %mul3A : i32
    %add3A = arith.addi %mul3A_0, %arg0 : i32
    %mul3A_1 = arith.constant 10240 : i32
    %mul3A_2 = arith.muli %add3A, %mul3A_1 : i32
    %mul3A_3 = arith.constant 80 : i32
    %mul3A_4 = arith.muli %add3A, %mul3A_3 : i32
    "tpu.region"() ({
      %run_scoped3A = tpu.sem_alloc : memref<!tpu.dma_semaphore, #tpu.memory_space<semaphore_mem>>
      %dma_start3A = tpu.memref_slice %arg6[%mul3A_2] : memref<327680xi32, #tpu.memory_space<hbm>> -> memref<10240xi32, #tpu.memory_space<hbm>>
      %dma_start3A_10 = tpu.memref_slice %arg6[%mul3A_2] : memref<327680xi32, #tpu.memory_space<hbm>> -> memref<10240xi32, #tpu.memory_space<hbm>>
      tpu.enqueue_dma source(%dma_start3A_10 : memref<10240xi32, #tpu.memory_space<hbm>>) target(%arg9 : memref<10240xi32, #tpu.memory_space<vmem>>) target_semaphore(%run_scoped3A : memref<!tpu.dma_semaphore, #tpu.memory_space<semaphore_mem>>)
      %dma_wait3A = tpu.memref_slice %arg6[%mul3A_2] : memref<327680xi32, #tpu.memory_space<hbm>> -> memref<10240xi32, #tpu.memory_space<hbm>>
      %dma_wait3A_11 = tpu.memref_slice %arg6[%mul3A_2] : memref<327680xi32, #tpu.memory_space<hbm>> -> memref<10240xi32, #tpu.memory_space<hbm>>
      tpu.wait_dma2 semaphore(%run_scoped3A : memref<!tpu.dma_semaphore, #tpu.memory_space<semaphore_mem>>) src(%dma_wait3A_11 : memref<10240xi32, #tpu.memory_space<hbm>>) dst(%arg9 : memref<10240xi32, #tpu.memory_space<vmem>>)
      tpu.yield
    }) : () -> ()
    "tpu.region"() ({
      %run_scoped3A = tpu.sem_alloc : memref<!tpu.dma_semaphore, #tpu.memory_space<semaphore_mem>>
      tpu.enqueue_dma source(%arg3 : memref<10000xf32, #tpu.memory_space<hbm>>) target(%arg14 : memref<10000xf32, #tpu.memory_space<vmem>>) target_semaphore(%run_scoped3A : memref<!tpu.dma_semaphore, #tpu.memory_space<semaphore_mem>>)
      tpu.wait_dma2 semaphore(%run_scoped3A : memref<!tpu.dma_semaphore, #tpu.memory_space<semaphore_mem>>) src(%arg3 : memref<10000xf32, #tpu.memory_space<hbm>>) dst(%arg14 : memref<10000xf32, #tpu.memory_space<vmem>>)
      tpu.yield
    }) : () -> ()
    "tpu.region"() ({
      %run_scoped3A = tpu.sem_alloc : memref<!tpu.dma_semaphore, #tpu.memory_space<semaphore_mem>>
      tpu.enqueue_dma source(%arg4 : memref<10000xf32, #tpu.memory_space<hbm>>) target(%arg15 : memref<10000xf32, #tpu.memory_space<vmem>>) target_semaphore(%run_scoped3A : memref<!tpu.dma_semaphore, #tpu.memory_space<semaphore_mem>>)
      tpu.wait_dma2 semaphore(%run_scoped3A : memref<!tpu.dma_semaphore, #tpu.memory_space<semaphore_mem>>) src(%arg4 : memref<10000xf32, #tpu.memory_space<hbm>>) dst(%arg15 : memref<10000xf32, #tpu.memory_space<vmem>>)
      tpu.yield
    }) : () -> ()
    "tpu.region"() ({
      %run_scoped3A = tpu.sem_alloc : memref<!tpu.dma_semaphore, #tpu.memory_space<semaphore_mem>>
      tpu.enqueue_dma source(%arg5 : memref<10000xf32, #tpu.memory_space<hbm>>) target(%arg16 : memref<10000xf32, #tpu.memory_space<vmem>>) target_semaphore(%run_scoped3A : memref<!tpu.dma_semaphore, #tpu.memory_space<semaphore_mem>>)
      tpu.wait_dma2 semaphore(%run_scoped3A : memref<!tpu.dma_semaphore, #tpu.memory_space<semaphore_mem>>) src(%arg5 : memref<10000xf32, #tpu.memory_space<hbm>>) dst(%arg16 : memref<10000xf32, #tpu.memory_space<vmem>>)
      tpu.yield
    }) : () -> ()
    %scan3A = arith.constant 0 : i32
    %scan3A_5 = arith.constant 0 : i32
    %scan3A_6 = arith.constant 10 : i32
    %scan3A_7 = arith.addi %scan3A_5, %scan3A_6 : i32
    %scan3A_8 = arith.constant 1 : i32
    scf.for %scan3A_10 = %scan3A_5 to %scan3A_7 step %scan3A_8  : i32 {
      %mul3A_11 = arith.constant 8 : i32
      %mul3A_12 = arith.muli %mul3A_11, %scan3A_10 : i32
      %add3A_13 = arith.constant 1 : i32
      %add3A_14 = arith.addi %mul3A_12, %add3A_13 : i32
      %mul3A_15 = arith.constant 128 : i32
      %mul3A_16 = arith.muli %mul3A_12, %mul3A_15 : i32
      %dma_start3A = tpu.memref_slice %arg9[%mul3A_16] : memref<10240xi32, #tpu.memory_space<vmem>> -> memref<128xi32, #tpu.memory_space<vmem>>
      %dma_start3A_17 = arith.constant 0 : i32
      %dma_start3A_18 = arith.constant 0 : i32
      %dma_start3A_19 = tpu.memref_slice %arg2[%dma_start3A_17, %dma_start3A_18] : memref<10000x128xf32, #tpu.memory_space<hbm>> -> memref<10000x128xf32, #tpu.memory_space<hbm>>
      tpu.enqueue_indirect_dma source(%dma_start3A_19 : memref<10000x128xf32, #tpu.memory_space<hbm>>) target(%arg10 : memref<128x128xf32, #tpu.memory_space<vmem>>) offsets(%dma_start3A : memref<128xi32, #tpu.memory_space<vmem>>) semaphore(%arg21 : memref<!tpu.dma_semaphore, #tpu.memory_space<semaphore_mem>>)
      %mul3A_20 = arith.constant 128 : i32
      %mul3A_21 = arith.muli %add3A_14, %mul3A_20 : i32
      %dma_start3A_22 = tpu.memref_slice %arg9[%mul3A_21] : memref<10240xi32, #tpu.memory_space<vmem>> -> memref<128xi32, #tpu.memory_space<vmem>>
      %dma_start3A_23 = arith.constant 0 : i32
      %dma_start3A_24 = arith.constant 0 : i32
      %dma_start3A_25 = tpu.memref_slice %arg2[%dma_start3A_23, %dma_start3A_24] : memref<10000x128xf32, #tpu.memory_space<hbm>> -> memref<10000x128xf32, #tpu.memory_space<hbm>>
      tpu.enqueue_indirect_dma source(%dma_start3A_25 : memref<10000x128xf32, #tpu.memory_space<hbm>>) target(%arg11 : memref<128x128xf32, #tpu.memory_space<vmem>>) offsets(%dma_start3A_22 : memref<128xi32, #tpu.memory_space<vmem>>) semaphore(%arg21 : memref<!tpu.dma_semaphore, #tpu.memory_space<semaphore_mem>>)
      %mul3A_26 = arith.constant 128 : i32
      %mul3A_27 = arith.muli %mul3A_12, %mul3A_26 : i32
      %add3A_28 = arith.constant 0 : i32
      %add3A_29 = arith.addi %mul3A_27, %add3A_28 : i32
      %get3A = arith.index_cast %add3A_29 : i32 to index
      %get3A_30 = tpu.vector_load %arg9[%get3A] {strides = array<i32>} : memref<10240xi32, #tpu.memory_space<vmem>>, vector<16xi32>,
      %gather3A = tpu.vector_load_idx %arg14[%get3A_30] : memref<10000xf32, #tpu.memory_space<vmem>>[vector<16xi32>], vector<16xf32>,
      %swap3A = arith.constant 0 : index
      %swap3A_31 = tpu.vector_load %arg17[%swap3A] {strides = array<i32>} : memref<384xf32, #tpu.memory_space<vmem>>, vector<16xf32>,
      tpu.vector_store %arg17[%swap3A], %gather3A {strides = array<i32>} : memref<384xf32, #tpu.memory_space<vmem>>, vector<16xf32>,
      %gather3A_32 = tpu.vector_load_idx %arg15[%get3A_30] : memref<10000xf32, #tpu.memory_space<vmem>>[vector<16xi32>], vector<16xf32>,
      %swap3A_33 = arith.constant 128 : index
      %swap3A_34 = tpu.vector_load %arg17[%swap3A_33] {strides = array<i32>} : memref<384xf32, #tpu.memory_space<vmem>>, vector<16xf32>,
      tpu.vector_store %arg17[%swap3A_33], %gather3A_32 {strides = array<i32>} : memref<384xf32, #tpu.memory_space<vmem>>, vector<16xf32>,
      %gather3A_35 = tpu.vector_load_idx %arg16[%get3A_30] : memref<10000xf32, #tpu.memory_space<vmem>>[vector<16xi32>], vector<16xf32>,
      %swap3A_36 = arith.constant 256 : index
      %swap3A_37 = tpu.vector_load %arg17[%swap3A_36] {strides = array<i32>} : memref<384xf32, #tpu.memory_space<vmem>>, vector<16xf32>,
      tpu.vector_store %arg17[%swap3A_36], %gather3A_35 {strides = array<i32>} : memref<384xf32, #tpu.memory_space<vmem>>, vector<16xf32>,
      %mul3A_38 = arith.constant 128 : i32
      %mul3A_39 = arith.muli %mul3A_12, %mul3A_38 : i32
      %add3A_40 = arith.constant 16 : i32
      %add3A_41 = arith.addi %mul3A_39, %add3A_40 : i32
      %get3A_42 = arith.index_cast %add3A_41 : i32 to index
      %get3A_43 = tpu.vector_load %arg9[%get3A_42] {strides = array<i32>} : memref<10240xi32, #tpu.memory_space<vmem>>, vector<16xi32>,
      %gather3A_44 = tpu.vector_load_idx %arg14[%get3A_43] : memref<10000xf32, #tpu.memory_space<vmem>>[vector<16xi32>], vector<16xf32>,
      %swap3A_45 = arith.constant 16 : index
      %swap3A_46 = tpu.vector_load %arg17[%swap3A_45] {strides = array<i32>} : memref<384xf32, #tpu.memory_space<vmem>>, vector<16xf32>,
      tpu.vector_store %arg17[%swap3A_45], %gather3A_44 {strides = array<i32>} : memref<384xf32, #tpu.memory_space<vmem>>, vector<16xf32>,
      %gather3A_47 = tpu.vector_load_idx %arg15[%get3A_43] : memref<10000xf32, #tpu.memory_space<vmem>>[vector<16xi32>], vector<16xf32>,
      %swap3A_48 = arith.constant 144 : index
      %swap3A_49 = tpu.vector_load %arg17[%swap3A_48] {strides = array<i32>} : memref<384xf32, #tpu.memory_space<vmem>>, vector<16xf32>,
      tpu.vector_store %arg17[%swap3A_48], %gather3A_47 {strides = array<i32>} : memref<384xf32, #tpu.memory_space<vmem>>, vector<16xf32>,
      %gather3A_50 = tpu.vector_load_idx %arg16[%get3A_43] : memref<10000xf32, #tpu.memory_space<vmem>>[vector<16xi32>], vector<16xf32>,
      %swap3A_51 = arith.constant 272 : index
      %swap3A_52 = tpu.vector_load %arg17[%swap3A_51] {strides = array<i32>} : memref<384xf32, #tpu.memory_space<vmem>>, vector<16xf32>,
      tpu.vector_store %arg17[%swap3A_51], %gather3A_50 {strides = array<i32>} : memref<384xf32, #tpu.memory_space<vmem>>, vector<16xf32>,
      %mul3A_53 = arith.constant 128 : i32
      %mul3A_54 = arith.muli %mul3A_12, %mul3A_53 : i32
      %add3A_55 = arith.constant 32 : i32
      %add3A_56 = arith.addi %mul3A_54, %add3A_55 : i32
      %get3A_57 = arith.index_cast %add3A_56 : i32 to index
      %get3A_58 = tpu.vector_load %arg9[%get3A_57] {strides = array<i32>} : memref<10240xi32, #tpu.memory_space<vmem>>, vector<16xi32>,
      %gather3A_59 = tpu.vector_load_idx %arg14[%get3A_58] : memref<10000xf32, #tpu.memory_space<vmem>>[vector<16xi32>], vector<16xf32>,
      %swap3A_60 = arith.constant 32 : index
      %swap3A_61 = tpu.vector_load %arg17[%swap3A_60] {strides = array<i32>} : memref<384xf32, #tpu.memory_space<vmem>>, vector<16xf32>,
      tpu.vector_store %arg17[%swap3A_60], %gather3A_59 {strides = array<i32>} : memref<384xf32, #tpu.memory_space<vmem>>, vector<16xf32>,
      %gather3A_62 = tpu.vector_load_idx %arg15[%get3A_58] : memref<10000xf32, #tpu.memory_space<vmem>>[vector<16xi32>], vector<16xf32>,
      %swap3A_63 = arith.constant 160 : index
      %swap3A_64 = tpu.vector_load %arg17[%swap3A_63] {strides = array<i32>} : memref<384xf32, #tpu.memory_space<vmem>>, vector<16xf32>,
      tpu.vector_store %arg17[%swap3A_63], %gather3A_62 {strides = array<i32>} : memref<384xf32, #tpu.memory_space<vmem>>, vector<16xf32>,
      %gather3A_65 = tpu.vector_load_idx %arg16[%get3A_58] : memref<10000xf32, #tpu.memory_space<vmem>>[vector<16xi32>], vector<16xf32>,
      %swap3A_66 = arith.constant 288 : index
      %swap3A_67 = tpu.vector_load %arg17[%swap3A_66] {strides = array<i32>} : memref<384xf32, #tpu.memory_space<vmem>>, vector<16xf32>,
      tpu.vector_store %arg17[%swap3A_66], %gather3A_65 {strides = array<i32>} : memref<384xf32, #tpu.memory_space<vmem>>, vector<16xf32>,
      %mul3A_68 = arith.constant 128 : i32
      %mul3A_69 = arith.muli %mul3A_12, %mul3A_68 : i32
      %add3A_70 = arith.constant 48 : i32
      %add3A_71 = arith.addi %mul3A_69, %add3A_70 : i32
      %get3A_72 = arith.index_cast %add3A_71 : i32 to index
      %get3A_73 = tpu.vector_load %arg9[%get3A_72] {strides = array<i32>} : memref<10240xi32, #tpu.memory_space<vmem>>, vector<16xi32>,
      %gather3A_74 = tpu.vector_load_idx %arg14[%get3A_73] : memref<10000xf32, #tpu.memory_space<vmem>>[vector<16xi32>], vector<16xf32>,
      %swap3A_75 = arith.constant 48 : index
      %swap3A_76 = tpu.vector_load %arg17[%swap3A_75] {strides = array<i32>} : memref<384xf32, #tpu.memory_space<vmem>>, vector<16xf32>,
      tpu.vector_store %arg17[%swap3A_75], %gather3A_74 {strides = array<i32>} : memref<384xf32, #tpu.memory_space<vmem>>, vector<16xf32>,
      %gather3A_77 = tpu.vector_load_idx %arg15[%get3A_73] : memref<10000xf32, #tpu.memory_space<vmem>>[vector<16xi32>], vector<16xf32>,
      %swap3A_78 = arith.constant 176 : index
      %swap3A_79 = tpu.vector_load %arg17[%swap3A_78] {strides = array<i32>} : memref<384xf32, #tpu.memory_space<vmem>>, vector<16xf32>,
      tpu.vector_store %arg17[%swap3A_78], %gather3A_77 {strides = array<i32>} : memref<384xf32, #tpu.memory_space<vmem>>, vector<16xf32>,
      %gather3A_80 = tpu.vector_load_idx %arg16[%get3A_73] : memref<10000xf32, #tpu.memory_space<vmem>>[vector<16xi32>], vector<16xf32>,
      %swap3A_81 = arith.constant 304 : index
      %swap3A_82 = tpu.vector_load %arg17[%swap3A_81] {strides = array<i32>} : memref<384xf32, #tpu.memory_space<vmem>>, vector<16xf32>,
      tpu.vector_store %arg17[%swap3A_81], %gather3A_80 {strides = array<i32>} : memref<384xf32, #tpu.memory_space<vmem>>, vector<16xf32>,
      %mul3A_83 = arith.constant 128 : i32
      %mul3A_84 = arith.muli %mul3A_12, %mul3A_83 : i32
      %add3A_85 = arith.constant 64 : i32
      %add3A_86 = arith.addi %mul3A_84, %add3A_85 : i32
      %get3A_87 = arith.index_cast %add3A_86 : i32 to index
      %get3A_88 = tpu.vector_load %arg9[%get3A_87] {strides = array<i32>} : memref<10240xi32, #tpu.memory_space<vmem>>, vector<16xi32>,
      %gather3A_89 = tpu.vector_load_idx %arg14[%get3A_88] : memref<10000xf32, #tpu.memory_space<vmem>>[vector<16xi32>], vector<16xf32>,
      %swap3A_90 = arith.constant 64 : index
      %swap3A_91 = tpu.vector_load %arg17[%swap3A_90] {strides = array<i32>} : memref<384xf32, #tpu.memory_space<vmem>>, vector<16xf32>,
      tpu.vector_store %arg17[%swap3A_90], %gather3A_89 {strides = array<i32>} : memref<384xf32, #tpu.memory_space<vmem>>, vector<16xf32>,
      %gather3A_92 = tpu.vector_load_idx %arg15[%get3A_88] : memref<10000xf32, #tpu.memory_space<vmem>>[vector<16xi32>], vector<16xf32>,
      %swap3A_93 = arith.constant 192 : index
      %swap3A_94 = tpu.vector_load %arg17[%swap3A_93] {strides = array<i32>} : memref<384xf32, #tpu.memory_space<vmem>>, vector<16xf32>,
      tpu.vector_store %arg17[%swap3A_93], %gather3A_92 {strides = array<i32>} : memref<384xf32, #tpu.memory_space<vmem>>, vector<16xf32>,
      %gather3A_95 = tpu.vector_load_idx %arg16[%get3A_88] : memref<10000xf32, #tpu.memory_space<vmem>>[vector<16xi32>], vector<16xf32>,
      %swap3A_96 = arith.constant 320 : index
      %swap3A_97 = tpu.vector_load %arg17[%swap3A_96] {strides = array<i32>} : memref<384xf32, #tpu.memory_space<vmem>>, vector<16xf32>,
      tpu.vector_store %arg17[%swap3A_96], %gather3A_95 {strides = array<i32>} : memref<384xf32, #tpu.memory_space<vmem>>, vector<16xf32>,
      %mul3A_98 = arith.constant 128 : i32
      %mul3A_99 = arith.muli %mul3A_12, %mul3A_98 : i32
      %add3A_100 = arith.constant 80 : i32
      %add3A_101 = arith.addi %mul3A_99, %add3A_100 : i32
      %get3A_102 = arith.index_cast %add3A_101 : i32 to index
      %get3A_103 = tpu.vector_load %arg9[%get3A_102] {strides = array<i32>} : memref<10240xi32, #tpu.memory_space<vmem>>, vector<16xi32>,
      %gather3A_104 = tpu.vector_load_idx %arg14[%get3A_103] : memref<10000xf32, #tpu.memory_space<vmem>>[vector<16xi32>], vector<16xf32>,
      %swap3A_105 = arith.constant 80 : index
      %swap3A_106 = tpu.vector_load %arg17[%swap3A_105] {strides = array<i32>} : memref<384xf32, #tpu.memory_space<vmem>>, vector<16xf32>,
      tpu.vector_store %arg17[%swap3A_105], %gather3A_104 {strides = array<i32>} : memref<384xf32, #tpu.memory_space<vmem>>, vector<16xf32>,
      %gather3A_107 = tpu.vector_load_idx %arg15[%get3A_103] : memref<10000xf32, #tpu.memory_space<vmem>>[vector<16xi32>], vector<16xf32>,
      %swap3A_108 = arith.constant 208 : index
      %swap3A_109 = tpu.vector_load %arg17[%swap3A_108] {strides = array<i32>} : memref<384xf32, #tpu.memory_space<vmem>>, vector<16xf32>,
      tpu.vector_store %arg17[%swap3A_108], %gather3A_107 {strides = array<i32>} : memref<384xf32, #tpu.memory_space<vmem>>, vector<16xf32>,
      %gather3A_110 = tpu.vector_load_idx %arg16[%get3A_103] : memref<10000xf32, #tpu.memory_space<vmem>>[vector<16xi32>], vector<16xf32>,
      %swap3A_111 = arith.constant 336 : index
      %swap3A_112 = tpu.vector_load %arg17[%swap3A_111] {strides = array<i32>} : memref<384xf32, #tpu.memory_space<vmem>>, vector<16xf32>,
      tpu.vector_store %arg17[%swap3A_111], %gather3A_110 {strides = array<i32>} : memref<384xf32, #tpu.memory_space<vmem>>, vector<16xf32>,
      %mul3A_113 = arith.constant 128 : i32
      %mul3A_114 = arith.muli %mul3A_12, %mul3A_113 : i32
      %add3A_115 = arith.constant 96 : i32
      %add3A_116 = arith.addi %mul3A_114, %add3A_115 : i32
      %get3A_117 = arith.index_cast %add3A_116 : i32 to index
      %get3A_118 = tpu.vector_load %arg9[%get3A_117] {strides = array<i32>} : memref<10240xi32, #tpu.memory_space<vmem>>, vector<16xi32>,
      %gather3A_119 = tpu.vector_load_idx %arg14[%get3A_118] : memref<10000xf32, #tpu.memory_space<vmem>>[vector<16xi32>], vector<16xf32>,
      %swap3A_120 = arith.constant 96 : index
      %swap3A_121 = tpu.vector_load %arg17[%swap3A_120] {strides = array<i32>} : memref<384xf32, #tpu.memory_space<vmem>>, vector<16xf32>,
      tpu.vector_store %arg17[%swap3A_120], %gather3A_119 {strides = array<i32>} : memref<384xf32, #tpu.memory_space<vmem>>, vector<16xf32>,
      %gather3A_122 = tpu.vector_load_idx %arg15[%get3A_118] : memref<10000xf32, #tpu.memory_space<vmem>>[vector<16xi32>], vector<16xf32>,
      %swap3A_123 = arith.constant 224 : index
      %swap3A_124 = tpu.vector_load %arg17[%swap3A_123] {strides = array<i32>} : memref<384xf32, #tpu.memory_space<vmem>>, vector<16xf32>,
      tpu.vector_store %arg17[%swap3A_123], %gather3A_122 {strides = array<i32>} : memref<384xf32, #tpu.memory_space<vmem>>, vector<16xf32>,
      %gather3A_125 = tpu.vector_load_idx %arg16[%get3A_118] : memref<10000xf32, #tpu.memory_space<vmem>>[vector<16xi32>], vector<16xf32>,
      %swap3A_126 = arith.constant 352 : index
      %swap3A_127 = tpu.vector_load %arg17[%swap3A_126] {strides = array<i32>} : memref<384xf32, #tpu.memory_space<vmem>>, vector<16xf32>,
      tpu.vector_store %arg17[%swap3A_126], %gather3A_125 {strides = array<i32>} : memref<384xf32, #tpu.memory_space<vmem>>, vector<16xf32>,
      %mul3A_128 = arith.constant 128 : i32
      %mul3A_129 = arith.muli %mul3A_12, %mul3A_128 : i32
      %add3A_130 = arith.constant 112 : i32
      %add3A_131 = arith.addi %mul3A_129, %add3A_130 : i32
      %get3A_132 = arith.index_cast %add3A_131 : i32 to index
      %get3A_133 = tpu.vector_load %arg9[%get3A_132] {strides = array<i32>} : memref<10240xi32, #tpu.memory_space<vmem>>, vector<16xi32>,
      %gather3A_134 = tpu.vector_load_idx %arg14[%get3A_133] : memref<10000xf32, #tpu.memory_space<vmem>>[vector<16xi32>], vector<16xf32>,
      %swap3A_135 = arith.constant 112 : index
      %swap3A_136 = tpu.vector_load %arg17[%swap3A_135] {strides = array<i32>} : memref<384xf32, #tpu.memory_space<vmem>>, vector<16xf32>,
      tpu.vector_store %arg17[%swap3A_135], %gather3A_134 {strides = array<i32>} : memref<384xf32, #tpu.memory_space<vmem>>, vector<16xf32>,
      %gather3A_137 = tpu.vector_load_idx %arg15[%get3A_133] : memref<10000xf32, #tpu.memory_space<vmem>>[vector<16xi32>], vector<16xf32>,
      %swap3A_138 = arith.constant 240 : index
      %swap3A_139 = tpu.vector_load %arg17[%swap3A_138] {strides = array<i32>} : memref<384xf32, #tpu.memory_space<vmem>>, vector<16xf32>,
      tpu.vector_store %arg17[%swap3A_138], %gather3A_137 {strides = array<i32>} : memref<384xf32, #tpu.memory_space<vmem>>, vector<16xf32>,
      %gather3A_140 = tpu.vector_load_idx %arg16[%get3A_133] : memref<10000xf32, #tpu.memory_space<vmem>>[vector<16xi32>], vector<16xf32>,
      %swap3A_141 = arith.constant 368 : index
      %swap3A_142 = tpu.vector_load %arg17[%swap3A_141] {strides = array<i32>} : memref<384xf32, #tpu.memory_space<vmem>>, vector<16xf32>,
      tpu.vector_store %arg17[%swap3A_141], %gather3A_140 {strides = array<i32>} : memref<384xf32, #tpu.memory_space<vmem>>, vector<16xf32>,
      %mul3A_143 = arith.constant 128 : i32
      %mul3A_144 = arith.muli %add3A_14, %mul3A_143 : i32
      %add3A_145 = arith.constant 0 : i32
      %add3A_146 = arith.addi %mul3A_144, %add3A_145 : i32
      %get3A_147 = arith.index_cast %add3A_146 : i32 to index
      %get3A_148 = tpu.vector_load %arg9[%get3A_147] {strides = array<i32>} : memref<10240xi32, #tpu.memory_space<vmem>>, vector<16xi32>,
      %gather3A_149 = tpu.vector_load_idx %arg14[%get3A_148] : memref<10000xf32, #tpu.memory_space<vmem>>[vector<16xi32>], vector<16xf32>,
      %swap3A_150 = arith.constant 0 : index
      %swap3A_151 = tpu.vector_load %arg18[%swap3A_150] {strides = array<i32>} : memref<384xf32, #tpu.memory_space<vmem>>, vector<16xf32>,
      tpu.vector_store %arg18[%swap3A_150], %gather3A_149 {strides = array<i32>} : memref<384xf32, #tpu.memory_space<vmem>>, vector<16xf32>,
      %gather3A_152 = tpu.vector_load_idx %arg15[%get3A_148] : memref<10000xf32, #tpu.memory_space<vmem>>[vector<16xi32>], vector<16xf32>,
      %swap3A_153 = arith.constant 128 : index
      %swap3A_154 = tpu.vector_load %arg18[%swap3A_153] {strides = array<i32>} : memref<384xf32, #tpu.memory_space<vmem>>, vector<16xf32>,
      tpu.vector_store %arg18[%swap3A_153], %gather3A_152 {strides = array<i32>} : memref<384xf32, #tpu.memory_space<vmem>>, vector<16xf32>,
      %gather3A_155 = tpu.vector_load_idx %arg16[%get3A_148] : memref<10000xf32, #tpu.memory_space<vmem>>[vector<16xi32>], vector<16xf32>,
      %swap3A_156 = arith.constant 256 : index
      %swap3A_157 = tpu.vector_load %arg18[%swap3A_156] {strides = array<i32>} : memref<384xf32, #tpu.memory_space<vmem>>, vector<16xf32>,
      tpu.vector_store %arg18[%swap3A_156], %gather3A_155 {strides = array<i32>} : memref<384xf32, #tpu.memory_space<vmem>>, vector<16xf32>,
      %mul3A_158 = arith.constant 128 : i32
      %mul3A_159 = arith.muli %add3A_14, %mul3A_158 : i32
      %add3A_160 = arith.constant 16 : i32
      %add3A_161 = arith.addi %mul3A_159, %add3A_160 : i32
      %get3A_162 = arith.index_cast %add3A_161 : i32 to index
      %get3A_163 = tpu.vector_load %arg9[%get3A_162] {strides = array<i32>} : memref<10240xi32, #tpu.memory_space<vmem>>, vector<16xi32>,
      %gather3A_164 = tpu.vector_load_idx %arg14[%get3A_163] : memref<10000xf32, #tpu.memory_space<vmem>>[vector<16xi32>], vector<16xf32>,
      %swap3A_165 = arith.constant 16 : index
      %swap3A_166 = tpu.vector_load %arg18[%swap3A_165] {strides = array<i32>} : memref<384xf32, #tpu.memory_space<vmem>>, vector<16xf32>,
      tpu.vector_store %arg18[%swap3A_165], %gather3A_164 {strides = array<i32>} : memref<384xf32, #tpu.memory_space<vmem>>, vector<16xf32>,
      %gather3A_167 = tpu.vector_load_idx %arg15[%get3A_163] : memref<10000xf32, #tpu.memory_space<vmem>>[vector<16xi32>], vector<16xf32>,
      %swap3A_168 = arith.constant 144 : index
      %swap3A_169 = tpu.vector_load %arg18[%swap3A_168] {strides = array<i32>} : memref<384xf32, #tpu.memory_space<vmem>>, vector<16xf32>,
      tpu.vector_store %arg18[%swap3A_168], %gather3A_167 {strides = array<i32>} : memref<384xf32, #tpu.memory_space<vmem>>, vector<16xf32>,
      %gather3A_170 = tpu.vector_load_idx %arg16[%get3A_163] : memref<10000xf32, #tpu.memory_space<vmem>>[vector<16xi32>], vector<16xf32>,
      %swap3A_171 = arith.constant 272 : index
      %swap3A_172 = tpu.vector_load %arg18[%swap3A_171] {strides = array<i32>} : memref<384xf32, #tpu.memory_space<vmem>>, vector<16xf32>,
      tpu.vector_store %arg18[%swap3A_171], %gather3A_170 {strides = array<i32>} : memref<384xf32, #tpu.memory_space<vmem>>, vector<16xf32>,
      %mul3A_173 = arith.constant 128 : i32
      %mul3A_174 = arith.muli %add3A_14, %mul3A_173 : i32
      %add3A_175 = arith.constant 32 : i32
      %add3A_176 = arith.addi %mul3A_174, %add3A_175 : i32
      %get3A_177 = arith.index_cast %add3A_176 : i32 to index
      %get3A_178 = tpu.vector_load %arg9[%get3A_177] {strides = array<i32>} : memref<10240xi32, #tpu.memory_space<vmem>>, vector<16xi32>,
      %gather3A_179 = tpu.vector_load_idx %arg14[%get3A_178] : memref<10000xf32, #tpu.memory_space<vmem>>[vector<16xi32>], vector<16xf32>,
      %swap3A_180 = arith.constant 32 : index
      %swap3A_181 = tpu.vector_load %arg18[%swap3A_180] {strides = array<i32>} : memref<384xf32, #tpu.memory_space<vmem>>, vector<16xf32>,
      tpu.vector_store %arg18[%swap3A_180], %gather3A_179 {strides = array<i32>} : memref<384xf32, #tpu.memory_space<vmem>>, vector<16xf32>,
      %gather3A_182 = tpu.vector_load_idx %arg15[%get3A_178] : memref<10000xf32, #tpu.memory_space<vmem>>[vector<16xi32>], vector<16xf32>,
      %swap3A_183 = arith.constant 160 : index
      %swap3A_184 = tpu.vector_load %arg18[%swap3A_183] {strides = array<i32>} : memref<384xf32, #tpu.memory_space<vmem>>, vector<16xf32>,
      tpu.vector_store %arg18[%swap3A_183], %gather3A_182 {strides = array<i32>} : memref<384xf32, #tpu.memory_space<vmem>>, vector<16xf32>,
      %gather3A_185 = tpu.vector_load_idx %arg16[%get3A_178] : memref<10000xf32, #tpu.memory_space<vmem>>[vector<16xi32>], vector<16xf32>,
      %swap3A_186 = arith.constant 288 : index
      %swap3A_187 = tpu.vector_load %arg18[%swap3A_186] {strides = array<i32>} : memref<384xf32, #tpu.memory_space<vmem>>, vector<16xf32>,
      tpu.vector_store %arg18[%swap3A_186], %gather3A_185 {strides = array<i32>} : memref<384xf32, #tpu.memory_space<vmem>>, vector<16xf32>,
      %mul3A_188 = arith.constant 128 : i32
      %mul3A_189 = arith.muli %add3A_14, %mul3A_188 : i32
      %add3A_190 = arith.constant 48 : i32
      %add3A_191 = arith.addi %mul3A_189, %add3A_190 : i32
      %get3A_192 = arith.index_cast %add3A_191 : i32 to index
      %get3A_193 = tpu.vector_load %arg9[%get3A_192] {strides = array<i32>} : memref<10240xi32, #tpu.memory_space<vmem>>, vector<16xi32>,
      %gather3A_194 = tpu.vector_load_idx %arg14[%get3A_193] : memref<10000xf32, #tpu.memory_space<vmem>>[vector<16xi32>], vector<16xf32>,
      %swap3A_195 = arith.constant 48 : index
      %swap3A_196 = tpu.vector_load %arg18[%swap3A_195] {strides = array<i32>} : memref<384xf32, #tpu.memory_space<vmem>>, vector<16xf32>,
      tpu.vector_store %arg18[%swap3A_195], %gather3A_194 {strides = array<i32>} : memref<384xf32, #tpu.memory_space<vmem>>, vector<16xf32>,
      %gather3A_197 = tpu.vector_load_idx %arg15[%get3A_193] : memref<10000xf32, #tpu.memory_space<vmem>>[vector<16xi32>], vector<16xf32>,
      %swap3A_198 = arith.constant 176 : index
      %swap3A_199 = tpu.vector_load %arg18[%swap3A_198] {strides = array<i32>} : memref<384xf32, #tpu.memory_space<vmem>>, vector<16xf32>,
      tpu.vector_store %arg18[%swap3A_198], %gather3A_197 {strides = array<i32>} : memref<384xf32, #tpu.memory_space<vmem>>, vector<16xf32>,
      %gather3A_200 = tpu.vector_load_idx %arg16[%get3A_193] : memref<10000xf32, #tpu.memory_space<vmem>>[vector<16xi32>], vector<16xf32>,
      %swap3A_201 = arith.constant 304 : index
      %swap3A_202 = tpu.vector_load %arg18[%swap3A_201] {strides = array<i32>} : memref<384xf32, #tpu.memory_space<vmem>>, vector<16xf32>,
      tpu.vector_store %arg18[%swap3A_201], %gather3A_200 {strides = array<i32>} : memref<384xf32, #tpu.memory_space<vmem>>, vector<16xf32>,
      %mul3A_203 = arith.constant 128 : i32
      %mul3A_204 = arith.muli %add3A_14, %mul3A_203 : i32
      %add3A_205 = arith.constant 64 : i32
      %add3A_206 = arith.addi %mul3A_204, %add3A_205 : i32
      %get3A_207 = arith.index_cast %add3A_206 : i32 to index
      %get3A_208 = tpu.vector_load %arg9[%get3A_207] {strides = array<i32>} : memref<10240xi32, #tpu.memory_space<vmem>>, vector<16xi32>,
      %gather3A_209 = tpu.vector_load_idx %arg14[%get3A_208] : memref<10000xf32, #tpu.memory_space<vmem>>[vector<16xi32>], vector<16xf32>,
      %swap3A_210 = arith.constant 64 : index
      %swap3A_211 = tpu.vector_load %arg18[%swap3A_210] {strides = array<i32>} : memref<384xf32, #tpu.memory_space<vmem>>, vector<16xf32>,
      tpu.vector_store %arg18[%swap3A_210], %gather3A_209 {strides = array<i32>} : memref<384xf32, #tpu.memory_space<vmem>>, vector<16xf32>,
      %gather3A_212 = tpu.vector_load_idx %arg15[%get3A_208] : memref<10000xf32, #tpu.memory_space<vmem>>[vector<16xi32>], vector<16xf32>,
      %swap3A_213 = arith.constant 192 : index
      %swap3A_214 = tpu.vector_load %arg18[%swap3A_213] {strides = array<i32>} : memref<384xf32, #tpu.memory_space<vmem>>, vector<16xf32>,
      tpu.vector_store %arg18[%swap3A_213], %gather3A_212 {strides = array<i32>} : memref<384xf32, #tpu.memory_space<vmem>>, vector<16xf32>,
      %gather3A_215 = tpu.vector_load_idx %arg16[%get3A_208] : memref<10000xf32, #tpu.memory_space<vmem>>[vector<16xi32>], vector<16xf32>,
      %swap3A_216 = arith.constant 320 : index
      %swap3A_217 = tpu.vector_load %arg18[%swap3A_216] {strides = array<i32>} : memref<384xf32, #tpu.memory_space<vmem>>, vector<16xf32>,
      tpu.vector_store %arg18[%swap3A_216], %gather3A_215 {strides = array<i32>} : memref<384xf32, #tpu.memory_space<vmem>>, vector<16xf32>,
      %mul3A_218 = arith.constant 128 : i32
      %mul3A_219 = arith.muli %add3A_14, %mul3A_218 : i32
      %add3A_220 = arith.constant 80 : i32
      %add3A_221 = arith.addi %mul3A_219, %add3A_220 : i32
      %get3A_222 = arith.index_cast %add3A_221 : i32 to index
      %get3A_223 = tpu.vector_load %arg9[%get3A_222] {strides = array<i32>} : memref<10240xi32, #tpu.memory_space<vmem>>, vector<16xi32>,
      %gather3A_224 = tpu.vector_load_idx %arg14[%get3A_223] : memref<10000xf32, #tpu.memory_space<vmem>>[vector<16xi32>], vector<16xf32>,
      %swap3A_225 = arith.constant 80 : index
      %swap3A_226 = tpu.vector_load %arg18[%swap3A_225] {strides = array<i32>} : memref<384xf32, #tpu.memory_space<vmem>>, vector<16xf32>,
      tpu.vector_store %arg18[%swap3A_225], %gather3A_224 {strides = array<i32>} : memref<384xf32, #tpu.memory_space<vmem>>, vector<16xf32>,
      %gather3A_227 = tpu.vector_load_idx %arg15[%get3A_223] : memref<10000xf32, #tpu.memory_space<vmem>>[vector<16xi32>], vector<16xf32>,
      %swap3A_228 = arith.constant 208 : index
      %swap3A_229 = tpu.vector_load %arg18[%swap3A_228] {strides = array<i32>} : memref<384xf32, #tpu.memory_space<vmem>>, vector<16xf32>,
      tpu.vector_store %arg18[%swap3A_228], %gather3A_227 {strides = array<i32>} : memref<384xf32, #tpu.memory_space<vmem>>, vector<16xf32>,
      %gather3A_230 = tpu.vector_load_idx %arg16[%get3A_223] : memref<10000xf32, #tpu.memory_space<vmem>>[vector<16xi32>], vector<16xf32>,
      %swap3A_231 = arith.constant 336 : index
      %swap3A_232 = tpu.vector_load %arg18[%swap3A_231] {strides = array<i32>} : memref<384xf32, #tpu.memory_space<vmem>>, vector<16xf32>,
      tpu.vector_store %arg18[%swap3A_231], %gather3A_230 {strides = array<i32>} : memref<384xf32, #tpu.memory_space<vmem>>, vector<16xf32>,
      %mul3A_233 = arith.constant 128 : i32
      %mul3A_234 = arith.muli %add3A_14, %mul3A_233 : i32
      %add3A_235 = arith.constant 96 : i32
      %add3A_236 = arith.addi %mul3A_234, %add3A_235 : i32
      %get3A_237 = arith.index_cast %add3A_236 : i32 to index
      %get3A_238 = tpu.vector_load %arg9[%get3A_237] {strides = array<i32>} : memref<10240xi32, #tpu.memory_space<vmem>>, vector<16xi32>,
      %gather3A_239 = tpu.vector_load_idx %arg14[%get3A_238] : memref<10000xf32, #tpu.memory_space<vmem>>[vector<16xi32>], vector<16xf32>,
      %swap3A_240 = arith.constant 96 : index
      %swap3A_241 = tpu.vector_load %arg18[%swap3A_240] {strides = array<i32>} : memref<384xf32, #tpu.memory_space<vmem>>, vector<16xf32>,
      tpu.vector_store %arg18[%swap3A_240], %gather3A_239 {strides = array<i32>} : memref<384xf32, #tpu.memory_space<vmem>>, vector<16xf32>,
      %gather3A_242 = tpu.vector_load_idx %arg15[%get3A_238] : memref<10000xf32, #tpu.memory_space<vmem>>[vector<16xi32>], vector<16xf32>,
      %swap3A_243 = arith.constant 224 : index
      %swap3A_244 = tpu.vector_load %arg18[%swap3A_243] {strides = array<i32>} : memref<384xf32, #tpu.memory_space<vmem>>, vector<16xf32>,
      tpu.vector_store %arg18[%swap3A_243], %gather3A_242 {strides = array<i32>} : memref<384xf32, #tpu.memory_space<vmem>>, vector<16xf32>,
      %gather3A_245 = tpu.vector_load_idx %arg16[%get3A_238] : memref<10000xf32, #tpu.memory_space<vmem>>[vector<16xi32>], vector<16xf32>,
      %swap3A_246 = arith.constant 352 : index
      %swap3A_247 = tpu.vector_load %arg18[%swap3A_246] {strides = array<i32>} : memref<384xf32, #tpu.memory_space<vmem>>, vector<16xf32>,
      tpu.vector_store %arg18[%swap3A_246], %gather3A_245 {strides = array<i32>} : memref<384xf32, #tpu.memory_space<vmem>>, vector<16xf32>,
      %mul3A_248 = arith.constant 128 : i32
      %mul3A_249 = arith.muli %add3A_14, %mul3A_248 : i32
      %add3A_250 = arith.constant 112 : i32
      %add3A_251 = arith.addi %mul3A_249, %add3A_250 : i32
      %get3A_252 = arith.index_cast %add3A_251 : i32 to index
      %get3A_253 = tpu.vector_load %arg9[%get3A_252] {strides = array<i32>} : memref<10240xi32, #tpu.memory_space<vmem>>, vector<16xi32>,
      %gather3A_254 = tpu.vector_load_idx %arg14[%get3A_253] : memref<10000xf32, #tpu.memory_space<vmem>>[vector<16xi32>], vector<16xf32>,
      %swap3A_255 = arith.constant 112 : index
      %swap3A_256 = tpu.vector_load %arg18[%swap3A_255] {strides = array<i32>} : memref<384xf32, #tpu.memory_space<vmem>>, vector<16xf32>,
      tpu.vector_store %arg18[%swap3A_255], %gather3A_254 {strides = array<i32>} : memref<384xf32, #tpu.memory_space<vmem>>, vector<16xf32>,
      %gather3A_257 = tpu.vector_load_idx %arg15[%get3A_253] : memref<10000xf32, #tpu.memory_space<vmem>>[vector<16xi32>], vector<16xf32>,
      %swap3A_258 = arith.constant 240 : index
      %swap3A_259 = tpu.vector_load %arg18[%swap3A_258] {strides = array<i32>} : memref<384xf32, #tpu.memory_space<vmem>>, vector<16xf32>,
      tpu.vector_store %arg18[%swap3A_258], %gather3A_257 {strides = array<i32>} : memref<384xf32, #tpu.memory_space<vmem>>, vector<16xf32>,
      %gather3A_260 = tpu.vector_load_idx %arg16[%get3A_253] : memref<10000xf32, #tpu.memory_space<vmem>>[vector<16xi32>], vector<16xf32>,
      %swap3A_261 = arith.constant 368 : index
      %swap3A_262 = tpu.vector_load %arg18[%swap3A_261] {strides = array<i32>} : memref<384xf32, #tpu.memory_space<vmem>>, vector<16xf32>,
      tpu.vector_store %arg18[%swap3A_261], %gather3A_260 {strides = array<i32>} : memref<384xf32, #tpu.memory_space<vmem>>, vector<16xf32>,
      %dma_wait3A = tpu.memref_slice %arg9[%mul3A_16] : memref<10240xi32, #tpu.memory_space<vmem>> -> memref<128xi32, #tpu.memory_space<vmem>>
      %dma_wait3A_263 = arith.constant 0 : i32
      %dma_wait3A_264 = arith.constant 0 : i32
      %dma_wait3A_265 = tpu.memref_slice %arg2[%dma_wait3A_263, %dma_wait3A_264] : memref<10000x128xf32, #tpu.memory_space<hbm>> -> memref<10000x128xf32, #tpu.memory_space<hbm>>
      tpu.wait_indirect_dma semaphore(%arg21 : memref<!tpu.dma_semaphore, #tpu.memory_space<semaphore_mem>>) src(%dma_wait3A_265 : memref<10000x128xf32, #tpu.memory_space<hbm>>) dst(%arg10 : memref<128x128xf32, #tpu.memory_space<vmem>>)
      %mul3A_266 = arith.constant 128 : i32
      %mul3A_267 = arith.muli %mul3A_12, %mul3A_266 : i32
      %add3A_268 = arith.addi %mul3A_2, %mul3A_267 : i32
      %multiple_of3A = tpu.assume_multiple %add3A_268, 128 : i32
      %dma_start3A_269 = arith.constant 0 : i32
      %dma_start3A_270 = tpu.memref_slice %arg7[%multiple_of3A, %dma_start3A_269] : memref<327680x128xf32, #tpu.memory_space<hbm>> -> memref<128x128xf32, #tpu.memory_space<hbm>>
      %dma_start3A_271 = arith.constant 0 : i32
      %dma_start3A_272 = tpu.memref_slice %arg7[%multiple_of3A, %dma_start3A_271] : memref<327680x128xf32, #tpu.memory_space<hbm>> -> memref<128x128xf32, #tpu.memory_space<hbm>>
      tpu.enqueue_dma source(%arg10 : memref<128x128xf32, #tpu.memory_space<vmem>>) target(%dma_start3A_272 : memref<128x128xf32, #tpu.memory_space<hbm>>) target_semaphore(%arg23 : memref<!tpu.dma_semaphore, #tpu.memory_space<semaphore_mem>>)
      %dma_wait3A_273 = tpu.memref_slice %arg9[%mul3A_21] : memref<10240xi32, #tpu.memory_space<vmem>> -> memref<128xi32, #tpu.memory_space<vmem>>
      %dma_wait3A_274 = arith.constant 0 : i32
      %dma_wait3A_275 = arith.constant 0 : i32
      %dma_wait3A_276 = tpu.memref_slice %arg2[%dma_wait3A_274, %dma_wait3A_275] : memref<10000x128xf32, #tpu.memory_space<hbm>> -> memref<10000x128xf32, #tpu.memory_space<hbm>>
      tpu.wait_indirect_dma semaphore(%arg21 : memref<!tpu.dma_semaphore, #tpu.memory_space<semaphore_mem>>) src(%dma_wait3A_276 : memref<10000x128xf32, #tpu.memory_space<hbm>>) dst(%arg11 : memref<128x128xf32, #tpu.memory_space<vmem>>)
      %mul3A_277 = arith.constant 128 : i32
      %mul3A_278 = arith.muli %add3A_14, %mul3A_277 : i32
      %add3A_279 = arith.addi %mul3A_2, %mul3A_278 : i32
      %multiple_of3A_280 = tpu.assume_multiple %add3A_279, 128 : i32
      %dma_start3A_281 = arith.constant 0 : i32
      %dma_start3A_282 = tpu.memref_slice %arg7[%multiple_of3A_280, %dma_start3A_281] : memref<327680x128xf32, #tpu.memory_space<hbm>> -> memref<128x128xf32, #tpu.memory_space<hbm>>
      %dma_start3A_283 = arith.constant 0 : i32
      %dma_start3A_284 = tpu.memref_slice %arg7[%multiple_of3A_280, %dma_start3A_283] : memref<327680x128xf32, #tpu.memory_space<hbm>> -> memref<128x128xf32, #tpu.memory_space<hbm>>
      tpu.enqueue_dma source(%arg11 : memref<128x128xf32, #tpu.memory_space<vmem>>) target(%dma_start3A_284 : memref<128x128xf32, #tpu.memory_space<hbm>>) target_semaphore(%arg23 : memref<!tpu.dma_semaphore, #tpu.memory_space<semaphore_mem>>)
      %add3A_285 = arith.addi %mul3A_4, %mul3A_12 : i32
      %mul3A_286 = arith.constant 3 : i32
      %mul3A_287 = arith.muli %add3A_285, %mul3A_286 : i32
      %mul3A_288 = arith.constant 128 : i32
      %mul3A_289 = arith.muli %mul3A_287, %mul3A_288 : i32
      %multiple_of3A_290 = tpu.assume_multiple %mul3A_289, 128 : i32
      %dma_start3A_291 = tpu.memref_slice %arg8[%multiple_of3A_290] : memref<983040xf32, #tpu.memory_space<hbm>> -> memref<384xf32, #tpu.memory_space<hbm>>
      %dma_start3A_292 = tpu.memref_slice %arg8[%multiple_of3A_290] : memref<983040xf32, #tpu.memory_space<hbm>> -> memref<384xf32, #tpu.memory_space<hbm>>
      tpu.enqueue_dma source(%arg17 : memref<384xf32, #tpu.memory_space<vmem>>) target(%dma_start3A_292 : memref<384xf32, #tpu.memory_space<hbm>>) target_semaphore(%arg23 : memref<!tpu.dma_semaphore, #tpu.memory_space<semaphore_mem>>)
      %add3A_293 = arith.addi %mul3A_4, %add3A_14 : i32
      %mul3A_294 = arith.constant 3 : i32
      %mul3A_295 = arith.muli %add3A_293, %mul3A_294 : i32
      %mul3A_296 = arith.constant 128 : i32
      %mul3A_297 = arith.muli %mul3A_295, %mul3A_296 : i32
      %multiple_of3A_298 = tpu.assume_multiple %mul3A_297, 128 : i32
      %dma_start3A_299 = tpu.memref_slice %arg8[%multiple_of3A_298] : memref<983040xf32, #tpu.memory_space<hbm>> -> memref<384xf32, #tpu.memory_space<hbm>>
      %dma_start3A_300 = tpu.memref_slice %arg8[%multiple_of3A_298] : memref<983040xf32, #tpu.memory_space<hbm>> -> memref<384xf32, #tpu.memory_space<hbm>>
      tpu.enqueue_dma source(%arg18 : memref<384xf32, #tpu.memory_space<vmem>>) target(%dma_start3A_300 : memref<384xf32, #tpu.memory_space<hbm>>) target_semaphore(%arg23 : memref<!tpu.dma_semaphore, #tpu.memory_space<semaphore_mem>>)
      %add3A_301 = arith.constant 2 : i32
      %add3A_302 = arith.addi %mul3A_12, %add3A_301 : i32
      %add3A_303 = arith.constant 1 : i32
      %add3A_304 = arith.addi %add3A_302, %add3A_303 : i32
      %mul3A_305 = arith.constant 128 : i32
      %mul3A_306 = arith.muli %add3A_302, %mul3A_305 : i32
      %dma_start3A_307 = tpu.memref_slice %arg9[%mul3A_306] : memref<10240xi32, #tpu.memory_space<vmem>> -> memref<128xi32, #tpu.memory_space<vmem>>
      %dma_start3A_308 = arith.constant 0 : i32
      %dma_start3A_309 = arith.constant 0 : i32
      %dma_start3A_310 = tpu.memref_slice %arg2[%dma_start3A_308, %dma_start3A_309] : memref<10000x128xf32, #tpu.memory_space<hbm>> -> memref<10000x128xf32, #tpu.memory_space<hbm>>
      tpu.enqueue_indirect_dma source(%dma_start3A_310 : memref<10000x128xf32, #tpu.memory_space<hbm>>) target(%arg12 : memref<128x128xf32, #tpu.memory_space<vmem>>) offsets(%dma_start3A_307 : memref<128xi32, #tpu.memory_space<vmem>>) semaphore(%arg22 : memref<!tpu.dma_semaphore, #tpu.memory_space<semaphore_mem>>)
      %mul3A_311 = arith.constant 128 : i32
      %mul3A_312 = arith.muli %add3A_304, %mul3A_311 : i32
      %dma_start3A_313 = tpu.memref_slice %arg9[%mul3A_312] : memref<10240xi32, #tpu.memory_space<vmem>> -> memref<128xi32, #tpu.memory_space<vmem>>
      %dma_start3A_314 = arith.constant 0 : i32
      %dma_start3A_315 = arith.constant 0 : i32
      %dma_start3A_316 = tpu.memref_slice %arg2[%dma_start3A_314, %dma_start3A_315] : memref<10000x128xf32, #tpu.memory_space<hbm>> -> memref<10000x128xf32, #tpu.memory_space<hbm>>
      tpu.enqueue_indirect_dma source(%dma_start3A_316 : memref<10000x128xf32, #tpu.memory_space<hbm>>) target(%arg13 : memref<128x128xf32, #tpu.memory_space<vmem>>) offsets(%dma_start3A_313 : memref<128xi32, #tpu.memory_space<vmem>>) semaphore(%arg22 : memref<!tpu.dma_semaphore, #tpu.memory_space<semaphore_mem>>)
      %mul3A_317 = arith.constant 128 : i32
      %mul3A_318 = arith.muli %add3A_302, %mul3A_317 : i32
      %add3A_319 = arith.constant 0 : i32
      %add3A_320 = arith.addi %mul3A_318, %add3A_319 : i32
      %get3A_321 = arith.index_cast %add3A_320 : i32 to index
      %get3A_322 = tpu.vector_load %arg9[%get3A_321] {strides = array<i32>} : memref<10240xi32, #tpu.memory_space<vmem>>, vector<16xi32>,
      %gather3A_323 = tpu.vector_load_idx %arg14[%get3A_322] : memref<10000xf32, #tpu.memory_space<vmem>>[vector<16xi32>], vector<16xf32>,
      %swap3A_324 = arith.constant 0 : index
      %swap3A_325 = tpu.vector_load %arg19[%swap3A_324] {strides = array<i32>} : memref<384xf32, #tpu.memory_space<vmem>>, vector<16xf32>,
      tpu.vector_store %arg19[%swap3A_324], %gather3A_323 {strides = array<i32>} : memref<384xf32, #tpu.memory_space<vmem>>, vector<16xf32>,
      %gather3A_326 = tpu.vector_load_idx %arg15[%get3A_322] : memref<10000xf32, #tpu.memory_space<vmem>>[vector<16xi32>], vector<16xf32>,
      %swap3A_327 = arith.constant 128 : index
      %swap3A_328 = tpu.vector_load %arg19[%swap3A_327] {strides = array<i32>} : memref<384xf32, #tpu.memory_space<vmem>>, vector<16xf32>,
      tpu.vector_store %arg19[%swap3A_327], %gather3A_326 {strides = array<i32>} : memref<384xf32, #tpu.memory_space<vmem>>, vector<16xf32>,
      %gather3A_329 = tpu.vector_load_idx %arg16[%get3A_322] : memref<10000xf32, #tpu.memory_space<vmem>>[vector<16xi32>], vector<16xf32>,
      %swap3A_330 = arith.constant 256 : index
      %swap3A_331 = tpu.vector_load %arg19[%swap3A_330] {strides = array<i32>} : memref<384xf32, #tpu.memory_space<vmem>>, vector<16xf32>,
      tpu.vector_store %arg19[%swap3A_330], %gather3A_329 {strides = array<i32>} : memref<384xf32, #tpu.memory_space<vmem>>, vector<16xf32>,
      %mul3A_332 = arith.constant 128 : i32
      %mul3A_333 = arith.muli %add3A_302, %mul3A_332 : i32
      %add3A_334 = arith.constant 16 : i32
      %add3A_335 = arith.addi %mul3A_333, %add3A_334 : i32
      %get3A_336 = arith.index_cast %add3A_335 : i32 to index
      %get3A_337 = tpu.vector_load %arg9[%get3A_336] {strides = array<i32>} : memref<10240xi32, #tpu.memory_space<vmem>>, vector<16xi32>,
      %gather3A_338 = tpu.vector_load_idx %arg14[%get3A_337] : memref<10000xf32, #tpu.memory_space<vmem>>[vector<16xi32>], vector<16xf32>,
      %swap3A_339 = arith.constant 16 : index
      %swap3A_340 = tpu.vector_load %arg19[%swap3A_339] {strides = array<i32>} : memref<384xf32, #tpu.memory_space<vmem>>, vector<16xf32>,
      tpu.vector_store %arg19[%swap3A_339], %gather3A_338 {strides = array<i32>} : memref<384xf32, #tpu.memory_space<vmem>>, vector<16xf32>,
      %gather3A_341 = tpu.vector_load_idx %arg15[%get3A_337] : memref<10000xf32, #tpu.memory_space<vmem>>[vector<16xi32>], vector<16xf32>,
      %swap3A_342 = arith.constant 144 : index
      %swap3A_343 = tpu.vector_load %arg19[%swap3A_342] {strides = array<i32>} : memref<384xf32, #tpu.memory_space<vmem>>, vector<16xf32>,
      tpu.vector_store %arg19[%swap3A_342], %gather3A_341 {strides = array<i32>} : memref<384xf32, #tpu.memory_space<vmem>>, vector<16xf32>,
      %gather3A_344 = tpu.vector_load_idx %arg16[%get3A_337] : memref<10000xf32, #tpu.memory_space<vmem>>[vector<16xi32>], vector<16xf32>,
      %swap3A_345 = arith.constant 272 : index
      %swap3A_346 = tpu.vector_load %arg19[%swap3A_345] {strides = array<i32>} : memref<384xf32, #tpu.memory_space<vmem>>, vector<16xf32>,
      tpu.vector_store %arg19[%swap3A_345], %gather3A_344 {strides = array<i32>} : memref<384xf32, #tpu.memory_space<vmem>>, vector<16xf32>,
      %mul3A_347 = arith.constant 128 : i32
      %mul3A_348 = arith.muli %add3A_302, %mul3A_347 : i32
      %add3A_349 = arith.constant 32 : i32
      %add3A_350 = arith.addi %mul3A_348, %add3A_349 : i32
      %get3A_351 = arith.index_cast %add3A_350 : i32 to index
      %get3A_352 = tpu.vector_load %arg9[%get3A_351] {strides = array<i32>} : memref<10240xi32, #tpu.memory_space<vmem>>, vector<16xi32>,
      %gather3A_353 = tpu.vector_load_idx %arg14[%get3A_352] : memref<10000xf32, #tpu.memory_space<vmem>>[vector<16xi32>], vector<16xf32>,
      %swap3A_354 = arith.constant 32 : index
      %swap3A_355 = tpu.vector_load %arg19[%swap3A_354] {strides = array<i32>} : memref<384xf32, #tpu.memory_space<vmem>>, vector<16xf32>,
      tpu.vector_store %arg19[%swap3A_354], %gather3A_353 {strides = array<i32>} : memref<384xf32, #tpu.memory_space<vmem>>, vector<16xf32>,
      %gather3A_356 = tpu.vector_load_idx %arg15[%get3A_352] : memref<10000xf32, #tpu.memory_space<vmem>>[vector<16xi32>], vector<16xf32>,
      %swap3A_357 = arith.constant 160 : index
      %swap3A_358 = tpu.vector_load %arg19[%swap3A_357] {strides = array<i32>} : memref<384xf32, #tpu.memory_space<vmem>>, vector<16xf32>,
      tpu.vector_store %arg19[%swap3A_357], %gather3A_356 {strides = array<i32>} : memref<384xf32, #tpu.memory_space<vmem>>, vector<16xf32>,
      %gather3A_359 = tpu.vector_load_idx %arg16[%get3A_352] : memref<10000xf32, #tpu.memory_space<vmem>>[vector<16xi32>], vector<16xf32>,
      %swap3A_360 = arith.constant 288 : index
      %swap3A_361 = tpu.vector_load %arg19[%swap3A_360] {strides = array<i32>} : memref<384xf32, #tpu.memory_space<vmem>>, vector<16xf32>,
      tpu.vector_store %arg19[%swap3A_360], %gather3A_359 {strides = array<i32>} : memref<384xf32, #tpu.memory_space<vmem>>, vector<16xf32>,
      %mul3A_362 = arith.constant 128 : i32
      %mul3A_363 = arith.muli %add3A_302, %mul3A_362 : i32
      %add3A_364 = arith.constant 48 : i32
      %add3A_365 = arith.addi %mul3A_363, %add3A_364 : i32
      %get3A_366 = arith.index_cast %add3A_365 : i32 to index
      %get3A_367 = tpu.vector_load %arg9[%get3A_366] {strides = array<i32>} : memref<10240xi32, #tpu.memory_space<vmem>>, vector<16xi32>,
      %gather3A_368 = tpu.vector_load_idx %arg14[%get3A_367] : memref<10000xf32, #tpu.memory_space<vmem>>[vector<16xi32>], vector<16xf32>,
      %swap3A_369 = arith.constant 48 : index
      %swap3A_370 = tpu.vector_load %arg19[%swap3A_369] {strides = array<i32>} : memref<384xf32, #tpu.memory_space<vmem>>, vector<16xf32>,
      tpu.vector_store %arg19[%swap3A_369], %gather3A_368 {strides = array<i32>} : memref<384xf32, #tpu.memory_space<vmem>>, vector<16xf32>,
      %gather3A_371 = tpu.vector_load_idx %arg15[%get3A_367] : memref<10000xf32, #tpu.memory_space<vmem>>[vector<16xi32>], vector<16xf32>,
      %swap3A_372 = arith.constant 176 : index
      %swap3A_373 = tpu.vector_load %arg19[%swap3A_372] {strides = array<i32>} : memref<384xf32, #tpu.memory_space<vmem>>, vector<16xf32>,
      tpu.vector_store %arg19[%swap3A_372], %gather3A_371 {strides = array<i32>} : memref<384xf32, #tpu.memory_space<vmem>>, vector<16xf32>,
      %gather3A_374 = tpu.vector_load_idx %arg16[%get3A_367] : memref<10000xf32, #tpu.memory_space<vmem>>[vector<16xi32>], vector<16xf32>,
      %swap3A_375 = arith.constant 304 : index
      %swap3A_376 = tpu.vector_load %arg19[%swap3A_375] {strides = array<i32>} : memref<384xf32, #tpu.memory_space<vmem>>, vector<16xf32>,
      tpu.vector_store %arg19[%swap3A_375], %gather3A_374 {strides = array<i32>} : memref<384xf32, #tpu.memory_space<vmem>>, vector<16xf32>,
      %mul3A_377 = arith.constant 128 : i32
      %mul3A_378 = arith.muli %add3A_302, %mul3A_377 : i32
      %add3A_379 = arith.constant 64 : i32
      %add3A_380 = arith.addi %mul3A_378, %add3A_379 : i32
      %get3A_381 = arith.index_cast %add3A_380 : i32 to index
      %get3A_382 = tpu.vector_load %arg9[%get3A_381] {strides = array<i32>} : memref<10240xi32, #tpu.memory_space<vmem>>, vector<16xi32>,
      %gather3A_383 = tpu.vector_load_idx %arg14[%get3A_382] : memref<10000xf32, #tpu.memory_space<vmem>>[vector<16xi32>], vector<16xf32>,
      %swap3A_384 = arith.constant 64 : index
      %swap3A_385 = tpu.vector_load %arg19[%swap3A_384] {strides = array<i32>} : memref<384xf32, #tpu.memory_space<vmem>>, vector<16xf32>,
      tpu.vector_store %arg19[%swap3A_384], %gather3A_383 {strides = array<i32>} : memref<384xf32, #tpu.memory_space<vmem>>, vector<16xf32>,
      %gather3A_386 = tpu.vector_load_idx %arg15[%get3A_382] : memref<10000xf32, #tpu.memory_space<vmem>>[vector<16xi32>], vector<16xf32>,
      %swap3A_387 = arith.constant 192 : index
      %swap3A_388 = tpu.vector_load %arg19[%swap3A_387] {strides = array<i32>} : memref<384xf32, #tpu.memory_space<vmem>>, vector<16xf32>,
      tpu.vector_store %arg19[%swap3A_387], %gather3A_386 {strides = array<i32>} : memref<384xf32, #tpu.memory_space<vmem>>, vector<16xf32>,
      %gather3A_389 = tpu.vector_load_idx %arg16[%get3A_382] : memref<10000xf32, #tpu.memory_space<vmem>>[vector<16xi32>], vector<16xf32>,
      %swap3A_390 = arith.constant 320 : index
      %swap3A_391 = tpu.vector_load %arg19[%swap3A_390] {strides = array<i32>} : memref<384xf32, #tpu.memory_space<vmem>>, vector<16xf32>,
      tpu.vector_store %arg19[%swap3A_390], %gather3A_389 {strides = array<i32>} : memref<384xf32, #tpu.memory_space<vmem>>, vector<16xf32>,
      %mul3A_392 = arith.constant 128 : i32
      %mul3A_393 = arith.muli %add3A_302, %mul3A_392 : i32
      %add3A_394 = arith.constant 80 : i32
      %add3A_395 = arith.addi %mul3A_393, %add3A_394 : i32
      %get3A_396 = arith.index_cast %add3A_395 : i32 to index
      %get3A_397 = tpu.vector_load %arg9[%get3A_396] {strides = array<i32>} : memref<10240xi32, #tpu.memory_space<vmem>>, vector<16xi32>,
      %gather3A_398 = tpu.vector_load_idx %arg14[%get3A_397] : memref<10000xf32, #tpu.memory_space<vmem>>[vector<16xi32>], vector<16xf32>,
      %swap3A_399 = arith.constant 80 : index
      %swap3A_400 = tpu.vector_load %arg19[%swap3A_399] {strides = array<i32>} : memref<384xf32, #tpu.memory_space<vmem>>, vector<16xf32>,
      tpu.vector_store %arg19[%swap3A_399], %gather3A_398 {strides = array<i32>} : memref<384xf32, #tpu.memory_space<vmem>>, vector<16xf32>,
      %gather3A_401 = tpu.vector_load_idx %arg15[%get3A_397] : memref<10000xf32, #tpu.memory_space<vmem>>[vector<16xi32>], vector<16xf32>,
      %swap3A_402 = arith.constant 208 : index
      %swap3A_403 = tpu.vector_load %arg19[%swap3A_402] {strides = array<i32>} : memref<384xf32, #tpu.memory_space<vmem>>, vector<16xf32>,
      tpu.vector_store %arg19[%swap3A_402], %gather3A_401 {strides = array<i32>} : memref<384xf32, #tpu.memory_space<vmem>>, vector<16xf32>,
      %gather3A_404 = tpu.vector_load_idx %arg16[%get3A_397] : memref<10000xf32, #tpu.memory_space<vmem>>[vector<16xi32>], vector<16xf32>,
      %swap3A_405 = arith.constant 336 : index
      %swap3A_406 = tpu.vector_load %arg19[%swap3A_405] {strides = array<i32>} : memref<384xf32, #tpu.memory_space<vmem>>, vector<16xf32>,
      tpu.vector_store %arg19[%swap3A_405], %gather3A_404 {strides = array<i32>} : memref<384xf32, #tpu.memory_space<vmem>>, vector<16xf32>,
      %mul3A_407 = arith.constant 128 : i32
      %mul3A_408 = arith.muli %add3A_302, %mul3A_407 : i32
      %add3A_409 = arith.constant 96 : i32
      %add3A_410 = arith.addi %mul3A_408, %add3A_409 : i32
      %get3A_411 = arith.index_cast %add3A_410 : i32 to index
      %get3A_412 = tpu.vector_load %arg9[%get3A_411] {strides = array<i32>} : memref<10240xi32, #tpu.memory_space<vmem>>, vector<16xi32>,
      %gather3A_413 = tpu.vector_load_idx %arg14[%get3A_412] : memref<10000xf32, #tpu.memory_space<vmem>>[vector<16xi32>], vector<16xf32>,
      %swap3A_414 = arith.constant 96 : index
      %swap3A_415 = tpu.vector_load %arg19[%swap3A_414] {strides = array<i32>} : memref<384xf32, #tpu.memory_space<vmem>>, vector<16xf32>,
      tpu.vector_store %arg19[%swap3A_414], %gather3A_413 {strides = array<i32>} : memref<384xf32, #tpu.memory_space<vmem>>, vector<16xf32>,
      %gather3A_416 = tpu.vector_load_idx %arg15[%get3A_412] : memref<10000xf32, #tpu.memory_space<vmem>>[vector<16xi32>], vector<16xf32>,
      %swap3A_417 = arith.constant 224 : index
      %swap3A_418 = tpu.vector_load %arg19[%swap3A_417] {strides = array<i32>} : memref<384xf32, #tpu.memory_space<vmem>>, vector<16xf32>,
      tpu.vector_store %arg19[%swap3A_417], %gather3A_416 {strides = array<i32>} : memref<384xf32, #tpu.memory_space<vmem>>, vector<16xf32>,
      %gather3A_419 = tpu.vector_load_idx %arg16[%get3A_412] : memref<10000xf32, #tpu.memory_space<vmem>>[vector<16xi32>], vector<16xf32>,
      %swap3A_420 = arith.constant 352 : index
      %swap3A_421 = tpu.vector_load %arg19[%swap3A_420] {strides = array<i32>} : memref<384xf32, #tpu.memory_space<vmem>>, vector<16xf32>,
      tpu.vector_store %arg19[%swap3A_420], %gather3A_419 {strides = array<i32>} : memref<384xf32, #tpu.memory_space<vmem>>, vector<16xf32>,
      %mul3A_422 = arith.constant 128 : i32
      %mul3A_423 = arith.muli %add3A_302, %mul3A_422 : i32
      %add3A_424 = arith.constant 112 : i32
      %add3A_425 = arith.addi %mul3A_423, %add3A_424 : i32
      %get3A_426 = arith.index_cast %add3A_425 : i32 to index
      %get3A_427 = tpu.vector_load %arg9[%get3A_426] {strides = array<i32>} : memref<10240xi32, #tpu.memory_space<vmem>>, vector<16xi32>,
      %gather3A_428 = tpu.vector_load_idx %arg14[%get3A_427] : memref<10000xf32, #tpu.memory_space<vmem>>[vector<16xi32>], vector<16xf32>,
      %swap3A_429 = arith.constant 112 : index
      %swap3A_430 = tpu.vector_load %arg19[%swap3A_429] {strides = array<i32>} : memref<384xf32, #tpu.memory_space<vmem>>, vector<16xf32>,
      tpu.vector_store %arg19[%swap3A_429], %gather3A_428 {strides = array<i32>} : memref<384xf32, #tpu.memory_space<vmem>>, vector<16xf32>,
      %gather3A_431 = tpu.vector_load_idx %arg15[%get3A_427] : memref<10000xf32, #tpu.memory_space<vmem>>[vector<16xi32>], vector<16xf32>,
      %swap3A_432 = arith.constant 240 : index
      %swap3A_433 = tpu.vector_load %arg19[%swap3A_432] {strides = array<i32>} : memref<384xf32, #tpu.memory_space<vmem>>, vector<16xf32>,
      tpu.vector_store %arg19[%swap3A_432], %gather3A_431 {strides = array<i32>} : memref<384xf32, #tpu.memory_space<vmem>>, vector<16xf32>,
      %gather3A_434 = tpu.vector_load_idx %arg16[%get3A_427] : memref<10000xf32, #tpu.memory_space<vmem>>[vector<16xi32>], vector<16xf32>,
      %swap3A_435 = arith.constant 368 : index
      %swap3A_436 = tpu.vector_load %arg19[%swap3A_435] {strides = array<i32>} : memref<384xf32, #tpu.memory_space<vmem>>, vector<16xf32>,
      tpu.vector_store %arg19[%swap3A_435], %gather3A_434 {strides = array<i32>} : memref<384xf32, #tpu.memory_space<vmem>>, vector<16xf32>,
      %mul3A_437 = arith.constant 128 : i32
      %mul3A_438 = arith.muli %add3A_304, %mul3A_437 : i32
      %add3A_439 = arith.constant 0 : i32
      %add3A_440 = arith.addi %mul3A_438, %add3A_439 : i32
      %get3A_441 = arith.index_cast %add3A_440 : i32 to index
      %get3A_442 = tpu.vector_load %arg9[%get3A_441] {strides = array<i32>} : memref<10240xi32, #tpu.memory_space<vmem>>, vector<16xi32>,
      %gather3A_443 = tpu.vector_load_idx %arg14[%get3A_442] : memref<10000xf32, #tpu.memory_space<vmem>>[vector<16xi32>], vector<16xf32>,
      %swap3A_444 = arith.constant 0 : index
      %swap3A_445 = tpu.vector_load %arg20[%swap3A_444] {strides = array<i32>} : memref<384xf32, #tpu.memory_space<vmem>>, vector<16xf32>,
      tpu.vector_store %arg20[%swap3A_444], %gather3A_443 {strides = array<i32>} : memref<384xf32, #tpu.memory_space<vmem>>, vector<16xf32>,
      %gather3A_446 = tpu.vector_load_idx %arg15[%get3A_442] : memref<10000xf32, #tpu.memory_space<vmem>>[vector<16xi32>], vector<16xf32>,
      %swap3A_447 = arith.constant 128 : index
      %swap3A_448 = tpu.vector_load %arg20[%swap3A_447] {strides = array<i32>} : memref<384xf32, #tpu.memory_space<vmem>>, vector<16xf32>,
      tpu.vector_store %arg20[%swap3A_447], %gather3A_446 {strides = array<i32>} : memref<384xf32, #tpu.memory_space<vmem>>, vector<16xf32>,
      %gather3A_449 = tpu.vector_load_idx %arg16[%get3A_442] : memref<10000xf32, #tpu.memory_space<vmem>>[vector<16xi32>], vector<16xf32>,
      %swap3A_450 = arith.constant 256 : index
      %swap3A_451 = tpu.vector_load %arg20[%swap3A_450] {strides = array<i32>} : memref<384xf32, #tpu.memory_space<vmem>>, vector<16xf32>,
      tpu.vector_store %arg20[%swap3A_450], %gather3A_449 {strides = array<i32>} : memref<384xf32, #tpu.memory_space<vmem>>, vector<16xf32>,
      %mul3A_452 = arith.constant 128 : i32
      %mul3A_453 = arith.muli %add3A_304, %mul3A_452 : i32
      %add3A_454 = arith.constant 16 : i32
      %add3A_455 = arith.addi %mul3A_453, %add3A_454 : i32
      %get3A_456 = arith.index_cast %add3A_455 : i32 to index
      %get3A_457 = tpu.vector_load %arg9[%get3A_456] {strides = array<i32>} : memref<10240xi32, #tpu.memory_space<vmem>>, vector<16xi32>,
      %gather3A_458 = tpu.vector_load_idx %arg14[%get3A_457] : memref<10000xf32, #tpu.memory_space<vmem>>[vector<16xi32>], vector<16xf32>,
      %swap3A_459 = arith.constant 16 : index
      %swap3A_460 = tpu.vector_load %arg20[%swap3A_459] {strides = array<i32>} : memref<384xf32, #tpu.memory_space<vmem>>, vector<16xf32>,
      tpu.vector_store %arg20[%swap3A_459], %gather3A_458 {strides = array<i32>} : memref<384xf32, #tpu.memory_space<vmem>>, vector<16xf32>,
      %gather3A_461 = tpu.vector_load_idx %arg15[%get3A_457] : memref<10000xf32, #tpu.memory_space<vmem>>[vector<16xi32>], vector<16xf32>,
      %swap3A_462 = arith.constant 144 : index
      %swap3A_463 = tpu.vector_load %arg20[%swap3A_462] {strides = array<i32>} : memref<384xf32, #tpu.memory_space<vmem>>, vector<16xf32>,
      tpu.vector_store %arg20[%swap3A_462], %gather3A_461 {strides = array<i32>} : memref<384xf32, #tpu.memory_space<vmem>>, vector<16xf32>,
      %gather3A_464 = tpu.vector_load_idx %arg16[%get3A_457] : memref<10000xf32, #tpu.memory_space<vmem>>[vector<16xi32>], vector<16xf32>,
      %swap3A_465 = arith.constant 272 : index
      %swap3A_466 = tpu.vector_load %arg20[%swap3A_465] {strides = array<i32>} : memref<384xf32, #tpu.memory_space<vmem>>, vector<16xf32>,
      tpu.vector_store %arg20[%swap3A_465], %gather3A_464 {strides = array<i32>} : memref<384xf32, #tpu.memory_space<vmem>>, vector<16xf32>,
      %mul3A_467 = arith.constant 128 : i32
      %mul3A_468 = arith.muli %add3A_304, %mul3A_467 : i32
      %add3A_469 = arith.constant 32 : i32
      %add3A_470 = arith.addi %mul3A_468, %add3A_469 : i32
      %get3A_471 = arith.index_cast %add3A_470 : i32 to index
      %get3A_472 = tpu.vector_load %arg9[%get3A_471] {strides = array<i32>} : memref<10240xi32, #tpu.memory_space<vmem>>, vector<16xi32>,
      %gather3A_473 = tpu.vector_load_idx %arg14[%get3A_472] : memref<10000xf32, #tpu.memory_space<vmem>>[vector<16xi32>], vector<16xf32>,
      %swap3A_474 = arith.constant 32 : index
      %swap3A_475 = tpu.vector_load %arg20[%swap3A_474] {strides = array<i32>} : memref<384xf32, #tpu.memory_space<vmem>>, vector<16xf32>,
      tpu.vector_store %arg20[%swap3A_474], %gather3A_473 {strides = array<i32>} : memref<384xf32, #tpu.memory_space<vmem>>, vector<16xf32>,
      %gather3A_476 = tpu.vector_load_idx %arg15[%get3A_472] : memref<10000xf32, #tpu.memory_space<vmem>>[vector<16xi32>], vector<16xf32>,
      %swap3A_477 = arith.constant 160 : index
      %swap3A_478 = tpu.vector_load %arg20[%swap3A_477] {strides = array<i32>} : memref<384xf32, #tpu.memory_space<vmem>>, vector<16xf32>,
      tpu.vector_store %arg20[%swap3A_477], %gather3A_476 {strides = array<i32>} : memref<384xf32, #tpu.memory_space<vmem>>, vector<16xf32>,
      %gather3A_479 = tpu.vector_load_idx %arg16[%get3A_472] : memref<10000xf32, #tpu.memory_space<vmem>>[vector<16xi32>], vector<16xf32>,
      %swap3A_480 = arith.constant 288 : index
      %swap3A_481 = tpu.vector_load %arg20[%swap3A_480] {strides = array<i32>} : memref<384xf32, #tpu.memory_space<vmem>>, vector<16xf32>,
      tpu.vector_store %arg20[%swap3A_480], %gather3A_479 {strides = array<i32>} : memref<384xf32, #tpu.memory_space<vmem>>, vector<16xf32>,
      %mul3A_482 = arith.constant 128 : i32
      %mul3A_483 = arith.muli %add3A_304, %mul3A_482 : i32
      %add3A_484 = arith.constant 48 : i32
      %add3A_485 = arith.addi %mul3A_483, %add3A_484 : i32
      %get3A_486 = arith.index_cast %add3A_485 : i32 to index
      %get3A_487 = tpu.vector_load %arg9[%get3A_486] {strides = array<i32>} : memref<10240xi32, #tpu.memory_space<vmem>>, vector<16xi32>,
      %gather3A_488 = tpu.vector_load_idx %arg14[%get3A_487] : memref<10000xf32, #tpu.memory_space<vmem>>[vector<16xi32>], vector<16xf32>,
      %swap3A_489 = arith.constant 48 : index
      %swap3A_490 = tpu.vector_load %arg20[%swap3A_489] {strides = array<i32>} : memref<384xf32, #tpu.memory_space<vmem>>, vector<16xf32>,
      tpu.vector_store %arg20[%swap3A_489], %gather3A_488 {strides = array<i32>} : memref<384xf32, #tpu.memory_space<vmem>>, vector<16xf32>,
      %gather3A_491 = tpu.vector_load_idx %arg15[%get3A_487] : memref<10000xf32, #tpu.memory_space<vmem>>[vector<16xi32>], vector<16xf32>,
      %swap3A_492 = arith.constant 176 : index
      %swap3A_493 = tpu.vector_load %arg20[%swap3A_492] {strides = array<i32>} : memref<384xf32, #tpu.memory_space<vmem>>, vector<16xf32>,
      tpu.vector_store %arg20[%swap3A_492], %gather3A_491 {strides = array<i32>} : memref<384xf32, #tpu.memory_space<vmem>>, vector<16xf32>,
      %gather3A_494 = tpu.vector_load_idx %arg16[%get3A_487] : memref<10000xf32, #tpu.memory_space<vmem>>[vector<16xi32>], vector<16xf32>,
      %swap3A_495 = arith.constant 304 : index
      %swap3A_496 = tpu.vector_load %arg20[%swap3A_495] {strides = array<i32>} : memref<384xf32, #tpu.memory_space<vmem>>, vector<16xf32>,
      tpu.vector_store %arg20[%swap3A_495], %gather3A_494 {strides = array<i32>} : memref<384xf32, #tpu.memory_space<vmem>>, vector<16xf32>,
      %mul3A_497 = arith.constant 128 : i32
      %mul3A_498 = arith.muli %add3A_304, %mul3A_497 : i32
      %add3A_499 = arith.constant 64 : i32
      %add3A_500 = arith.addi %mul3A_498, %add3A_499 : i32
      %get3A_501 = arith.index_cast %add3A_500 : i32 to index
      %get3A_502 = tpu.vector_load %arg9[%get3A_501] {strides = array<i32>} : memref<10240xi32, #tpu.memory_space<vmem>>, vector<16xi32>,
      %gather3A_503 = tpu.vector_load_idx %arg14[%get3A_502] : memref<10000xf32, #tpu.memory_space<vmem>>[vector<16xi32>], vector<16xf32>,
      %swap3A_504 = arith.constant 64 : index
      %swap3A_505 = tpu.vector_load %arg20[%swap3A_504] {strides = array<i32>} : memref<384xf32, #tpu.memory_space<vmem>>, vector<16xf32>,
      tpu.vector_store %arg20[%swap3A_504], %gather3A_503 {strides = array<i32>} : memref<384xf32, #tpu.memory_space<vmem>>, vector<16xf32>,
      %gather3A_506 = tpu.vector_load_idx %arg15[%get3A_502] : memref<10000xf32, #tpu.memory_space<vmem>>[vector<16xi32>], vector<16xf32>,
      %swap3A_507 = arith.constant 192 : index
      %swap3A_508 = tpu.vector_load %arg20[%swap3A_507] {strides = array<i32>} : memref<384xf32, #tpu.memory_space<vmem>>, vector<16xf32>,
      tpu.vector_store %arg20[%swap3A_507], %gather3A_506 {strides = array<i32>} : memref<384xf32, #tpu.memory_space<vmem>>, vector<16xf32>,
      %gather3A_509 = tpu.vector_load_idx %arg16[%get3A_502] : memref<10000xf32, #tpu.memory_space<vmem>>[vector<16xi32>], vector<16xf32>,
      %swap3A_510 = arith.constant 320 : index
      %swap3A_511 = tpu.vector_load %arg20[%swap3A_510] {strides = array<i32>} : memref<384xf32, #tpu.memory_space<vmem>>, vector<16xf32>,
      tpu.vector_store %arg20[%swap3A_510], %gather3A_509 {strides = array<i32>} : memref<384xf32, #tpu.memory_space<vmem>>, vector<16xf32>,
      %mul3A_512 = arith.constant 128 : i32
      %mul3A_513 = arith.muli %add3A_304, %mul3A_512 : i32
      %add3A_514 = arith.constant 80 : i32
      %add3A_515 = arith.addi %mul3A_513, %add3A_514 : i32
      %get3A_516 = arith.index_cast %add3A_515 : i32 to index
      %get3A_517 = tpu.vector_load %arg9[%get3A_516] {strides = array<i32>} : memref<10240xi32, #tpu.memory_space<vmem>>, vector<16xi32>,
      %gather3A_518 = tpu.vector_load_idx %arg14[%get3A_517] : memref<10000xf32, #tpu.memory_space<vmem>>[vector<16xi32>], vector<16xf32>,
      %swap3A_519 = arith.constant 80 : index
      %swap3A_520 = tpu.vector_load %arg20[%swap3A_519] {strides = array<i32>} : memref<384xf32, #tpu.memory_space<vmem>>, vector<16xf32>,
      tpu.vector_store %arg20[%swap3A_519], %gather3A_518 {strides = array<i32>} : memref<384xf32, #tpu.memory_space<vmem>>, vector<16xf32>,
      %gather3A_521 = tpu.vector_load_idx %arg15[%get3A_517] : memref<10000xf32, #tpu.memory_space<vmem>>[vector<16xi32>], vector<16xf32>,
      %swap3A_522 = arith.constant 208 : index
      %swap3A_523 = tpu.vector_load %arg20[%swap3A_522] {strides = array<i32>} : memref<384xf32, #tpu.memory_space<vmem>>, vector<16xf32>,
      tpu.vector_store %arg20[%swap3A_522], %gather3A_521 {strides = array<i32>} : memref<384xf32, #tpu.memory_space<vmem>>, vector<16xf32>,
      %gather3A_524 = tpu.vector_load_idx %arg16[%get3A_517] : memref<10000xf32, #tpu.memory_space<vmem>>[vector<16xi32>], vector<16xf32>,
      %swap3A_525 = arith.constant 336 : index
      %swap3A_526 = tpu.vector_load %arg20[%swap3A_525] {strides = array<i32>} : memref<384xf32, #tpu.memory_space<vmem>>, vector<16xf32>,
      tpu.vector_store %arg20[%swap3A_525], %gather3A_524 {strides = array<i32>} : memref<384xf32, #tpu.memory_space<vmem>>, vector<16xf32>,
      %mul3A_527 = arith.constant 128 : i32
      %mul3A_528 = arith.muli %add3A_304, %mul3A_527 : i32
      %add3A_529 = arith.constant 96 : i32
      %add3A_530 = arith.addi %mul3A_528, %add3A_529 : i32
      %get3A_531 = arith.index_cast %add3A_530 : i32 to index
      %get3A_532 = tpu.vector_load %arg9[%get3A_531] {strides = array<i32>} : memref<10240xi32, #tpu.memory_space<vmem>>, vector<16xi32>,
      %gather3A_533 = tpu.vector_load_idx %arg14[%get3A_532] : memref<10000xf32, #tpu.memory_space<vmem>>[vector<16xi32>], vector<16xf32>,
      %swap3A_534 = arith.constant 96 : index
      %swap3A_535 = tpu.vector_load %arg20[%swap3A_534] {strides = array<i32>} : memref<384xf32, #tpu.memory_space<vmem>>, vector<16xf32>,
      tpu.vector_store %arg20[%swap3A_534], %gather3A_533 {strides = array<i32>} : memref<384xf32, #tpu.memory_space<vmem>>, vector<16xf32>,
      %gather3A_536 = tpu.vector_load_idx %arg15[%get3A_532] : memref<10000xf32, #tpu.memory_space<vmem>>[vector<16xi32>], vector<16xf32>,
      %swap3A_537 = arith.constant 224 : index
      %swap3A_538 = tpu.vector_load %arg20[%swap3A_537] {strides = array<i32>} : memref<384xf32, #tpu.memory_space<vmem>>, vector<16xf32>,
      tpu.vector_store %arg20[%swap3A_537], %gather3A_536 {strides = array<i32>} : memref<384xf32, #tpu.memory_space<vmem>>, vector<16xf32>,
      %gather3A_539 = tpu.vector_load_idx %arg16[%get3A_532] : memref<10000xf32, #tpu.memory_space<vmem>>[vector<16xi32>], vector<16xf32>,
      %swap3A_540 = arith.constant 352 : index
      %swap3A_541 = tpu.vector_load %arg20[%swap3A_540] {strides = array<i32>} : memref<384xf32, #tpu.memory_space<vmem>>, vector<16xf32>,
      tpu.vector_store %arg20[%swap3A_540], %gather3A_539 {strides = array<i32>} : memref<384xf32, #tpu.memory_space<vmem>>, vector<16xf32>,
      %mul3A_542 = arith.constant 128 : i32
      %mul3A_543 = arith.muli %add3A_304, %mul3A_542 : i32
      %add3A_544 = arith.constant 112 : i32
      %add3A_545 = arith.addi %mul3A_543, %add3A_544 : i32
      %get3A_546 = arith.index_cast %add3A_545 : i32 to index
      %get3A_547 = tpu.vector_load %arg9[%get3A_546] {strides = array<i32>} : memref<10240xi32, #tpu.memory_space<vmem>>, vector<16xi32>,
      %gather3A_548 = tpu.vector_load_idx %arg14[%get3A_547] : memref<10000xf32, #tpu.memory_space<vmem>>[vector<16xi32>], vector<16xf32>,
      %swap3A_549 = arith.constant 112 : index
      %swap3A_550 = tpu.vector_load %arg20[%swap3A_549] {strides = array<i32>} : memref<384xf32, #tpu.memory_space<vmem>>, vector<16xf32>,
      tpu.vector_store %arg20[%swap3A_549], %gather3A_548 {strides = array<i32>} : memref<384xf32, #tpu.memory_space<vmem>>, vector<16xf32>,
      %gather3A_551 = tpu.vector_load_idx %arg15[%get3A_547] : memref<10000xf32, #tpu.memory_space<vmem>>[vector<16xi32>], vector<16xf32>,
      %swap3A_552 = arith.constant 240 : index
      %swap3A_553 = tpu.vector_load %arg20[%swap3A_552] {strides = array<i32>} : memref<384xf32, #tpu.memory_space<vmem>>, vector<16xf32>,
      tpu.vector_store %arg20[%swap3A_552], %gather3A_551 {strides = array<i32>} : memref<384xf32, #tpu.memory_space<vmem>>, vector<16xf32>,
      %gather3A_554 = tpu.vector_load_idx %arg16[%get3A_547] : memref<10000xf32, #tpu.memory_space<vmem>>[vector<16xi32>], vector<16xf32>,
      %swap3A_555 = arith.constant 368 : index
      %swap3A_556 = tpu.vector_load %arg20[%swap3A_555] {strides = array<i32>} : memref<384xf32, #tpu.memory_space<vmem>>, vector<16xf32>,
      tpu.vector_store %arg20[%swap3A_555], %gather3A_554 {strides = array<i32>} : memref<384xf32, #tpu.memory_space<vmem>>, vector<16xf32>,
      %dma_wait3A_557 = tpu.memref_slice %arg9[%mul3A_306] : memref<10240xi32, #tpu.memory_space<vmem>> -> memref<128xi32, #tpu.memory_space<vmem>>
      %dma_wait3A_558 = arith.constant 0 : i32
      %dma_wait3A_559 = arith.constant 0 : i32
      %dma_wait3A_560 = tpu.memref_slice %arg2[%dma_wait3A_558, %dma_wait3A_559] : memref<10000x128xf32, #tpu.memory_space<hbm>> -> memref<10000x128xf32, #tpu.memory_space<hbm>>
      tpu.wait_indirect_dma semaphore(%arg22 : memref<!tpu.dma_semaphore, #tpu.memory_space<semaphore_mem>>) src(%dma_wait3A_560 : memref<10000x128xf32, #tpu.memory_space<hbm>>) dst(%arg12 : memref<128x128xf32, #tpu.memory_space<vmem>>)
      %mul3A_561 = arith.constant 128 : i32
      %mul3A_562 = arith.muli %add3A_302, %mul3A_561 : i32
      %add3A_563 = arith.addi %mul3A_2, %mul3A_562 : i32
      %multiple_of3A_564 = tpu.assume_multiple %add3A_563, 128 : i32
      %dma_start3A_565 = arith.constant 0 : i32
      %dma_start3A_566 = tpu.memref_slice %arg7[%multiple_of3A_564, %dma_start3A_565] : memref<327680x128xf32, #tpu.memory_space<hbm>> -> memref<128x128xf32, #tpu.memory_space<hbm>>
      %dma_start3A_567 = arith.constant 0 : i32
      %dma_start3A_568 = tpu.memref_slice %arg7[%multiple_of3A_564, %dma_start3A_567] : memref<327680x128xf32, #tpu.memory_space<hbm>> -> memref<128x128xf32, #tpu.memory_space<hbm>>
      tpu.enqueue_dma source(%arg12 : memref<128x128xf32, #tpu.memory_space<vmem>>) target(%dma_start3A_568 : memref<128x128xf32, #tpu.memory_space<hbm>>) target_semaphore(%arg24 : memref<!tpu.dma_semaphore, #tpu.memory_space<semaphore_mem>>)
      %dma_wait3A_569 = tpu.memref_slice %arg9[%mul3A_312] : memref<10240xi32, #tpu.memory_space<vmem>> -> memref<128xi32, #tpu.memory_space<vmem>>
      %dma_wait3A_570 = arith.constant 0 : i32
      %dma_wait3A_571 = arith.constant 0 : i32
      %dma_wait3A_572 = tpu.memref_slice %arg2[%dma_wait3A_570, %dma_wait3A_571] : memref<10000x128xf32, #tpu.memory_space<hbm>> -> memref<10000x128xf32, #tpu.memory_space<hbm>>
      tpu.wait_indirect_dma semaphore(%arg22 : memref<!tpu.dma_semaphore, #tpu.memory_space<semaphore_mem>>) src(%dma_wait3A_572 : memref<10000x128xf32, #tpu.memory_space<hbm>>) dst(%arg13 : memref<128x128xf32, #tpu.memory_space<vmem>>)
      %mul3A_573 = arith.constant 128 : i32
      %mul3A_574 = arith.muli %add3A_304, %mul3A_573 : i32
      %add3A_575 = arith.addi %mul3A_2, %mul3A_574 : i32
      %multiple_of3A_576 = tpu.assume_multiple %add3A_575, 128 : i32
      %dma_start3A_577 = arith.constant 0 : i32
      %dma_start3A_578 = tpu.memref_slice %arg7[%multiple_of3A_576, %dma_start3A_577] : memref<327680x128xf32, #tpu.memory_space<hbm>> -> memref<128x128xf32, #tpu.memory_space<hbm>>
      %dma_start3A_579 = arith.constant 0 : i32
      %dma_start3A_580 = tpu.memref_slice %arg7[%multiple_of3A_576, %dma_start3A_579] : memref<327680x128xf32, #tpu.memory_space<hbm>> -> memref<128x128xf32, #tpu.memory_space<hbm>>
      tpu.enqueue_dma source(%arg13 : memref<128x128xf32, #tpu.memory_space<vmem>>) target(%dma_start3A_580 : memref<128x128xf32, #tpu.memory_space<hbm>>) target_semaphore(%arg24 : memref<!tpu.dma_semaphore, #tpu.memory_space<semaphore_mem>>)
      %add3A_581 = arith.addi %mul3A_4, %add3A_302 : i32
      %mul3A_582 = arith.constant 3 : i32
      %mul3A_583 = arith.muli %add3A_581, %mul3A_582 : i32
      %mul3A_584 = arith.constant 128 : i32
      %mul3A_585 = arith.muli %mul3A_583, %mul3A_584 : i32
      %multiple_of3A_586 = tpu.assume_multiple %mul3A_585, 128 : i32
      %dma_start3A_587 = tpu.memref_slice %arg8[%multiple_of3A_586] : memref<983040xf32, #tpu.memory_space<hbm>> -> memref<384xf32, #tpu.memory_space<hbm>>
      %dma_start3A_588 = tpu.memref_slice %arg8[%multiple_of3A_586] : memref<983040xf32, #tpu.memory_space<hbm>> -> memref<384xf32, #tpu.memory_space<hbm>>
      tpu.enqueue_dma source(%arg19 : memref<384xf32, #tpu.memory_space<vmem>>) target(%dma_start3A_588 : memref<384xf32, #tpu.memory_space<hbm>>) target_semaphore(%arg24 : memref<!tpu.dma_semaphore, #tpu.memory_space<semaphore_mem>>)
      %add3A_589 = arith.addi %mul3A_4, %add3A_304 : i32
      %mul3A_590 = arith.constant 3 : i32
      %mul3A_591 = arith.muli %add3A_589, %mul3A_590 : i32
      %mul3A_592 = arith.constant 128 : i32
      %mul3A_593 = arith.muli %mul3A_591, %mul3A_592 : i32
      %multiple_of3A_594 = tpu.assume_multiple %mul3A_593, 128 : i32
      %dma_start3A_595 = tpu.memref_slice %arg8[%multiple_of3A_594] : memref<983040xf32, #tpu.memory_space<hbm>> -> memref<384xf32, #tpu.memory_space<hbm>>
      %dma_start3A_596 = tpu.memref_slice %arg8[%multiple_of3A_594] : memref<983040xf32, #tpu.memory_space<hbm>> -> memref<384xf32, #tpu.memory_space<hbm>>
      tpu.enqueue_dma source(%arg20 : memref<384xf32, #tpu.memory_space<vmem>>) target(%dma_start3A_596 : memref<384xf32, #tpu.memory_space<hbm>>) target_semaphore(%arg24 : memref<!tpu.dma_semaphore, #tpu.memory_space<semaphore_mem>>)
      %dma_wait3A_597 = arith.constant 0 : i32
      %dma_wait3A_598 = tpu.memref_slice %arg7[%multiple_of3A, %dma_wait3A_597] : memref<327680x128xf32, #tpu.memory_space<hbm>> -> memref<128x128xf32, #tpu.memory_space<hbm>>
      %dma_wait3A_599 = arith.constant 0 : i32
      %dma_wait3A_600 = tpu.memref_slice %arg7[%multiple_of3A, %dma_wait3A_599] : memref<327680x128xf32, #tpu.memory_space<hbm>> -> memref<128x128xf32, #tpu.memory_space<hbm>>
      tpu.wait_dma2 semaphore(%arg23 : memref<!tpu.dma_semaphore, #tpu.memory_space<semaphore_mem>>) src(%arg10 : memref<128x128xf32, #tpu.memory_space<vmem>>) dst(%dma_wait3A_600 : memref<128x128xf32, #tpu.memory_space<hbm>>)
      %dma_wait3A_601 = arith.constant 0 : i32
      %dma_wait3A_602 = tpu.memref_slice %arg7[%multiple_of3A_280, %dma_wait3A_601] : memref<327680x128xf32, #tpu.memory_space<hbm>> -> memref<128x128xf32, #tpu.memory_space<hbm>>
      %dma_wait3A_603 = arith.constant 0 : i32
      %dma_wait3A_604 = tpu.memref_slice %arg7[%multiple_of3A_280, %dma_wait3A_603] : memref<327680x128xf32, #tpu.memory_space<hbm>> -> memref<128x128xf32, #tpu.memory_space<hbm>>
      tpu.wait_dma2 semaphore(%arg23 : memref<!tpu.dma_semaphore, #tpu.memory_space<semaphore_mem>>) src(%arg11 : memref<128x128xf32, #tpu.memory_space<vmem>>) dst(%dma_wait3A_604 : memref<128x128xf32, #tpu.memory_space<hbm>>)
      %dma_wait3A_605 = tpu.memref_slice %arg8[%multiple_of3A_290] : memref<983040xf32, #tpu.memory_space<hbm>> -> memref<384xf32, #tpu.memory_space<hbm>>
      %dma_wait3A_606 = tpu.memref_slice %arg8[%multiple_of3A_290] : memref<983040xf32, #tpu.memory_space<hbm>> -> memref<384xf32, #tpu.memory_space<hbm>>
      tpu.wait_dma2 semaphore(%arg23 : memref<!tpu.dma_semaphore, #tpu.memory_space<semaphore_mem>>) src(%arg17 : memref<384xf32, #tpu.memory_space<vmem>>) dst(%dma_wait3A_606 : memref<384xf32, #tpu.memory_space<hbm>>)
      %dma_wait3A_607 = tpu.memref_slice %arg8[%multiple_of3A_298] : memref<983040xf32, #tpu.memory_space<hbm>> -> memref<384xf32, #tpu.memory_space<hbm>>
      %dma_wait3A_608 = tpu.memref_slice %arg8[%multiple_of3A_298] : memref<983040xf32, #tpu.memory_space<hbm>> -> memref<384xf32, #tpu.memory_space<hbm>>
      tpu.wait_dma2 semaphore(%arg23 : memref<!tpu.dma_semaphore, #tpu.memory_space<semaphore_mem>>) src(%arg18 : memref<384xf32, #tpu.memory_space<vmem>>) dst(%dma_wait3A_608 : memref<384xf32, #tpu.memory_space<hbm>>)
      %add3A_609 = arith.constant 4 : i32
      %add3A_610 = arith.addi %mul3A_12, %add3A_609 : i32
      %add3A_611 = arith.constant 1 : i32
      %add3A_612 = arith.addi %add3A_610, %add3A_611 : i32
      %mul3A_613 = arith.constant 128 : i32
      %mul3A_614 = arith.muli %add3A_610, %mul3A_613 : i32
      %dma_start3A_615 = tpu.memref_slice %arg9[%mul3A_614] : memref<10240xi32, #tpu.memory_space<vmem>> -> memref<128xi32, #tpu.memory_space<vmem>>
      %dma_start3A_616 = arith.constant 0 : i32
      %dma_start3A_617 = arith.constant 0 : i32
      %dma_start3A_618 = tpu.memref_slice %arg2[%dma_start3A_616, %dma_start3A_617] : memref<10000x128xf32, #tpu.memory_space<hbm>> -> memref<10000x128xf32, #tpu.memory_space<hbm>>
      tpu.enqueue_indirect_dma source(%dma_start3A_618 : memref<10000x128xf32, #tpu.memory_space<hbm>>) target(%arg10 : memref<128x128xf32, #tpu.memory_space<vmem>>) offsets(%dma_start3A_615 : memref<128xi32, #tpu.memory_space<vmem>>) semaphore(%arg21 : memref<!tpu.dma_semaphore, #tpu.memory_space<semaphore_mem>>)
      %mul3A_619 = arith.constant 128 : i32
      %mul3A_620 = arith.muli %add3A_612, %mul3A_619 : i32
      %dma_start3A_621 = tpu.memref_slice %arg9[%mul3A_620] : memref<10240xi32, #tpu.memory_space<vmem>> -> memref<128xi32, #tpu.memory_space<vmem>>
      %dma_start3A_622 = arith.constant 0 : i32
      %dma_start3A_623 = arith.constant 0 : i32
      %dma_start3A_624 = tpu.memref_slice %arg2[%dma_start3A_622, %dma_start3A_623] : memref<10000x128xf32, #tpu.memory_space<hbm>> -> memref<10000x128xf32, #tpu.memory_space<hbm>>
      tpu.enqueue_indirect_dma source(%dma_start3A_624 : memref<10000x128xf32, #tpu.memory_space<hbm>>) target(%arg11 : memref<128x128xf32, #tpu.memory_space<vmem>>) offsets(%dma_start3A_621 : memref<128xi32, #tpu.memory_space<vmem>>) semaphore(%arg21 : memref<!tpu.dma_semaphore, #tpu.memory_space<semaphore_mem>>)
      %mul3A_625 = arith.constant 128 : i32
      %mul3A_626 = arith.muli %add3A_610, %mul3A_625 : i32
      %add3A_627 = arith.constant 0 : i32
      %add3A_628 = arith.addi %mul3A_626, %add3A_627 : i32
      %get3A_629 = arith.index_cast %add3A_628 : i32 to index
      %get3A_630 = tpu.vector_load %arg9[%get3A_629] {strides = array<i32>} : memref<10240xi32, #tpu.memory_space<vmem>>, vector<16xi32>,
      %gather3A_631 = tpu.vector_load_idx %arg14[%get3A_630] : memref<10000xf32, #tpu.memory_space<vmem>>[vector<16xi32>], vector<16xf32>,
      %swap3A_632 = arith.constant 0 : index
      %swap3A_633 = tpu.vector_load %arg17[%swap3A_632] {strides = array<i32>} : memref<384xf32, #tpu.memory_space<vmem>>, vector<16xf32>,
      tpu.vector_store %arg17[%swap3A_632], %gather3A_631 {strides = array<i32>} : memref<384xf32, #tpu.memory_space<vmem>>, vector<16xf32>,
      %gather3A_634 = tpu.vector_load_idx %arg15[%get3A_630] : memref<10000xf32, #tpu.memory_space<vmem>>[vector<16xi32>], vector<16xf32>,
      %swap3A_635 = arith.constant 128 : index
      %swap3A_636 = tpu.vector_load %arg17[%swap3A_635] {strides = array<i32>} : memref<384xf32, #tpu.memory_space<vmem>>, vector<16xf32>,
      tpu.vector_store %arg17[%swap3A_635], %gather3A_634 {strides = array<i32>} : memref<384xf32, #tpu.memory_space<vmem>>, vector<16xf32>,
      %gather3A_637 = tpu.vector_load_idx %arg16[%get3A_630] : memref<10000xf32, #tpu.memory_space<vmem>>[vector<16xi32>], vector<16xf32>,
      %swap3A_638 = arith.constant 256 : index
      %swap3A_639 = tpu.vector_load %arg17[%swap3A_638] {strides = array<i32>} : memref<384xf32, #tpu.memory_space<vmem>>, vector<16xf32>,
      tpu.vector_store %arg17[%swap3A_638], %gather3A_637 {strides = array<i32>} : memref<384xf32, #tpu.memory_space<vmem>>, vector<16xf32>,
      %mul3A_640 = arith.constant 128 : i32
      %mul3A_641 = arith.muli %add3A_610, %mul3A_640 : i32
      %add3A_642 = arith.constant 16 : i32
      %add3A_643 = arith.addi %mul3A_641, %add3A_642 : i32
      %get3A_644 = arith.index_cast %add3A_643 : i32 to index
      %get3A_645 = tpu.vector_load %arg9[%get3A_644] {strides = array<i32>} : memref<10240xi32, #tpu.memory_space<vmem>>, vector<16xi32>,
      %gather3A_646 = tpu.vector_load_idx %arg14[%get3A_645] : memref<10000xf32, #tpu.memory_space<vmem>>[vector<16xi32>], vector<16xf32>,
      %swap3A_647 = arith.constant 16 : index
      %swap3A_648 = tpu.vector_load %arg17[%swap3A_647] {strides = array<i32>} : memref<384xf32, #tpu.memory_space<vmem>>, vector<16xf32>,
      tpu.vector_store %arg17[%swap3A_647], %gather3A_646 {strides = array<i32>} : memref<384xf32, #tpu.memory_space<vmem>>, vector<16xf32>,
      %gather3A_649 = tpu.vector_load_idx %arg15[%get3A_645] : memref<10000xf32, #tpu.memory_space<vmem>>[vector<16xi32>], vector<16xf32>,
      %swap3A_650 = arith.constant 144 : index
      %swap3A_651 = tpu.vector_load %arg17[%swap3A_650] {strides = array<i32>} : memref<384xf32, #tpu.memory_space<vmem>>, vector<16xf32>,
      tpu.vector_store %arg17[%swap3A_650], %gather3A_649 {strides = array<i32>} : memref<384xf32, #tpu.memory_space<vmem>>, vector<16xf32>,
      %gather3A_652 = tpu.vector_load_idx %arg16[%get3A_645] : memref<10000xf32, #tpu.memory_space<vmem>>[vector<16xi32>], vector<16xf32>,
      %swap3A_653 = arith.constant 272 : index
      %swap3A_654 = tpu.vector_load %arg17[%swap3A_653] {strides = array<i32>} : memref<384xf32, #tpu.memory_space<vmem>>, vector<16xf32>,
      tpu.vector_store %arg17[%swap3A_653], %gather3A_652 {strides = array<i32>} : memref<384xf32, #tpu.memory_space<vmem>>, vector<16xf32>,
      %mul3A_655 = arith.constant 128 : i32
      %mul3A_656 = arith.muli %add3A_610, %mul3A_655 : i32
      %add3A_657 = arith.constant 32 : i32
      %add3A_658 = arith.addi %mul3A_656, %add3A_657 : i32
      %get3A_659 = arith.index_cast %add3A_658 : i32 to index
      %get3A_660 = tpu.vector_load %arg9[%get3A_659] {strides = array<i32>} : memref<10240xi32, #tpu.memory_space<vmem>>, vector<16xi32>,
      %gather3A_661 = tpu.vector_load_idx %arg14[%get3A_660] : memref<10000xf32, #tpu.memory_space<vmem>>[vector<16xi32>], vector<16xf32>,
      %swap3A_662 = arith.constant 32 : index
      %swap3A_663 = tpu.vector_load %arg17[%swap3A_662] {strides = array<i32>} : memref<384xf32, #tpu.memory_space<vmem>>, vector<16xf32>,
      tpu.vector_store %arg17[%swap3A_662], %gather3A_661 {strides = array<i32>} : memref<384xf32, #tpu.memory_space<vmem>>, vector<16xf32>,
      %gather3A_664 = tpu.vector_load_idx %arg15[%get3A_660] : memref<10000xf32, #tpu.memory_space<vmem>>[vector<16xi32>], vector<16xf32>,
      %swap3A_665 = arith.constant 160 : index
      %swap3A_666 = tpu.vector_load %arg17[%swap3A_665] {strides = array<i32>} : memref<384xf32, #tpu.memory_space<vmem>>, vector<16xf32>,
      tpu.vector_store %arg17[%swap3A_665], %gather3A_664 {strides = array<i32>} : memref<384xf32, #tpu.memory_space<vmem>>, vector<16xf32>,
      %gather3A_667 = tpu.vector_load_idx %arg16[%get3A_660] : memref<10000xf32, #tpu.memory_space<vmem>>[vector<16xi32>], vector<16xf32>,
      %swap3A_668 = arith.constant 288 : index
      %swap3A_669 = tpu.vector_load %arg17[%swap3A_668] {strides = array<i32>} : memref<384xf32, #tpu.memory_space<vmem>>, vector<16xf32>,
      tpu.vector_store %arg17[%swap3A_668], %gather3A_667 {strides = array<i32>} : memref<384xf32, #tpu.memory_space<vmem>>, vector<16xf32>,
      %mul3A_670 = arith.constant 128 : i32
      %mul3A_671 = arith.muli %add3A_610, %mul3A_670 : i32
      %add3A_672 = arith.constant 48 : i32
      %add3A_673 = arith.addi %mul3A_671, %add3A_672 : i32
      %get3A_674 = arith.index_cast %add3A_673 : i32 to index
      %get3A_675 = tpu.vector_load %arg9[%get3A_674] {strides = array<i32>} : memref<10240xi32, #tpu.memory_space<vmem>>, vector<16xi32>,
      %gather3A_676 = tpu.vector_load_idx %arg14[%get3A_675] : memref<10000xf32, #tpu.memory_space<vmem>>[vector<16xi32>], vector<16xf32>,
      %swap3A_677 = arith.constant 48 : index
      %swap3A_678 = tpu.vector_load %arg17[%swap3A_677] {strides = array<i32>} : memref<384xf32, #tpu.memory_space<vmem>>, vector<16xf32>,
      tpu.vector_store %arg17[%swap3A_677], %gather3A_676 {strides = array<i32>} : memref<384xf32, #tpu.memory_space<vmem>>, vector<16xf32>,
      %gather3A_679 = tpu.vector_load_idx %arg15[%get3A_675] : memref<10000xf32, #tpu.memory_space<vmem>>[vector<16xi32>], vector<16xf32>,
      %swap3A_680 = arith.constant 176 : index
      %swap3A_681 = tpu.vector_load %arg17[%swap3A_680] {strides = array<i32>} : memref<384xf32, #tpu.memory_space<vmem>>, vector<16xf32>,
      tpu.vector_store %arg17[%swap3A_680], %gather3A_679 {strides = array<i32>} : memref<384xf32, #tpu.memory_space<vmem>>, vector<16xf32>,
      %gather3A_682 = tpu.vector_load_idx %arg16[%get3A_675] : memref<10000xf32, #tpu.memory_space<vmem>>[vector<16xi32>], vector<16xf32>,
      %swap3A_683 = arith.constant 304 : index
      %swap3A_684 = tpu.vector_load %arg17[%swap3A_683] {strides = array<i32>} : memref<384xf32, #tpu.memory_space<vmem>>, vector<16xf32>,
      tpu.vector_store %arg17[%swap3A_683], %gather3A_682 {strides = array<i32>} : memref<384xf32, #tpu.memory_space<vmem>>, vector<16xf32>,
      %mul3A_685 = arith.constant 128 : i32
      %mul3A_686 = arith.muli %add3A_610, %mul3A_685 : i32
      %add3A_687 = arith.constant 64 : i32
      %add3A_688 = arith.addi %mul3A_686, %add3A_687 : i32
      %get3A_689 = arith.index_cast %add3A_688 : i32 to index
      %get3A_690 = tpu.vector_load %arg9[%get3A_689] {strides = array<i32>} : memref<10240xi32, #tpu.memory_space<vmem>>, vector<16xi32>,
      %gather3A_691 = tpu.vector_load_idx %arg14[%get3A_690] : memref<10000xf32, #tpu.memory_space<vmem>>[vector<16xi32>], vector<16xf32>,
      %swap3A_692 = arith.constant 64 : index
      %swap3A_693 = tpu.vector_load %arg17[%swap3A_692] {strides = array<i32>} : memref<384xf32, #tpu.memory_space<vmem>>, vector<16xf32>,
      tpu.vector_store %arg17[%swap3A_692], %gather3A_691 {strides = array<i32>} : memref<384xf32, #tpu.memory_space<vmem>>, vector<16xf32>,
      %gather3A_694 = tpu.vector_load_idx %arg15[%get3A_690] : memref<10000xf32, #tpu.memory_space<vmem>>[vector<16xi32>], vector<16xf32>,
      %swap3A_695 = arith.constant 192 : index
      %swap3A_696 = tpu.vector_load %arg17[%swap3A_695] {strides = array<i32>} : memref<384xf32, #tpu.memory_space<vmem>>, vector<16xf32>,
      tpu.vector_store %arg17[%swap3A_695], %gather3A_694 {strides = array<i32>} : memref<384xf32, #tpu.memory_space<vmem>>, vector<16xf32>,
      %gather3A_697 = tpu.vector_load_idx %arg16[%get3A_690] : memref<10000xf32, #tpu.memory_space<vmem>>[vector<16xi32>], vector<16xf32>,
      %swap3A_698 = arith.constant 320 : index
      %swap3A_699 = tpu.vector_load %arg17[%swap3A_698] {strides = array<i32>} : memref<384xf32, #tpu.memory_space<vmem>>, vector<16xf32>,
      tpu.vector_store %arg17[%swap3A_698], %gather3A_697 {strides = array<i32>} : memref<384xf32, #tpu.memory_space<vmem>>, vector<16xf32>,
      %mul3A_700 = arith.constant 128 : i32
      %mul3A_701 = arith.muli %add3A_610, %mul3A_700 : i32
      %add3A_702 = arith.constant 80 : i32
      %add3A_703 = arith.addi %mul3A_701, %add3A_702 : i32
      %get3A_704 = arith.index_cast %add3A_703 : i32 to index
      %get3A_705 = tpu.vector_load %arg9[%get3A_704] {strides = array<i32>} : memref<10240xi32, #tpu.memory_space<vmem>>, vector<16xi32>,
      %gather3A_706 = tpu.vector_load_idx %arg14[%get3A_705] : memref<10000xf32, #tpu.memory_space<vmem>>[vector<16xi32>], vector<16xf32>,
      %swap3A_707 = arith.constant 80 : index
      %swap3A_708 = tpu.vector_load %arg17[%swap3A_707] {strides = array<i32>} : memref<384xf32, #tpu.memory_space<vmem>>, vector<16xf32>,
      tpu.vector_store %arg17[%swap3A_707], %gather3A_706 {strides = array<i32>} : memref<384xf32, #tpu.memory_space<vmem>>, vector<16xf32>,
      %gather3A_709 = tpu.vector_load_idx %arg15[%get3A_705] : memref<10000xf32, #tpu.memory_space<vmem>>[vector<16xi32>], vector<16xf32>,
      %swap3A_710 = arith.constant 208 : index
      %swap3A_711 = tpu.vector_load %arg17[%swap3A_710] {strides = array<i32>} : memref<384xf32, #tpu.memory_space<vmem>>, vector<16xf32>,
      tpu.vector_store %arg17[%swap3A_710], %gather3A_709 {strides = array<i32>} : memref<384xf32, #tpu.memory_space<vmem>>, vector<16xf32>,
      %gather3A_712 = tpu.vector_load_idx %arg16[%get3A_705] : memref<10000xf32, #tpu.memory_space<vmem>>[vector<16xi32>], vector<16xf32>,
      %swap3A_713 = arith.constant 336 : index
      %swap3A_714 = tpu.vector_load %arg17[%swap3A_713] {strides = array<i32>} : memref<384xf32, #tpu.memory_space<vmem>>, vector<16xf32>,
      tpu.vector_store %arg17[%swap3A_713], %gather3A_712 {strides = array<i32>} : memref<384xf32, #tpu.memory_space<vmem>>, vector<16xf32>,
      %mul3A_715 = arith.constant 128 : i32
      %mul3A_716 = arith.muli %add3A_610, %mul3A_715 : i32
      %add3A_717 = arith.constant 96 : i32
      %add3A_718 = arith.addi %mul3A_716, %add3A_717 : i32
      %get3A_719 = arith.index_cast %add3A_718 : i32 to index
      %get3A_720 = tpu.vector_load %arg9[%get3A_719] {strides = array<i32>} : memref<10240xi32, #tpu.memory_space<vmem>>, vector<16xi32>,
      %gather3A_721 = tpu.vector_load_idx %arg14[%get3A_720] : memref<10000xf32, #tpu.memory_space<vmem>>[vector<16xi32>], vector<16xf32>,
      %swap3A_722 = arith.constant 96 : index
      %swap3A_723 = tpu.vector_load %arg17[%swap3A_722] {strides = array<i32>} : memref<384xf32, #tpu.memory_space<vmem>>, vector<16xf32>,
      tpu.vector_store %arg17[%swap3A_722], %gather3A_721 {strides = array<i32>} : memref<384xf32, #tpu.memory_space<vmem>>, vector<16xf32>,
      %gather3A_724 = tpu.vector_load_idx %arg15[%get3A_720] : memref<10000xf32, #tpu.memory_space<vmem>>[vector<16xi32>], vector<16xf32>,
      %swap3A_725 = arith.constant 224 : index
      %swap3A_726 = tpu.vector_load %arg17[%swap3A_725] {strides = array<i32>} : memref<384xf32, #tpu.memory_space<vmem>>, vector<16xf32>,
      tpu.vector_store %arg17[%swap3A_725], %gather3A_724 {strides = array<i32>} : memref<384xf32, #tpu.memory_space<vmem>>, vector<16xf32>,
      %gather3A_727 = tpu.vector_load_idx %arg16[%get3A_720] : memref<10000xf32, #tpu.memory_space<vmem>>[vector<16xi32>], vector<16xf32>,
      %swap3A_728 = arith.constant 352 : index
      %swap3A_729 = tpu.vector_load %arg17[%swap3A_728] {strides = array<i32>} : memref<384xf32, #tpu.memory_space<vmem>>, vector<16xf32>,
      tpu.vector_store %arg17[%swap3A_728], %gather3A_727 {strides = array<i32>} : memref<384xf32, #tpu.memory_space<vmem>>, vector<16xf32>,
      %mul3A_730 = arith.constant 128 : i32
      %mul3A_731 = arith.muli %add3A_610, %mul3A_730 : i32
      %add3A_732 = arith.constant 112 : i32
      %add3A_733 = arith.addi %mul3A_731, %add3A_732 : i32
      %get3A_734 = arith.index_cast %add3A_733 : i32 to index
      %get3A_735 = tpu.vector_load %arg9[%get3A_734] {strides = array<i32>} : memref<10240xi32, #tpu.memory_space<vmem>>, vector<16xi32>,
      %gather3A_736 = tpu.vector_load_idx %arg14[%get3A_735] : memref<10000xf32, #tpu.memory_space<vmem>>[vector<16xi32>], vector<16xf32>,
      %swap3A_737 = arith.constant 112 : index
      %swap3A_738 = tpu.vector_load %arg17[%swap3A_737] {strides = array<i32>} : memref<384xf32, #tpu.memory_space<vmem>>, vector<16xf32>,
      tpu.vector_store %arg17[%swap3A_737], %gather3A_736 {strides = array<i32>} : memref<384xf32, #tpu.memory_space<vmem>>, vector<16xf32>,
      %gather3A_739 = tpu.vector_load_idx %arg15[%get3A_735] : memref<10000xf32, #tpu.memory_space<vmem>>[vector<16xi32>], vector<16xf32>,
      %swap3A_740 = arith.constant 240 : index
      %swap3A_741 = tpu.vector_load %arg17[%swap3A_740] {strides = array<i32>} : memref<384xf32, #tpu.memory_space<vmem>>, vector<16xf32>,
      tpu.vector_store %arg17[%swap3A_740], %gather3A_739 {strides = array<i32>} : memref<384xf32, #tpu.memory_space<vmem>>, vector<16xf32>,
      %gather3A_742 = tpu.vector_load_idx %arg16[%get3A_735] : memref<10000xf32, #tpu.memory_space<vmem>>[vector<16xi32>], vector<16xf32>,
      %swap3A_743 = arith.constant 368 : index
      %swap3A_744 = tpu.vector_load %arg17[%swap3A_743] {strides = array<i32>} : memref<384xf32, #tpu.memory_space<vmem>>, vector<16xf32>,
      tpu.vector_store %arg17[%swap3A_743], %gather3A_742 {strides = array<i32>} : memref<384xf32, #tpu.memory_space<vmem>>, vector<16xf32>,
      %mul3A_745 = arith.constant 128 : i32
      %mul3A_746 = arith.muli %add3A_612, %mul3A_745 : i32
      %add3A_747 = arith.constant 0 : i32
      %add3A_748 = arith.addi %mul3A_746, %add3A_747 : i32
      %get3A_749 = arith.index_cast %add3A_748 : i32 to index
      %get3A_750 = tpu.vector_load %arg9[%get3A_749] {strides = array<i32>} : memref<10240xi32, #tpu.memory_space<vmem>>, vector<16xi32>,
      %gather3A_751 = tpu.vector_load_idx %arg14[%get3A_750] : memref<10000xf32, #tpu.memory_space<vmem>>[vector<16xi32>], vector<16xf32>,
      %swap3A_752 = arith.constant 0 : index
      %swap3A_753 = tpu.vector_load %arg18[%swap3A_752] {strides = array<i32>} : memref<384xf32, #tpu.memory_space<vmem>>, vector<16xf32>,
      tpu.vector_store %arg18[%swap3A_752], %gather3A_751 {strides = array<i32>} : memref<384xf32, #tpu.memory_space<vmem>>, vector<16xf32>,
      %gather3A_754 = tpu.vector_load_idx %arg15[%get3A_750] : memref<10000xf32, #tpu.memory_space<vmem>>[vector<16xi32>], vector<16xf32>,
      %swap3A_755 = arith.constant 128 : index
      %swap3A_756 = tpu.vector_load %arg18[%swap3A_755] {strides = array<i32>} : memref<384xf32, #tpu.memory_space<vmem>>, vector<16xf32>,
      tpu.vector_store %arg18[%swap3A_755], %gather3A_754 {strides = array<i32>} : memref<384xf32, #tpu.memory_space<vmem>>, vector<16xf32>,
      %gather3A_757 = tpu.vector_load_idx %arg16[%get3A_750] : memref<10000xf32, #tpu.memory_space<vmem>>[vector<16xi32>], vector<16xf32>,
      %swap3A_758 = arith.constant 256 : index
      %swap3A_759 = tpu.vector_load %arg18[%swap3A_758] {strides = array<i32>} : memref<384xf32, #tpu.memory_space<vmem>>, vector<16xf32>,
      tpu.vector_store %arg18[%swap3A_758], %gather3A_757 {strides = array<i32>} : memref<384xf32, #tpu.memory_space<vmem>>, vector<16xf32>,
      %mul3A_760 = arith.constant 128 : i32
      %mul3A_761 = arith.muli %add3A_612, %mul3A_760 : i32
      %add3A_762 = arith.constant 16 : i32
      %add3A_763 = arith.addi %mul3A_761, %add3A_762 : i32
      %get3A_764 = arith.index_cast %add3A_763 : i32 to index
      %get3A_765 = tpu.vector_load %arg9[%get3A_764] {strides = array<i32>} : memref<10240xi32, #tpu.memory_space<vmem>>, vector<16xi32>,
      %gather3A_766 = tpu.vector_load_idx %arg14[%get3A_765] : memref<10000xf32, #tpu.memory_space<vmem>>[vector<16xi32>], vector<16xf32>,
      %swap3A_767 = arith.constant 16 : index
      %swap3A_768 = tpu.vector_load %arg18[%swap3A_767] {strides = array<i32>} : memref<384xf32, #tpu.memory_space<vmem>>, vector<16xf32>,
      tpu.vector_store %arg18[%swap3A_767], %gather3A_766 {strides = array<i32>} : memref<384xf32, #tpu.memory_space<vmem>>, vector<16xf32>,
      %gather3A_769 = tpu.vector_load_idx %arg15[%get3A_765] : memref<10000xf32, #tpu.memory_space<vmem>>[vector<16xi32>], vector<16xf32>,
      %swap3A_770 = arith.constant 144 : index
      %swap3A_771 = tpu.vector_load %arg18[%swap3A_770] {strides = array<i32>} : memref<384xf32, #tpu.memory_space<vmem>>, vector<16xf32>,
      tpu.vector_store %arg18[%swap3A_770], %gather3A_769 {strides = array<i32>} : memref<384xf32, #tpu.memory_space<vmem>>, vector<16xf32>,
      %gather3A_772 = tpu.vector_load_idx %arg16[%get3A_765] : memref<10000xf32, #tpu.memory_space<vmem>>[vector<16xi32>], vector<16xf32>,
      %swap3A_773 = arith.constant 272 : index
      %swap3A_774 = tpu.vector_load %arg18[%swap3A_773] {strides = array<i32>} : memref<384xf32, #tpu.memory_space<vmem>>, vector<16xf32>,
      tpu.vector_store %arg18[%swap3A_773], %gather3A_772 {strides = array<i32>} : memref<384xf32, #tpu.memory_space<vmem>>, vector<16xf32>,
      %mul3A_775 = arith.constant 128 : i32
      %mul3A_776 = arith.muli %add3A_612, %mul3A_775 : i32
      %add3A_777 = arith.constant 32 : i32
      %add3A_778 = arith.addi %mul3A_776, %add3A_777 : i32
      %get3A_779 = arith.index_cast %add3A_778 : i32 to index
      %get3A_780 = tpu.vector_load %arg9[%get3A_779] {strides = array<i32>} : memref<10240xi32, #tpu.memory_space<vmem>>, vector<16xi32>,
      %gather3A_781 = tpu.vector_load_idx %arg14[%get3A_780] : memref<10000xf32, #tpu.memory_space<vmem>>[vector<16xi32>], vector<16xf32>,
      %swap3A_782 = arith.constant 32 : index
      %swap3A_783 = tpu.vector_load %arg18[%swap3A_782] {strides = array<i32>} : memref<384xf32, #tpu.memory_space<vmem>>, vector<16xf32>,
      tpu.vector_store %arg18[%swap3A_782], %gather3A_781 {strides = array<i32>} : memref<384xf32, #tpu.memory_space<vmem>>, vector<16xf32>,
      %gather3A_784 = tpu.vector_load_idx %arg15[%get3A_780] : memref<10000xf32, #tpu.memory_space<vmem>>[vector<16xi32>], vector<16xf32>,
      %swap3A_785 = arith.constant 160 : index
      %swap3A_786 = tpu.vector_load %arg18[%swap3A_785] {strides = array<i32>} : memref<384xf32, #tpu.memory_space<vmem>>, vector<16xf32>,
      tpu.vector_store %arg18[%swap3A_785], %gather3A_784 {strides = array<i32>} : memref<384xf32, #tpu.memory_space<vmem>>, vector<16xf32>,
      %gather3A_787 = tpu.vector_load_idx %arg16[%get3A_780] : memref<10000xf32, #tpu.memory_space<vmem>>[vector<16xi32>], vector<16xf32>,
      %swap3A_788 = arith.constant 288 : index
      %swap3A_789 = tpu.vector_load %arg18[%swap3A_788] {strides = array<i32>} : memref<384xf32, #tpu.memory_space<vmem>>, vector<16xf32>,
      tpu.vector_store %arg18[%swap3A_788], %gather3A_787 {strides = array<i32>} : memref<384xf32, #tpu.memory_space<vmem>>, vector<16xf32>,
      %mul3A_790 = arith.constant 128 : i32
      %mul3A_791 = arith.muli %add3A_612, %mul3A_790 : i32
      %add3A_792 = arith.constant 48 : i32
      %add3A_793 = arith.addi %mul3A_791, %add3A_792 : i32
      %get3A_794 = arith.index_cast %add3A_793 : i32 to index
      %get3A_795 = tpu.vector_load %arg9[%get3A_794] {strides = array<i32>} : memref<10240xi32, #tpu.memory_space<vmem>>, vector<16xi32>,
      %gather3A_796 = tpu.vector_load_idx %arg14[%get3A_795] : memref<10000xf32, #tpu.memory_space<vmem>>[vector<16xi32>], vector<16xf32>,
      %swap3A_797 = arith.constant 48 : index
      %swap3A_798 = tpu.vector_load %arg18[%swap3A_797] {strides = array<i32>} : memref<384xf32, #tpu.memory_space<vmem>>, vector<16xf32>,
      tpu.vector_store %arg18[%swap3A_797], %gather3A_796 {strides = array<i32>} : memref<384xf32, #tpu.memory_space<vmem>>, vector<16xf32>,
      %gather3A_799 = tpu.vector_load_idx %arg15[%get3A_795] : memref<10000xf32, #tpu.memory_space<vmem>>[vector<16xi32>], vector<16xf32>,
      %swap3A_800 = arith.constant 176 : index
      %swap3A_801 = tpu.vector_load %arg18[%swap3A_800] {strides = array<i32>} : memref<384xf32, #tpu.memory_space<vmem>>, vector<16xf32>,
      tpu.vector_store %arg18[%swap3A_800], %gather3A_799 {strides = array<i32>} : memref<384xf32, #tpu.memory_space<vmem>>, vector<16xf32>,
      %gather3A_802 = tpu.vector_load_idx %arg16[%get3A_795] : memref<10000xf32, #tpu.memory_space<vmem>>[vector<16xi32>], vector<16xf32>,
      %swap3A_803 = arith.constant 304 : index
      %swap3A_804 = tpu.vector_load %arg18[%swap3A_803] {strides = array<i32>} : memref<384xf32, #tpu.memory_space<vmem>>, vector<16xf32>,
      tpu.vector_store %arg18[%swap3A_803], %gather3A_802 {strides = array<i32>} : memref<384xf32, #tpu.memory_space<vmem>>, vector<16xf32>,
      %mul3A_805 = arith.constant 128 : i32
      %mul3A_806 = arith.muli %add3A_612, %mul3A_805 : i32
      %add3A_807 = arith.constant 64 : i32
      %add3A_808 = arith.addi %mul3A_806, %add3A_807 : i32
      %get3A_809 = arith.index_cast %add3A_808 : i32 to index
      %get3A_810 = tpu.vector_load %arg9[%get3A_809] {strides = array<i32>} : memref<10240xi32, #tpu.memory_space<vmem>>, vector<16xi32>,
      %gather3A_811 = tpu.vector_load_idx %arg14[%get3A_810] : memref<10000xf32, #tpu.memory_space<vmem>>[vector<16xi32>], vector<16xf32>,
      %swap3A_812 = arith.constant 64 : index
      %swap3A_813 = tpu.vector_load %arg18[%swap3A_812] {strides = array<i32>} : memref<384xf32, #tpu.memory_space<vmem>>, vector<16xf32>,
      tpu.vector_store %arg18[%swap3A_812], %gather3A_811 {strides = array<i32>} : memref<384xf32, #tpu.memory_space<vmem>>, vector<16xf32>,
      %gather3A_814 = tpu.vector_load_idx %arg15[%get3A_810] : memref<10000xf32, #tpu.memory_space<vmem>>[vector<16xi32>], vector<16xf32>,
      %swap3A_815 = arith.constant 192 : index
      %swap3A_816 = tpu.vector_load %arg18[%swap3A_815] {strides = array<i32>} : memref<384xf32, #tpu.memory_space<vmem>>, vector<16xf32>,
      tpu.vector_store %arg18[%swap3A_815], %gather3A_814 {strides = array<i32>} : memref<384xf32, #tpu.memory_space<vmem>>, vector<16xf32>,
      %gather3A_817 = tpu.vector_load_idx %arg16[%get3A_810] : memref<10000xf32, #tpu.memory_space<vmem>>[vector<16xi32>], vector<16xf32>,
      %swap3A_818 = arith.constant 320 : index
      %swap3A_819 = tpu.vector_load %arg18[%swap3A_818] {strides = array<i32>} : memref<384xf32, #tpu.memory_space<vmem>>, vector<16xf32>,
      tpu.vector_store %arg18[%swap3A_818], %gather3A_817 {strides = array<i32>} : memref<384xf32, #tpu.memory_space<vmem>>, vector<16xf32>,
      %mul3A_820 = arith.constant 128 : i32
      %mul3A_821 = arith.muli %add3A_612, %mul3A_820 : i32
      %add3A_822 = arith.constant 80 : i32
      %add3A_823 = arith.addi %mul3A_821, %add3A_822 : i32
      %get3A_824 = arith.index_cast %add3A_823 : i32 to index
      %get3A_825 = tpu.vector_load %arg9[%get3A_824] {strides = array<i32>} : memref<10240xi32, #tpu.memory_space<vmem>>, vector<16xi32>,
      %gather3A_826 = tpu.vector_load_idx %arg14[%get3A_825] : memref<10000xf32, #tpu.memory_space<vmem>>[vector<16xi32>], vector<16xf32>,
      %swap3A_827 = arith.constant 80 : index
      %swap3A_828 = tpu.vector_load %arg18[%swap3A_827] {strides = array<i32>} : memref<384xf32, #tpu.memory_space<vmem>>, vector<16xf32>,
      tpu.vector_store %arg18[%swap3A_827], %gather3A_826 {strides = array<i32>} : memref<384xf32, #tpu.memory_space<vmem>>, vector<16xf32>,
      %gather3A_829 = tpu.vector_load_idx %arg15[%get3A_825] : memref<10000xf32, #tpu.memory_space<vmem>>[vector<16xi32>], vector<16xf32>,
      %swap3A_830 = arith.constant 208 : index
      %swap3A_831 = tpu.vector_load %arg18[%swap3A_830] {strides = array<i32>} : memref<384xf32, #tpu.memory_space<vmem>>, vector<16xf32>,
      tpu.vector_store %arg18[%swap3A_830], %gather3A_829 {strides = array<i32>} : memref<384xf32, #tpu.memory_space<vmem>>, vector<16xf32>,
      %gather3A_832 = tpu.vector_load_idx %arg16[%get3A_825] : memref<10000xf32, #tpu.memory_space<vmem>>[vector<16xi32>], vector<16xf32>,
      %swap3A_833 = arith.constant 336 : index
      %swap3A_834 = tpu.vector_load %arg18[%swap3A_833] {strides = array<i32>} : memref<384xf32, #tpu.memory_space<vmem>>, vector<16xf32>,
      tpu.vector_store %arg18[%swap3A_833], %gather3A_832 {strides = array<i32>} : memref<384xf32, #tpu.memory_space<vmem>>, vector<16xf32>,
      %mul3A_835 = arith.constant 128 : i32
      %mul3A_836 = arith.muli %add3A_612, %mul3A_835 : i32
      %add3A_837 = arith.constant 96 : i32
      %add3A_838 = arith.addi %mul3A_836, %add3A_837 : i32
      %get3A_839 = arith.index_cast %add3A_838 : i32 to index
      %get3A_840 = tpu.vector_load %arg9[%get3A_839] {strides = array<i32>} : memref<10240xi32, #tpu.memory_space<vmem>>, vector<16xi32>,
      %gather3A_841 = tpu.vector_load_idx %arg14[%get3A_840] : memref<10000xf32, #tpu.memory_space<vmem>>[vector<16xi32>], vector<16xf32>,
      %swap3A_842 = arith.constant 96 : index
      %swap3A_843 = tpu.vector_load %arg18[%swap3A_842] {strides = array<i32>} : memref<384xf32, #tpu.memory_space<vmem>>, vector<16xf32>,
      tpu.vector_store %arg18[%swap3A_842], %gather3A_841 {strides = array<i32>} : memref<384xf32, #tpu.memory_space<vmem>>, vector<16xf32>,
      %gather3A_844 = tpu.vector_load_idx %arg15[%get3A_840] : memref<10000xf32, #tpu.memory_space<vmem>>[vector<16xi32>], vector<16xf32>,
      %swap3A_845 = arith.constant 224 : index
      %swap3A_846 = tpu.vector_load %arg18[%swap3A_845] {strides = array<i32>} : memref<384xf32, #tpu.memory_space<vmem>>, vector<16xf32>,
      tpu.vector_store %arg18[%swap3A_845], %gather3A_844 {strides = array<i32>} : memref<384xf32, #tpu.memory_space<vmem>>, vector<16xf32>,
      %gather3A_847 = tpu.vector_load_idx %arg16[%get3A_840] : memref<10000xf32, #tpu.memory_space<vmem>>[vector<16xi32>], vector<16xf32>,
      %swap3A_848 = arith.constant 352 : index
      %swap3A_849 = tpu.vector_load %arg18[%swap3A_848] {strides = array<i32>} : memref<384xf32, #tpu.memory_space<vmem>>, vector<16xf32>,
      tpu.vector_store %arg18[%swap3A_848], %gather3A_847 {strides = array<i32>} : memref<384xf32, #tpu.memory_space<vmem>>, vector<16xf32>,
      %mul3A_850 = arith.constant 128 : i32
      %mul3A_851 = arith.muli %add3A_612, %mul3A_850 : i32
      %add3A_852 = arith.constant 112 : i32
      %add3A_853 = arith.addi %mul3A_851, %add3A_852 : i32
      %get3A_854 = arith.index_cast %add3A_853 : i32 to index
      %get3A_855 = tpu.vector_load %arg9[%get3A_854] {strides = array<i32>} : memref<10240xi32, #tpu.memory_space<vmem>>, vector<16xi32>,
      %gather3A_856 = tpu.vector_load_idx %arg14[%get3A_855] : memref<10000xf32, #tpu.memory_space<vmem>>[vector<16xi32>], vector<16xf32>,
      %swap3A_857 = arith.constant 112 : index
      %swap3A_858 = tpu.vector_load %arg18[%swap3A_857] {strides = array<i32>} : memref<384xf32, #tpu.memory_space<vmem>>, vector<16xf32>,
      tpu.vector_store %arg18[%swap3A_857], %gather3A_856 {strides = array<i32>} : memref<384xf32, #tpu.memory_space<vmem>>, vector<16xf32>,
      %gather3A_859 = tpu.vector_load_idx %arg15[%get3A_855] : memref<10000xf32, #tpu.memory_space<vmem>>[vector<16xi32>], vector<16xf32>,
      %swap3A_860 = arith.constant 240 : index
      %swap3A_861 = tpu.vector_load %arg18[%swap3A_860] {strides = array<i32>} : memref<384xf32, #tpu.memory_space<vmem>>, vector<16xf32>,
      tpu.vector_store %arg18[%swap3A_860], %gather3A_859 {strides = array<i32>} : memref<384xf32, #tpu.memory_space<vmem>>, vector<16xf32>,
      %gather3A_862 = tpu.vector_load_idx %arg16[%get3A_855] : memref<10000xf32, #tpu.memory_space<vmem>>[vector<16xi32>], vector<16xf32>,
      %swap3A_863 = arith.constant 368 : index
      %swap3A_864 = tpu.vector_load %arg18[%swap3A_863] {strides = array<i32>} : memref<384xf32, #tpu.memory_space<vmem>>, vector<16xf32>,
      tpu.vector_store %arg18[%swap3A_863], %gather3A_862 {strides = array<i32>} : memref<384xf32, #tpu.memory_space<vmem>>, vector<16xf32>,
      %dma_wait3A_865 = tpu.memref_slice %arg9[%mul3A_614] : memref<10240xi32, #tpu.memory_space<vmem>> -> memref<128xi32, #tpu.memory_space<vmem>>
      %dma_wait3A_866 = arith.constant 0 : i32
      %dma_wait3A_867 = arith.constant 0 : i32
      %dma_wait3A_868 = tpu.memref_slice %arg2[%dma_wait3A_866, %dma_wait3A_867] : memref<10000x128xf32, #tpu.memory_space<hbm>> -> memref<10000x128xf32, #tpu.memory_space<hbm>>
      tpu.wait_indirect_dma semaphore(%arg21 : memref<!tpu.dma_semaphore, #tpu.memory_space<semaphore_mem>>) src(%dma_wait3A_868 : memref<10000x128xf32, #tpu.memory_space<hbm>>) dst(%arg10 : memref<128x128xf32, #tpu.memory_space<vmem>>)
      %mul3A_869 = arith.constant 128 : i32
      %mul3A_870 = arith.muli %add3A_610, %mul3A_869 : i32
      %add3A_871 = arith.addi %mul3A_2, %mul3A_870 : i32
      %multiple_of3A_872 = tpu.assume_multiple %add3A_871, 128 : i32
      %dma_start3A_873 = arith.constant 0 : i32
      %dma_start3A_874 = tpu.memref_slice %arg7[%multiple_of3A_872, %dma_start3A_873] : memref<327680x128xf32, #tpu.memory_space<hbm>> -> memref<128x128xf32, #tpu.memory_space<hbm>>
      %dma_start3A_875 = arith.constant 0 : i32
      %dma_start3A_876 = tpu.memref_slice %arg7[%multiple_of3A_872, %dma_start3A_875] : memref<327680x128xf32, #tpu.memory_space<hbm>> -> memref<128x128xf32, #tpu.memory_space<hbm>>
      tpu.enqueue_dma source(%arg10 : memref<128x128xf32, #tpu.memory_space<vmem>>) target(%dma_start3A_876 : memref<128x128xf32, #tpu.memory_space<hbm>>) target_semaphore(%arg23 : memref<!tpu.dma_semaphore, #tpu.memory_space<semaphore_mem>>)
      %dma_wait3A_877 = tpu.memref_slice %arg9[%mul3A_620] : memref<10240xi32, #tpu.memory_space<vmem>> -> memref<128xi32, #tpu.memory_space<vmem>>
      %dma_wait3A_878 = arith.constant 0 : i32
      %dma_wait3A_879 = arith.constant 0 : i32
      %dma_wait3A_880 = tpu.memref_slice %arg2[%dma_wait3A_878, %dma_wait3A_879] : memref<10000x128xf32, #tpu.memory_space<hbm>> -> memref<10000x128xf32, #tpu.memory_space<hbm>>
      tpu.wait_indirect_dma semaphore(%arg21 : memref<!tpu.dma_semaphore, #tpu.memory_space<semaphore_mem>>) src(%dma_wait3A_880 : memref<10000x128xf32, #tpu.memory_space<hbm>>) dst(%arg11 : memref<128x128xf32, #tpu.memory_space<vmem>>)
      %mul3A_881 = arith.constant 128 : i32
      %mul3A_882 = arith.muli %add3A_612, %mul3A_881 : i32
      %add3A_883 = arith.addi %mul3A_2, %mul3A_882 : i32
      %multiple_of3A_884 = tpu.assume_multiple %add3A_883, 128 : i32
      %dma_start3A_885 = arith.constant 0 : i32
      %dma_start3A_886 = tpu.memref_slice %arg7[%multiple_of3A_884, %dma_start3A_885] : memref<327680x128xf32, #tpu.memory_space<hbm>> -> memref<128x128xf32, #tpu.memory_space<hbm>>
      %dma_start3A_887 = arith.constant 0 : i32
      %dma_start3A_888 = tpu.memref_slice %arg7[%multiple_of3A_884, %dma_start3A_887] : memref<327680x128xf32, #tpu.memory_space<hbm>> -> memref<128x128xf32, #tpu.memory_space<hbm>>
      tpu.enqueue_dma source(%arg11 : memref<128x128xf32, #tpu.memory_space<vmem>>) target(%dma_start3A_888 : memref<128x128xf32, #tpu.memory_space<hbm>>) target_semaphore(%arg23 : memref<!tpu.dma_semaphore, #tpu.memory_space<semaphore_mem>>)
      %add3A_889 = arith.addi %mul3A_4, %add3A_610 : i32
      %mul3A_890 = arith.constant 3 : i32
      %mul3A_891 = arith.muli %add3A_889, %mul3A_890 : i32
      %mul3A_892 = arith.constant 128 : i32
      %mul3A_893 = arith.muli %mul3A_891, %mul3A_892 : i32
      %multiple_of3A_894 = tpu.assume_multiple %mul3A_893, 128 : i32
      %dma_start3A_895 = tpu.memref_slice %arg8[%multiple_of3A_894] : memref<983040xf32, #tpu.memory_space<hbm>> -> memref<384xf32, #tpu.memory_space<hbm>>
      %dma_start3A_896 = tpu.memref_slice %arg8[%multiple_of3A_894] : memref<983040xf32, #tpu.memory_space<hbm>> -> memref<384xf32, #tpu.memory_space<hbm>>
      tpu.enqueue_dma source(%arg17 : memref<384xf32, #tpu.memory_space<vmem>>) target(%dma_start3A_896 : memref<384xf32, #tpu.memory_space<hbm>>) target_semaphore(%arg23 : memref<!tpu.dma_semaphore, #tpu.memory_space<semaphore_mem>>)
      %add3A_897 = arith.addi %mul3A_4, %add3A_612 : i32
      %mul3A_898 = arith.constant 3 : i32
      %mul3A_899 = arith.muli %add3A_897, %mul3A_898 : i32
      %mul3A_900 = arith.constant 128 : i32
      %mul3A_901 = arith.muli %mul3A_899, %mul3A_900 : i32
      %multiple_of3A_902 = tpu.assume_multiple %mul3A_901, 128 : i32
      %dma_start3A_903 = tpu.memref_slice %arg8[%multiple_of3A_902] : memref<983040xf32, #tpu.memory_space<hbm>> -> memref<384xf32, #tpu.memory_space<hbm>>
      %dma_start3A_904 = tpu.memref_slice %arg8[%multiple_of3A_902] : memref<983040xf32, #tpu.memory_space<hbm>> -> memref<384xf32, #tpu.memory_space<hbm>>
      tpu.enqueue_dma source(%arg18 : memref<384xf32, #tpu.memory_space<vmem>>) target(%dma_start3A_904 : memref<384xf32, #tpu.memory_space<hbm>>) target_semaphore(%arg23 : memref<!tpu.dma_semaphore, #tpu.memory_space<semaphore_mem>>)
      %dma_wait3A_905 = arith.constant 0 : i32
      %dma_wait3A_906 = tpu.memref_slice %arg7[%multiple_of3A_564, %dma_wait3A_905] : memref<327680x128xf32, #tpu.memory_space<hbm>> -> memref<128x128xf32, #tpu.memory_space<hbm>>
      %dma_wait3A_907 = arith.constant 0 : i32
      %dma_wait3A_908 = tpu.memref_slice %arg7[%multiple_of3A_564, %dma_wait3A_907] : memref<327680x128xf32, #tpu.memory_space<hbm>> -> memref<128x128xf32, #tpu.memory_space<hbm>>
      tpu.wait_dma2 semaphore(%arg24 : memref<!tpu.dma_semaphore, #tpu.memory_space<semaphore_mem>>) src(%arg12 : memref<128x128xf32, #tpu.memory_space<vmem>>) dst(%dma_wait3A_908 : memref<128x128xf32, #tpu.memory_space<hbm>>)
      %dma_wait3A_909 = arith.constant 0 : i32
      %dma_wait3A_910 = tpu.memref_slice %arg7[%multiple_of3A_576, %dma_wait3A_909] : memref<327680x128xf32, #tpu.memory_space<hbm>> -> memref<128x128xf32, #tpu.memory_space<hbm>>
      %dma_wait3A_911 = arith.constant 0 : i32
      %dma_wait3A_912 = tpu.memref_slice %arg7[%multiple_of3A_576, %dma_wait3A_911] : memref<327680x128xf32, #tpu.memory_space<hbm>> -> memref<128x128xf32, #tpu.memory_space<hbm>>
      tpu.wait_dma2 semaphore(%arg24 : memref<!tpu.dma_semaphore, #tpu.memory_space<semaphore_mem>>) src(%arg13 : memref<128x128xf32, #tpu.memory_space<vmem>>) dst(%dma_wait3A_912 : memref<128x128xf32, #tpu.memory_space<hbm>>)
      %dma_wait3A_913 = tpu.memref_slice %arg8[%multiple_of3A_586] : memref<983040xf32, #tpu.memory_space<hbm>> -> memref<384xf32, #tpu.memory_space<hbm>>
      %dma_wait3A_914 = tpu.memref_slice %arg8[%multiple_of3A_586] : memref<983040xf32, #tpu.memory_space<hbm>> -> memref<384xf32, #tpu.memory_space<hbm>>
      tpu.wait_dma2 semaphore(%arg24 : memref<!tpu.dma_semaphore, #tpu.memory_space<semaphore_mem>>) src(%arg19 : memref<384xf32, #tpu.memory_space<vmem>>) dst(%dma_wait3A_914 : memref<384xf32, #tpu.memory_space<hbm>>)
      %dma_wait3A_915 = tpu.memref_slice %arg8[%multiple_of3A_594] : memref<983040xf32, #tpu.memory_space<hbm>> -> memref<384xf32, #tpu.memory_space<hbm>>
      %dma_wait3A_916 = tpu.memref_slice %arg8[%multiple_of3A_594] : memref<983040xf32, #tpu.memory_space<hbm>> -> memref<384xf32, #tpu.memory_space<hbm>>
      tpu.wait_dma2 semaphore(%arg24 : memref<!tpu.dma_semaphore, #tpu.memory_space<semaphore_mem>>) src(%arg20 : memref<384xf32, #tpu.memory_space<vmem>>) dst(%dma_wait3A_916 : memref<384xf32, #tpu.memory_space<hbm>>)
      %add3A_917 = arith.constant 6 : i32
      %add3A_918 = arith.addi %mul3A_12, %add3A_917 : i32
      %add3A_919 = arith.constant 1 : i32
      %add3A_920 = arith.addi %add3A_918, %add3A_919 : i32
      %mul3A_921 = arith.constant 128 : i32
      %mul3A_922 = arith.muli %add3A_918, %mul3A_921 : i32
      %dma_start3A_923 = tpu.memref_slice %arg9[%mul3A_922] : memref<10240xi32, #tpu.memory_space<vmem>> -> memref<128xi32, #tpu.memory_space<vmem>>
      %dma_start3A_924 = arith.constant 0 : i32
      %dma_start3A_925 = arith.constant 0 : i32
      %dma_start3A_926 = tpu.memref_slice %arg2[%dma_start3A_924, %dma_start3A_925] : memref<10000x128xf32, #tpu.memory_space<hbm>> -> memref<10000x128xf32, #tpu.memory_space<hbm>>
      tpu.enqueue_indirect_dma source(%dma_start3A_926 : memref<10000x128xf32, #tpu.memory_space<hbm>>) target(%arg12 : memref<128x128xf32, #tpu.memory_space<vmem>>) offsets(%dma_start3A_923 : memref<128xi32, #tpu.memory_space<vmem>>) semaphore(%arg22 : memref<!tpu.dma_semaphore, #tpu.memory_space<semaphore_mem>>)
      %mul3A_927 = arith.constant 128 : i32
      %mul3A_928 = arith.muli %add3A_920, %mul3A_927 : i32
      %dma_start3A_929 = tpu.memref_slice %arg9[%mul3A_928] : memref<10240xi32, #tpu.memory_space<vmem>> -> memref<128xi32, #tpu.memory_space<vmem>>
      %dma_start3A_930 = arith.constant 0 : i32
      %dma_start3A_931 = arith.constant 0 : i32
      %dma_start3A_932 = tpu.memref_slice %arg2[%dma_start3A_930, %dma_start3A_931] : memref<10000x128xf32, #tpu.memory_space<hbm>> -> memref<10000x128xf32, #tpu.memory_space<hbm>>
      tpu.enqueue_indirect_dma source(%dma_start3A_932 : memref<10000x128xf32, #tpu.memory_space<hbm>>) target(%arg13 : memref<128x128xf32, #tpu.memory_space<vmem>>) offsets(%dma_start3A_929 : memref<128xi32, #tpu.memory_space<vmem>>) semaphore(%arg22 : memref<!tpu.dma_semaphore, #tpu.memory_space<semaphore_mem>>)
      %mul3A_933 = arith.constant 128 : i32
      %mul3A_934 = arith.muli %add3A_918, %mul3A_933 : i32
      %add3A_935 = arith.constant 0 : i32
      %add3A_936 = arith.addi %mul3A_934, %add3A_935 : i32
      %get3A_937 = arith.index_cast %add3A_936 : i32 to index
      %get3A_938 = tpu.vector_load %arg9[%get3A_937] {strides = array<i32>} : memref<10240xi32, #tpu.memory_space<vmem>>, vector<16xi32>,
      %gather3A_939 = tpu.vector_load_idx %arg14[%get3A_938] : memref<10000xf32, #tpu.memory_space<vmem>>[vector<16xi32>], vector<16xf32>,
      %swap3A_940 = arith.constant 0 : index
      %swap3A_941 = tpu.vector_load %arg19[%swap3A_940] {strides = array<i32>} : memref<384xf32, #tpu.memory_space<vmem>>, vector<16xf32>,
      tpu.vector_store %arg19[%swap3A_940], %gather3A_939 {strides = array<i32>} : memref<384xf32, #tpu.memory_space<vmem>>, vector<16xf32>,
      %gather3A_942 = tpu.vector_load_idx %arg15[%get3A_938] : memref<10000xf32, #tpu.memory_space<vmem>>[vector<16xi32>], vector<16xf32>,
      %swap3A_943 = arith.constant 128 : index
      %swap3A_944 = tpu.vector_load %arg19[%swap3A_943] {strides = array<i32>} : memref<384xf32, #tpu.memory_space<vmem>>, vector<16xf32>,
      tpu.vector_store %arg19[%swap3A_943], %gather3A_942 {strides = array<i32>} : memref<384xf32, #tpu.memory_space<vmem>>, vector<16xf32>,
      %gather3A_945 = tpu.vector_load_idx %arg16[%get3A_938] : memref<10000xf32, #tpu.memory_space<vmem>>[vector<16xi32>], vector<16xf32>,
      %swap3A_946 = arith.constant 256 : index
      %swap3A_947 = tpu.vector_load %arg19[%swap3A_946] {strides = array<i32>} : memref<384xf32, #tpu.memory_space<vmem>>, vector<16xf32>,
      tpu.vector_store %arg19[%swap3A_946], %gather3A_945 {strides = array<i32>} : memref<384xf32, #tpu.memory_space<vmem>>, vector<16xf32>,
      %mul3A_948 = arith.constant 128 : i32
      %mul3A_949 = arith.muli %add3A_918, %mul3A_948 : i32
      %add3A_950 = arith.constant 16 : i32
      %add3A_951 = arith.addi %mul3A_949, %add3A_950 : i32
      %get3A_952 = arith.index_cast %add3A_951 : i32 to index
      %get3A_953 = tpu.vector_load %arg9[%get3A_952] {strides = array<i32>} : memref<10240xi32, #tpu.memory_space<vmem>>, vector<16xi32>,
      %gather3A_954 = tpu.vector_load_idx %arg14[%get3A_953] : memref<10000xf32, #tpu.memory_space<vmem>>[vector<16xi32>], vector<16xf32>,
      %swap3A_955 = arith.constant 16 : index
      %swap3A_956 = tpu.vector_load %arg19[%swap3A_955] {strides = array<i32>} : memref<384xf32, #tpu.memory_space<vmem>>, vector<16xf32>,
      tpu.vector_store %arg19[%swap3A_955], %gather3A_954 {strides = array<i32>} : memref<384xf32, #tpu.memory_space<vmem>>, vector<16xf32>,
      %gather3A_957 = tpu.vector_load_idx %arg15[%get3A_953] : memref<10000xf32, #tpu.memory_space<vmem>>[vector<16xi32>], vector<16xf32>,
      %swap3A_958 = arith.constant 144 : index
      %swap3A_959 = tpu.vector_load %arg19[%swap3A_958] {strides = array<i32>} : memref<384xf32, #tpu.memory_space<vmem>>, vector<16xf32>,
      tpu.vector_store %arg19[%swap3A_958], %gather3A_957 {strides = array<i32>} : memref<384xf32, #tpu.memory_space<vmem>>, vector<16xf32>,
      %gather3A_960 = tpu.vector_load_idx %arg16[%get3A_953] : memref<10000xf32, #tpu.memory_space<vmem>>[vector<16xi32>], vector<16xf32>,
      %swap3A_961 = arith.constant 272 : index
      %swap3A_962 = tpu.vector_load %arg19[%swap3A_961] {strides = array<i32>} : memref<384xf32, #tpu.memory_space<vmem>>, vector<16xf32>,
      tpu.vector_store %arg19[%swap3A_961], %gather3A_960 {strides = array<i32>} : memref<384xf32, #tpu.memory_space<vmem>>, vector<16xf32>,
      %mul3A_963 = arith.constant 128 : i32
      %mul3A_964 = arith.muli %add3A_918, %mul3A_963 : i32
      %add3A_965 = arith.constant 32 : i32
      %add3A_966 = arith.addi %mul3A_964, %add3A_965 : i32
      %get3A_967 = arith.index_cast %add3A_966 : i32 to index
      %get3A_968 = tpu.vector_load %arg9[%get3A_967] {strides = array<i32>} : memref<10240xi32, #tpu.memory_space<vmem>>, vector<16xi32>,
      %gather3A_969 = tpu.vector_load_idx %arg14[%get3A_968] : memref<10000xf32, #tpu.memory_space<vmem>>[vector<16xi32>], vector<16xf32>,
      %swap3A_970 = arith.constant 32 : index
      %swap3A_971 = tpu.vector_load %arg19[%swap3A_970] {strides = array<i32>} : memref<384xf32, #tpu.memory_space<vmem>>, vector<16xf32>,
      tpu.vector_store %arg19[%swap3A_970], %gather3A_969 {strides = array<i32>} : memref<384xf32, #tpu.memory_space<vmem>>, vector<16xf32>,
      %gather3A_972 = tpu.vector_load_idx %arg15[%get3A_968] : memref<10000xf32, #tpu.memory_space<vmem>>[vector<16xi32>], vector<16xf32>,
      %swap3A_973 = arith.constant 160 : index
      %swap3A_974 = tpu.vector_load %arg19[%swap3A_973] {strides = array<i32>} : memref<384xf32, #tpu.memory_space<vmem>>, vector<16xf32>,
      tpu.vector_store %arg19[%swap3A_973], %gather3A_972 {strides = array<i32>} : memref<384xf32, #tpu.memory_space<vmem>>, vector<16xf32>,
      %gather3A_975 = tpu.vector_load_idx %arg16[%get3A_968] : memref<10000xf32, #tpu.memory_space<vmem>>[vector<16xi32>], vector<16xf32>,
      %swap3A_976 = arith.constant 288 : index
      %swap3A_977 = tpu.vector_load %arg19[%swap3A_976] {strides = array<i32>} : memref<384xf32, #tpu.memory_space<vmem>>, vector<16xf32>,
      tpu.vector_store %arg19[%swap3A_976], %gather3A_975 {strides = array<i32>} : memref<384xf32, #tpu.memory_space<vmem>>, vector<16xf32>,
      %mul3A_978 = arith.constant 128 : i32
      %mul3A_979 = arith.muli %add3A_918, %mul3A_978 : i32
      %add3A_980 = arith.constant 48 : i32
      %add3A_981 = arith.addi %mul3A_979, %add3A_980 : i32
      %get3A_982 = arith.index_cast %add3A_981 : i32 to index
      %get3A_983 = tpu.vector_load %arg9[%get3A_982] {strides = array<i32>} : memref<10240xi32, #tpu.memory_space<vmem>>, vector<16xi32>,
      %gather3A_984 = tpu.vector_load_idx %arg14[%get3A_983] : memref<10000xf32, #tpu.memory_space<vmem>>[vector<16xi32>], vector<16xf32>,
      %swap3A_985 = arith.constant 48 : index
      %swap3A_986 = tpu.vector_load %arg19[%swap3A_985] {strides = array<i32>} : memref<384xf32, #tpu.memory_space<vmem>>, vector<16xf32>,
      tpu.vector_store %arg19[%swap3A_985], %gather3A_984 {strides = array<i32>} : memref<384xf32, #tpu.memory_space<vmem>>, vector<16xf32>,
      %gather3A_987 = tpu.vector_load_idx %arg15[%get3A_983] : memref<10000xf32, #tpu.memory_space<vmem>>[vector<16xi32>], vector<16xf32>,
      %swap3A_988 = arith.constant 176 : index
      %swap3A_989 = tpu.vector_load %arg19[%swap3A_988] {strides = array<i32>} : memref<384xf32, #tpu.memory_space<vmem>>, vector<16xf32>,
      tpu.vector_store %arg19[%swap3A_988], %gather3A_987 {strides = array<i32>} : memref<384xf32, #tpu.memory_space<vmem>>, vector<16xf32>,
      %gather3A_990 = tpu.vector_load_idx %arg16[%get3A_983] : memref<10000xf32, #tpu.memory_space<vmem>>[vector<16xi32>], vector<16xf32>,
      %swap3A_991 = arith.constant 304 : index
      %swap3A_992 = tpu.vector_load %arg19[%swap3A_991] {strides = array<i32>} : memref<384xf32, #tpu.memory_space<vmem>>, vector<16xf32>,
      tpu.vector_store %arg19[%swap3A_991], %gather3A_990 {strides = array<i32>} : memref<384xf32, #tpu.memory_space<vmem>>, vector<16xf32>,
      %mul3A_993 = arith.constant 128 : i32
      %mul3A_994 = arith.muli %add3A_918, %mul3A_993 : i32
      %add3A_995 = arith.constant 64 : i32
      %add3A_996 = arith.addi %mul3A_994, %add3A_995 : i32
      %get3A_997 = arith.index_cast %add3A_996 : i32 to index
      %get3A_998 = tpu.vector_load %arg9[%get3A_997] {strides = array<i32>} : memref<10240xi32, #tpu.memory_space<vmem>>, vector<16xi32>,
      %gather3A_999 = tpu.vector_load_idx %arg14[%get3A_998] : memref<10000xf32, #tpu.memory_space<vmem>>[vector<16xi32>], vector<16xf32>,
      %swap3A_1000 = arith.constant 64 : index
      %swap3A_1001 = tpu.vector_load %arg19[%swap3A_1000] {strides = array<i32>} : memref<384xf32, #tpu.memory_space<vmem>>, vector<16xf32>,
      tpu.vector_store %arg19[%swap3A_1000], %gather3A_999 {strides = array<i32>} : memref<384xf32, #tpu.memory_space<vmem>>, vector<16xf32>,
      %gather3A_1002 = tpu.vector_load_idx %arg15[%get3A_998] : memref<10000xf32, #tpu.memory_space<vmem>>[vector<16xi32>], vector<16xf32>,
      %swap3A_1003 = arith.constant 192 : index
      %swap3A_1004 = tpu.vector_load %arg19[%swap3A_1003] {strides = array<i32>} : memref<384xf32, #tpu.memory_space<vmem>>, vector<16xf32>,
      tpu.vector_store %arg19[%swap3A_1003], %gather3A_1002 {strides = array<i32>} : memref<384xf32, #tpu.memory_space<vmem>>, vector<16xf32>,
      %gather3A_1005 = tpu.vector_load_idx %arg16[%get3A_998] : memref<10000xf32, #tpu.memory_space<vmem>>[vector<16xi32>], vector<16xf32>,
      %swap3A_1006 = arith.constant 320 : index
      %swap3A_1007 = tpu.vector_load %arg19[%swap3A_1006] {strides = array<i32>} : memref<384xf32, #tpu.memory_space<vmem>>, vector<16xf32>,
      tpu.vector_store %arg19[%swap3A_1006], %gather3A_1005 {strides = array<i32>} : memref<384xf32, #tpu.memory_space<vmem>>, vector<16xf32>,
      %mul3A_1008 = arith.constant 128 : i32
      %mul3A_1009 = arith.muli %add3A_918, %mul3A_1008 : i32
      %add3A_1010 = arith.constant 80 : i32
      %add3A_1011 = arith.addi %mul3A_1009, %add3A_1010 : i32
      %get3A_1012 = arith.index_cast %add3A_1011 : i32 to index
      %get3A_1013 = tpu.vector_load %arg9[%get3A_1012] {strides = array<i32>} : memref<10240xi32, #tpu.memory_space<vmem>>, vector<16xi32>,
      %gather3A_1014 = tpu.vector_load_idx %arg14[%get3A_1013] : memref<10000xf32, #tpu.memory_space<vmem>>[vector<16xi32>], vector<16xf32>,
      %swap3A_1015 = arith.constant 80 : index
      %swap3A_1016 = tpu.vector_load %arg19[%swap3A_1015] {strides = array<i32>} : memref<384xf32, #tpu.memory_space<vmem>>, vector<16xf32>,
      tpu.vector_store %arg19[%swap3A_1015], %gather3A_1014 {strides = array<i32>} : memref<384xf32, #tpu.memory_space<vmem>>, vector<16xf32>,
      %gather3A_1017 = tpu.vector_load_idx %arg15[%get3A_1013] : memref<10000xf32, #tpu.memory_space<vmem>>[vector<16xi32>], vector<16xf32>,
      %swap3A_1018 = arith.constant 208 : index
      %swap3A_1019 = tpu.vector_load %arg19[%swap3A_1018] {strides = array<i32>} : memref<384xf32, #tpu.memory_space<vmem>>, vector<16xf32>,
      tpu.vector_store %arg19[%swap3A_1018], %gather3A_1017 {strides = array<i32>} : memref<384xf32, #tpu.memory_space<vmem>>, vector<16xf32>,
      %gather3A_1020 = tpu.vector_load_idx %arg16[%get3A_1013] : memref<10000xf32, #tpu.memory_space<vmem>>[vector<16xi32>], vector<16xf32>,
      %swap3A_1021 = arith.constant 336 : index
      %swap3A_1022 = tpu.vector_load %arg19[%swap3A_1021] {strides = array<i32>} : memref<384xf32, #tpu.memory_space<vmem>>, vector<16xf32>,
      tpu.vector_store %arg19[%swap3A_1021], %gather3A_1020 {strides = array<i32>} : memref<384xf32, #tpu.memory_space<vmem>>, vector<16xf32>,
      %mul3A_1023 = arith.constant 128 : i32
      %mul3A_1024 = arith.muli %add3A_918, %mul3A_1023 : i32
      %add3A_1025 = arith.constant 96 : i32
      %add3A_1026 = arith.addi %mul3A_1024, %add3A_1025 : i32
      %get3A_1027 = arith.index_cast %add3A_1026 : i32 to index
      %get3A_1028 = tpu.vector_load %arg9[%get3A_1027] {strides = array<i32>} : memref<10240xi32, #tpu.memory_space<vmem>>, vector<16xi32>,
      %gather3A_1029 = tpu.vector_load_idx %arg14[%get3A_1028] : memref<10000xf32, #tpu.memory_space<vmem>>[vector<16xi32>], vector<16xf32>,
      %swap3A_1030 = arith.constant 96 : index
      %swap3A_1031 = tpu.vector_load %arg19[%swap3A_1030] {strides = array<i32>} : memref<384xf32, #tpu.memory_space<vmem>>, vector<16xf32>,
      tpu.vector_store %arg19[%swap3A_1030], %gather3A_1029 {strides = array<i32>} : memref<384xf32, #tpu.memory_space<vmem>>, vector<16xf32>,
      %gather3A_1032 = tpu.vector_load_idx %arg15[%get3A_1028] : memref<10000xf32, #tpu.memory_space<vmem>>[vector<16xi32>], vector<16xf32>,
      %swap3A_1033 = arith.constant 224 : index
      %swap3A_1034 = tpu.vector_load %arg19[%swap3A_1033] {strides = array<i32>} : memref<384xf32, #tpu.memory_space<vmem>>, vector<16xf32>,
      tpu.vector_store %arg19[%swap3A_1033], %gather3A_1032 {strides = array<i32>} : memref<384xf32, #tpu.memory_space<vmem>>, vector<16xf32>,
      %gather3A_1035 = tpu.vector_load_idx %arg16[%get3A_1028] : memref<10000xf32, #tpu.memory_space<vmem>>[vector<16xi32>], vector<16xf32>,
      %swap3A_1036 = arith.constant 352 : index
      %swap3A_1037 = tpu.vector_load %arg19[%swap3A_1036] {strides = array<i32>} : memref<384xf32, #tpu.memory_space<vmem>>, vector<16xf32>,
      tpu.vector_store %arg19[%swap3A_1036], %gather3A_1035 {strides = array<i32>} : memref<384xf32, #tpu.memory_space<vmem>>, vector<16xf32>,
      %mul3A_1038 = arith.constant 128 : i32
      %mul3A_1039 = arith.muli %add3A_918, %mul3A_1038 : i32
      %add3A_1040 = arith.constant 112 : i32
      %add3A_1041 = arith.addi %mul3A_1039, %add3A_1040 : i32
      %get3A_1042 = arith.index_cast %add3A_1041 : i32 to index
      %get3A_1043 = tpu.vector_load %arg9[%get3A_1042] {strides = array<i32>} : memref<10240xi32, #tpu.memory_space<vmem>>, vector<16xi32>,
      %gather3A_1044 = tpu.vector_load_idx %arg14[%get3A_1043] : memref<10000xf32, #tpu.memory_space<vmem>>[vector<16xi32>], vector<16xf32>,
      %swap3A_1045 = arith.constant 112 : index
      %swap3A_1046 = tpu.vector_load %arg19[%swap3A_1045] {strides = array<i32>} : memref<384xf32, #tpu.memory_space<vmem>>, vector<16xf32>,
      tpu.vector_store %arg19[%swap3A_1045], %gather3A_1044 {strides = array<i32>} : memref<384xf32, #tpu.memory_space<vmem>>, vector<16xf32>,
      %gather3A_1047 = tpu.vector_load_idx %arg15[%get3A_1043] : memref<10000xf32, #tpu.memory_space<vmem>>[vector<16xi32>], vector<16xf32>,
      %swap3A_1048 = arith.constant 240 : index
      %swap3A_1049 = tpu.vector_load %arg19[%swap3A_1048] {strides = array<i32>} : memref<384xf32, #tpu.memory_space<vmem>>, vector<16xf32>,
      tpu.vector_store %arg19[%swap3A_1048], %gather3A_1047 {strides = array<i32>} : memref<384xf32, #tpu.memory_space<vmem>>, vector<16xf32>,
      %gather3A_1050 = tpu.vector_load_idx %arg16[%get3A_1043] : memref<10000xf32, #tpu.memory_space<vmem>>[vector<16xi32>], vector<16xf32>,
      %swap3A_1051 = arith.constant 368 : index
      %swap3A_1052 = tpu.vector_load %arg19[%swap3A_1051] {strides = array<i32>} : memref<384xf32, #tpu.memory_space<vmem>>, vector<16xf32>,
      tpu.vector_store %arg19[%swap3A_1051], %gather3A_1050 {strides = array<i32>} : memref<384xf32, #tpu.memory_space<vmem>>, vector<16xf32>,
      %mul3A_1053 = arith.constant 128 : i32
      %mul3A_1054 = arith.muli %add3A_920, %mul3A_1053 : i32
      %add3A_1055 = arith.constant 0 : i32
      %add3A_1056 = arith.addi %mul3A_1054, %add3A_1055 : i32
      %get3A_1057 = arith.index_cast %add3A_1056 : i32 to index
      %get3A_1058 = tpu.vector_load %arg9[%get3A_1057] {strides = array<i32>} : memref<10240xi32, #tpu.memory_space<vmem>>, vector<16xi32>,
      %gather3A_1059 = tpu.vector_load_idx %arg14[%get3A_1058] : memref<10000xf32, #tpu.memory_space<vmem>>[vector<16xi32>], vector<16xf32>,
      %swap3A_1060 = arith.constant 0 : index
      %swap3A_1061 = tpu.vector_load %arg20[%swap3A_1060] {strides = array<i32>} : memref<384xf32, #tpu.memory_space<vmem>>, vector<16xf32>,
      tpu.vector_store %arg20[%swap3A_1060], %gather3A_1059 {strides = array<i32>} : memref<384xf32, #tpu.memory_space<vmem>>, vector<16xf32>,
      %gather3A_1062 = tpu.vector_load_idx %arg15[%get3A_1058] : memref<10000xf32, #tpu.memory_space<vmem>>[vector<16xi32>], vector<16xf32>,
      %swap3A_1063 = arith.constant 128 : index
      %swap3A_1064 = tpu.vector_load %arg20[%swap3A_1063] {strides = array<i32>} : memref<384xf32, #tpu.memory_space<vmem>>, vector<16xf32>,
      tpu.vector_store %arg20[%swap3A_1063], %gather3A_1062 {strides = array<i32>} : memref<384xf32, #tpu.memory_space<vmem>>, vector<16xf32>,
      %gather3A_1065 = tpu.vector_load_idx %arg16[%get3A_1058] : memref<10000xf32, #tpu.memory_space<vmem>>[vector<16xi32>], vector<16xf32>,
      %swap3A_1066 = arith.constant 256 : index
      %swap3A_1067 = tpu.vector_load %arg20[%swap3A_1066] {strides = array<i32>} : memref<384xf32, #tpu.memory_space<vmem>>, vector<16xf32>,
      tpu.vector_store %arg20[%swap3A_1066], %gather3A_1065 {strides = array<i32>} : memref<384xf32, #tpu.memory_space<vmem>>, vector<16xf32>,
      %mul3A_1068 = arith.constant 128 : i32
      %mul3A_1069 = arith.muli %add3A_920, %mul3A_1068 : i32
      %add3A_1070 = arith.constant 16 : i32
      %add3A_1071 = arith.addi %mul3A_1069, %add3A_1070 : i32
      %get3A_1072 = arith.index_cast %add3A_1071 : i32 to index
      %get3A_1073 = tpu.vector_load %arg9[%get3A_1072] {strides = array<i32>} : memref<10240xi32, #tpu.memory_space<vmem>>, vector<16xi32>,
      %gather3A_1074 = tpu.vector_load_idx %arg14[%get3A_1073] : memref<10000xf32, #tpu.memory_space<vmem>>[vector<16xi32>], vector<16xf32>,
      %swap3A_1075 = arith.constant 16 : index
      %swap3A_1076 = tpu.vector_load %arg20[%swap3A_1075] {strides = array<i32>} : memref<384xf32, #tpu.memory_space<vmem>>, vector<16xf32>,
      tpu.vector_store %arg20[%swap3A_1075], %gather3A_1074 {strides = array<i32>} : memref<384xf32, #tpu.memory_space<vmem>>, vector<16xf32>,
      %gather3A_1077 = tpu.vector_load_idx %arg15[%get3A_1073] : memref<10000xf32, #tpu.memory_space<vmem>>[vector<16xi32>], vector<16xf32>,
      %swap3A_1078 = arith.constant 144 : index
      %swap3A_1079 = tpu.vector_load %arg20[%swap3A_1078] {strides = array<i32>} : memref<384xf32, #tpu.memory_space<vmem>>, vector<16xf32>,
      tpu.vector_store %arg20[%swap3A_1078], %gather3A_1077 {strides = array<i32>} : memref<384xf32, #tpu.memory_space<vmem>>, vector<16xf32>,
      %gather3A_1080 = tpu.vector_load_idx %arg16[%get3A_1073] : memref<10000xf32, #tpu.memory_space<vmem>>[vector<16xi32>], vector<16xf32>,
      %swap3A_1081 = arith.constant 272 : index
      %swap3A_1082 = tpu.vector_load %arg20[%swap3A_1081] {strides = array<i32>} : memref<384xf32, #tpu.memory_space<vmem>>, vector<16xf32>,
      tpu.vector_store %arg20[%swap3A_1081], %gather3A_1080 {strides = array<i32>} : memref<384xf32, #tpu.memory_space<vmem>>, vector<16xf32>,
      %mul3A_1083 = arith.constant 128 : i32
      %mul3A_1084 = arith.muli %add3A_920, %mul3A_1083 : i32
      %add3A_1085 = arith.constant 32 : i32
      %add3A_1086 = arith.addi %mul3A_1084, %add3A_1085 : i32
      %get3A_1087 = arith.index_cast %add3A_1086 : i32 to index
      %get3A_1088 = tpu.vector_load %arg9[%get3A_1087] {strides = array<i32>} : memref<10240xi32, #tpu.memory_space<vmem>>, vector<16xi32>,
      %gather3A_1089 = tpu.vector_load_idx %arg14[%get3A_1088] : memref<10000xf32, #tpu.memory_space<vmem>>[vector<16xi32>], vector<16xf32>,
      %swap3A_1090 = arith.constant 32 : index
      %swap3A_1091 = tpu.vector_load %arg20[%swap3A_1090] {strides = array<i32>} : memref<384xf32, #tpu.memory_space<vmem>>, vector<16xf32>,
      tpu.vector_store %arg20[%swap3A_1090], %gather3A_1089 {strides = array<i32>} : memref<384xf32, #tpu.memory_space<vmem>>, vector<16xf32>,
      %gather3A_1092 = tpu.vector_load_idx %arg15[%get3A_1088] : memref<10000xf32, #tpu.memory_space<vmem>>[vector<16xi32>], vector<16xf32>,
      %swap3A_1093 = arith.constant 160 : index
      %swap3A_1094 = tpu.vector_load %arg20[%swap3A_1093] {strides = array<i32>} : memref<384xf32, #tpu.memory_space<vmem>>, vector<16xf32>,
      tpu.vector_store %arg20[%swap3A_1093], %gather3A_1092 {strides = array<i32>} : memref<384xf32, #tpu.memory_space<vmem>>, vector<16xf32>,
      %gather3A_1095 = tpu.vector_load_idx %arg16[%get3A_1088] : memref<10000xf32, #tpu.memory_space<vmem>>[vector<16xi32>], vector<16xf32>,
      %swap3A_1096 = arith.constant 288 : index
      %swap3A_1097 = tpu.vector_load %arg20[%swap3A_1096] {strides = array<i32>} : memref<384xf32, #tpu.memory_space<vmem>>, vector<16xf32>,
      tpu.vector_store %arg20[%swap3A_1096], %gather3A_1095 {strides = array<i32>} : memref<384xf32, #tpu.memory_space<vmem>>, vector<16xf32>,
      %mul3A_1098 = arith.constant 128 : i32
      %mul3A_1099 = arith.muli %add3A_920, %mul3A_1098 : i32
      %add3A_1100 = arith.constant 48 : i32
      %add3A_1101 = arith.addi %mul3A_1099, %add3A_1100 : i32
      %get3A_1102 = arith.index_cast %add3A_1101 : i32 to index
      %get3A_1103 = tpu.vector_load %arg9[%get3A_1102] {strides = array<i32>} : memref<10240xi32, #tpu.memory_space<vmem>>, vector<16xi32>,
      %gather3A_1104 = tpu.vector_load_idx %arg14[%get3A_1103] : memref<10000xf32, #tpu.memory_space<vmem>>[vector<16xi32>], vector<16xf32>,
      %swap3A_1105 = arith.constant 48 : index
      %swap3A_1106 = tpu.vector_load %arg20[%swap3A_1105] {strides = array<i32>} : memref<384xf32, #tpu.memory_space<vmem>>, vector<16xf32>,
      tpu.vector_store %arg20[%swap3A_1105], %gather3A_1104 {strides = array<i32>} : memref<384xf32, #tpu.memory_space<vmem>>, vector<16xf32>,
      %gather3A_1107 = tpu.vector_load_idx %arg15[%get3A_1103] : memref<10000xf32, #tpu.memory_space<vmem>>[vector<16xi32>], vector<16xf32>,
      %swap3A_1108 = arith.constant 176 : index
      %swap3A_1109 = tpu.vector_load %arg20[%swap3A_1108] {strides = array<i32>} : memref<384xf32, #tpu.memory_space<vmem>>, vector<16xf32>,
      tpu.vector_store %arg20[%swap3A_1108], %gather3A_1107 {strides = array<i32>} : memref<384xf32, #tpu.memory_space<vmem>>, vector<16xf32>,
      %gather3A_1110 = tpu.vector_load_idx %arg16[%get3A_1103] : memref<10000xf32, #tpu.memory_space<vmem>>[vector<16xi32>], vector<16xf32>,
      %swap3A_1111 = arith.constant 304 : index
      %swap3A_1112 = tpu.vector_load %arg20[%swap3A_1111] {strides = array<i32>} : memref<384xf32, #tpu.memory_space<vmem>>, vector<16xf32>,
      tpu.vector_store %arg20[%swap3A_1111], %gather3A_1110 {strides = array<i32>} : memref<384xf32, #tpu.memory_space<vmem>>, vector<16xf32>,
      %mul3A_1113 = arith.constant 128 : i32
      %mul3A_1114 = arith.muli %add3A_920, %mul3A_1113 : i32
      %add3A_1115 = arith.constant 64 : i32
      %add3A_1116 = arith.addi %mul3A_1114, %add3A_1115 : i32
      %get3A_1117 = arith.index_cast %add3A_1116 : i32 to index
      %get3A_1118 = tpu.vector_load %arg9[%get3A_1117] {strides = array<i32>} : memref<10240xi32, #tpu.memory_space<vmem>>, vector<16xi32>,
      %gather3A_1119 = tpu.vector_load_idx %arg14[%get3A_1118] : memref<10000xf32, #tpu.memory_space<vmem>>[vector<16xi32>], vector<16xf32>,
      %swap3A_1120 = arith.constant 64 : index
      %swap3A_1121 = tpu.vector_load %arg20[%swap3A_1120] {strides = array<i32>} : memref<384xf32, #tpu.memory_space<vmem>>, vector<16xf32>,
      tpu.vector_store %arg20[%swap3A_1120], %gather3A_1119 {strides = array<i32>} : memref<384xf32, #tpu.memory_space<vmem>>, vector<16xf32>,
      %gather3A_1122 = tpu.vector_load_idx %arg15[%get3A_1118] : memref<10000xf32, #tpu.memory_space<vmem>>[vector<16xi32>], vector<16xf32>,
      %swap3A_1123 = arith.constant 192 : index
      %swap3A_1124 = tpu.vector_load %arg20[%swap3A_1123] {strides = array<i32>} : memref<384xf32, #tpu.memory_space<vmem>>, vector<16xf32>,
      tpu.vector_store %arg20[%swap3A_1123], %gather3A_1122 {strides = array<i32>} : memref<384xf32, #tpu.memory_space<vmem>>, vector<16xf32>,
      %gather3A_1125 = tpu.vector_load_idx %arg16[%get3A_1118] : memref<10000xf32, #tpu.memory_space<vmem>>[vector<16xi32>], vector<16xf32>,
      %swap3A_1126 = arith.constant 320 : index
      %swap3A_1127 = tpu.vector_load %arg20[%swap3A_1126] {strides = array<i32>} : memref<384xf32, #tpu.memory_space<vmem>>, vector<16xf32>,
      tpu.vector_store %arg20[%swap3A_1126], %gather3A_1125 {strides = array<i32>} : memref<384xf32, #tpu.memory_space<vmem>>, vector<16xf32>,
      %mul3A_1128 = arith.constant 128 : i32
      %mul3A_1129 = arith.muli %add3A_920, %mul3A_1128 : i32
      %add3A_1130 = arith.constant 80 : i32
      %add3A_1131 = arith.addi %mul3A_1129, %add3A_1130 : i32
      %get3A_1132 = arith.index_cast %add3A_1131 : i32 to index
      %get3A_1133 = tpu.vector_load %arg9[%get3A_1132] {strides = array<i32>} : memref<10240xi32, #tpu.memory_space<vmem>>, vector<16xi32>,
      %gather3A_1134 = tpu.vector_load_idx %arg14[%get3A_1133] : memref<10000xf32, #tpu.memory_space<vmem>>[vector<16xi32>], vector<16xf32>,
      %swap3A_1135 = arith.constant 80 : index
      %swap3A_1136 = tpu.vector_load %arg20[%swap3A_1135] {strides = array<i32>} : memref<384xf32, #tpu.memory_space<vmem>>, vector<16xf32>,
      tpu.vector_store %arg20[%swap3A_1135], %gather3A_1134 {strides = array<i32>} : memref<384xf32, #tpu.memory_space<vmem>>, vector<16xf32>,
      %gather3A_1137 = tpu.vector_load_idx %arg15[%get3A_1133] : memref<10000xf32, #tpu.memory_space<vmem>>[vector<16xi32>], vector<16xf32>,
      %swap3A_1138 = arith.constant 208 : index
      %swap3A_1139 = tpu.vector_load %arg20[%swap3A_1138] {strides = array<i32>} : memref<384xf32, #tpu.memory_space<vmem>>, vector<16xf32>,
      tpu.vector_store %arg20[%swap3A_1138], %gather3A_1137 {strides = array<i32>} : memref<384xf32, #tpu.memory_space<vmem>>, vector<16xf32>,
      %gather3A_1140 = tpu.vector_load_idx %arg16[%get3A_1133] : memref<10000xf32, #tpu.memory_space<vmem>>[vector<16xi32>], vector<16xf32>,
      %swap3A_1141 = arith.constant 336 : index
      %swap3A_1142 = tpu.vector_load %arg20[%swap3A_1141] {strides = array<i32>} : memref<384xf32, #tpu.memory_space<vmem>>, vector<16xf32>,
      tpu.vector_store %arg20[%swap3A_1141], %gather3A_1140 {strides = array<i32>} : memref<384xf32, #tpu.memory_space<vmem>>, vector<16xf32>,
      %mul3A_1143 = arith.constant 128 : i32
      %mul3A_1144 = arith.muli %add3A_920, %mul3A_1143 : i32
      %add3A_1145 = arith.constant 96 : i32
      %add3A_1146 = arith.addi %mul3A_1144, %add3A_1145 : i32
      %get3A_1147 = arith.index_cast %add3A_1146 : i32 to index
      %get3A_1148 = tpu.vector_load %arg9[%get3A_1147] {strides = array<i32>} : memref<10240xi32, #tpu.memory_space<vmem>>, vector<16xi32>,
      %gather3A_1149 = tpu.vector_load_idx %arg14[%get3A_1148] : memref<10000xf32, #tpu.memory_space<vmem>>[vector<16xi32>], vector<16xf32>,
      %swap3A_1150 = arith.constant 96 : index
      %swap3A_1151 = tpu.vector_load %arg20[%swap3A_1150] {strides = array<i32>} : memref<384xf32, #tpu.memory_space<vmem>>, vector<16xf32>,
      tpu.vector_store %arg20[%swap3A_1150], %gather3A_1149 {strides = array<i32>} : memref<384xf32, #tpu.memory_space<vmem>>, vector<16xf32>,
      %gather3A_1152 = tpu.vector_load_idx %arg15[%get3A_1148] : memref<10000xf32, #tpu.memory_space<vmem>>[vector<16xi32>], vector<16xf32>,
      %swap3A_1153 = arith.constant 224 : index
      %swap3A_1154 = tpu.vector_load %arg20[%swap3A_1153] {strides = array<i32>} : memref<384xf32, #tpu.memory_space<vmem>>, vector<16xf32>,
      tpu.vector_store %arg20[%swap3A_1153], %gather3A_1152 {strides = array<i32>} : memref<384xf32, #tpu.memory_space<vmem>>, vector<16xf32>,
      %gather3A_1155 = tpu.vector_load_idx %arg16[%get3A_1148] : memref<10000xf32, #tpu.memory_space<vmem>>[vector<16xi32>], vector<16xf32>,
      %swap3A_1156 = arith.constant 352 : index
      %swap3A_1157 = tpu.vector_load %arg20[%swap3A_1156] {strides = array<i32>} : memref<384xf32, #tpu.memory_space<vmem>>, vector<16xf32>,
      tpu.vector_store %arg20[%swap3A_1156], %gather3A_1155 {strides = array<i32>} : memref<384xf32, #tpu.memory_space<vmem>>, vector<16xf32>,
      %mul3A_1158 = arith.constant 128 : i32
      %mul3A_1159 = arith.muli %add3A_920, %mul3A_1158 : i32
      %add3A_1160 = arith.constant 112 : i32
      %add3A_1161 = arith.addi %mul3A_1159, %add3A_1160 : i32
      %get3A_1162 = arith.index_cast %add3A_1161 : i32 to index
      %get3A_1163 = tpu.vector_load %arg9[%get3A_1162] {strides = array<i32>} : memref<10240xi32, #tpu.memory_space<vmem>>, vector<16xi32>,
      %gather3A_1164 = tpu.vector_load_idx %arg14[%get3A_1163] : memref<10000xf32, #tpu.memory_space<vmem>>[vector<16xi32>], vector<16xf32>,
      %swap3A_1165 = arith.constant 112 : index
      %swap3A_1166 = tpu.vector_load %arg20[%swap3A_1165] {strides = array<i32>} : memref<384xf32, #tpu.memory_space<vmem>>, vector<16xf32>,
      tpu.vector_store %arg20[%swap3A_1165], %gather3A_1164 {strides = array<i32>} : memref<384xf32, #tpu.memory_space<vmem>>, vector<16xf32>,
      %gather3A_1167 = tpu.vector_load_idx %arg15[%get3A_1163] : memref<10000xf32, #tpu.memory_space<vmem>>[vector<16xi32>], vector<16xf32>,
      %swap3A_1168 = arith.constant 240 : index
      %swap3A_1169 = tpu.vector_load %arg20[%swap3A_1168] {strides = array<i32>} : memref<384xf32, #tpu.memory_space<vmem>>, vector<16xf32>,
      tpu.vector_store %arg20[%swap3A_1168], %gather3A_1167 {strides = array<i32>} : memref<384xf32, #tpu.memory_space<vmem>>, vector<16xf32>,
      %gather3A_1170 = tpu.vector_load_idx %arg16[%get3A_1163] : memref<10000xf32, #tpu.memory_space<vmem>>[vector<16xi32>], vector<16xf32>,
      %swap3A_1171 = arith.constant 368 : index
      %swap3A_1172 = tpu.vector_load %arg20[%swap3A_1171] {strides = array<i32>} : memref<384xf32, #tpu.memory_space<vmem>>, vector<16xf32>,
      tpu.vector_store %arg20[%swap3A_1171], %gather3A_1170 {strides = array<i32>} : memref<384xf32, #tpu.memory_space<vmem>>, vector<16xf32>,
      %dma_wait3A_1173 = tpu.memref_slice %arg9[%mul3A_922] : memref<10240xi32, #tpu.memory_space<vmem>> -> memref<128xi32, #tpu.memory_space<vmem>>
      %dma_wait3A_1174 = arith.constant 0 : i32
      %dma_wait3A_1175 = arith.constant 0 : i32
      %dma_wait3A_1176 = tpu.memref_slice %arg2[%dma_wait3A_1174, %dma_wait3A_1175] : memref<10000x128xf32, #tpu.memory_space<hbm>> -> memref<10000x128xf32, #tpu.memory_space<hbm>>
      tpu.wait_indirect_dma semaphore(%arg22 : memref<!tpu.dma_semaphore, #tpu.memory_space<semaphore_mem>>) src(%dma_wait3A_1176 : memref<10000x128xf32, #tpu.memory_space<hbm>>) dst(%arg12 : memref<128x128xf32, #tpu.memory_space<vmem>>)
      %mul3A_1177 = arith.constant 128 : i32
      %mul3A_1178 = arith.muli %add3A_918, %mul3A_1177 : i32
      %add3A_1179 = arith.addi %mul3A_2, %mul3A_1178 : i32
      %multiple_of3A_1180 = tpu.assume_multiple %add3A_1179, 128 : i32
      %dma_start3A_1181 = arith.constant 0 : i32
      %dma_start3A_1182 = tpu.memref_slice %arg7[%multiple_of3A_1180, %dma_start3A_1181] : memref<327680x128xf32, #tpu.memory_space<hbm>> -> memref<128x128xf32, #tpu.memory_space<hbm>>
      %dma_start3A_1183 = arith.constant 0 : i32
      %dma_start3A_1184 = tpu.memref_slice %arg7[%multiple_of3A_1180, %dma_start3A_1183] : memref<327680x128xf32, #tpu.memory_space<hbm>> -> memref<128x128xf32, #tpu.memory_space<hbm>>
      tpu.enqueue_dma source(%arg12 : memref<128x128xf32, #tpu.memory_space<vmem>>) target(%dma_start3A_1184 : memref<128x128xf32, #tpu.memory_space<hbm>>) target_semaphore(%arg24 : memref<!tpu.dma_semaphore, #tpu.memory_space<semaphore_mem>>)
      %dma_wait3A_1185 = tpu.memref_slice %arg9[%mul3A_928] : memref<10240xi32, #tpu.memory_space<vmem>> -> memref<128xi32, #tpu.memory_space<vmem>>
      %dma_wait3A_1186 = arith.constant 0 : i32
      %dma_wait3A_1187 = arith.constant 0 : i32
      %dma_wait3A_1188 = tpu.memref_slice %arg2[%dma_wait3A_1186, %dma_wait3A_1187] : memref<10000x128xf32, #tpu.memory_space<hbm>> -> memref<10000x128xf32, #tpu.memory_space<hbm>>
      tpu.wait_indirect_dma semaphore(%arg22 : memref<!tpu.dma_semaphore, #tpu.memory_space<semaphore_mem>>) src(%dma_wait3A_1188 : memref<10000x128xf32, #tpu.memory_space<hbm>>) dst(%arg13 : memref<128x128xf32, #tpu.memory_space<vmem>>)
      %mul3A_1189 = arith.constant 128 : i32
      %mul3A_1190 = arith.muli %add3A_920, %mul3A_1189 : i32
      %add3A_1191 = arith.addi %mul3A_2, %mul3A_1190 : i32
      %multiple_of3A_1192 = tpu.assume_multiple %add3A_1191, 128 : i32
      %dma_start3A_1193 = arith.constant 0 : i32
      %dma_start3A_1194 = tpu.memref_slice %arg7[%multiple_of3A_1192, %dma_start3A_1193] : memref<327680x128xf32, #tpu.memory_space<hbm>> -> memref<128x128xf32, #tpu.memory_space<hbm>>
      %dma_start3A_1195 = arith.constant 0 : i32
      %dma_start3A_1196 = tpu.memref_slice %arg7[%multiple_of3A_1192, %dma_start3A_1195] : memref<327680x128xf32, #tpu.memory_space<hbm>> -> memref<128x128xf32, #tpu.memory_space<hbm>>
      tpu.enqueue_dma source(%arg13 : memref<128x128xf32, #tpu.memory_space<vmem>>) target(%dma_start3A_1196 : memref<128x128xf32, #tpu.memory_space<hbm>>) target_semaphore(%arg24 : memref<!tpu.dma_semaphore, #tpu.memory_space<semaphore_mem>>)
      %add3A_1197 = arith.addi %mul3A_4, %add3A_918 : i32
      %mul3A_1198 = arith.constant 3 : i32
      %mul3A_1199 = arith.muli %add3A_1197, %mul3A_1198 : i32
      %mul3A_1200 = arith.constant 128 : i32
      %mul3A_1201 = arith.muli %mul3A_1199, %mul3A_1200 : i32
      %multiple_of3A_1202 = tpu.assume_multiple %mul3A_1201, 128 : i32
      %dma_start3A_1203 = tpu.memref_slice %arg8[%multiple_of3A_1202] : memref<983040xf32, #tpu.memory_space<hbm>> -> memref<384xf32, #tpu.memory_space<hbm>>
      %dma_start3A_1204 = tpu.memref_slice %arg8[%multiple_of3A_1202] : memref<983040xf32, #tpu.memory_space<hbm>> -> memref<384xf32, #tpu.memory_space<hbm>>
      tpu.enqueue_dma source(%arg19 : memref<384xf32, #tpu.memory_space<vmem>>) target(%dma_start3A_1204 : memref<384xf32, #tpu.memory_space<hbm>>) target_semaphore(%arg24 : memref<!tpu.dma_semaphore, #tpu.memory_space<semaphore_mem>>)
      %add3A_1205 = arith.addi %mul3A_4, %add3A_920 : i32
      %mul3A_1206 = arith.constant 3 : i32
      %mul3A_1207 = arith.muli %add3A_1205, %mul3A_1206 : i32
      %mul3A_1208 = arith.constant 128 : i32
      %mul3A_1209 = arith.muli %mul3A_1207, %mul3A_1208 : i32
      %multiple_of3A_1210 = tpu.assume_multiple %mul3A_1209, 128 : i32
      %dma_start3A_1211 = tpu.memref_slice %arg8[%multiple_of3A_1210] : memref<983040xf32, #tpu.memory_space<hbm>> -> memref<384xf32, #tpu.memory_space<hbm>>
      %dma_start3A_1212 = tpu.memref_slice %arg8[%multiple_of3A_1210] : memref<983040xf32, #tpu.memory_space<hbm>> -> memref<384xf32, #tpu.memory_space<hbm>>
      tpu.enqueue_dma source(%arg20 : memref<384xf32, #tpu.memory_space<vmem>>) target(%dma_start3A_1212 : memref<384xf32, #tpu.memory_space<hbm>>) target_semaphore(%arg24 : memref<!tpu.dma_semaphore, #tpu.memory_space<semaphore_mem>>)
      %dma_wait3A_1213 = arith.constant 0 : i32
      %dma_wait3A_1214 = tpu.memref_slice %arg7[%multiple_of3A_872, %dma_wait3A_1213] : memref<327680x128xf32, #tpu.memory_space<hbm>> -> memref<128x128xf32, #tpu.memory_space<hbm>>
      %dma_wait3A_1215 = arith.constant 0 : i32
      %dma_wait3A_1216 = tpu.memref_slice %arg7[%multiple_of3A_872, %dma_wait3A_1215] : memref<327680x128xf32, #tpu.memory_space<hbm>> -> memref<128x128xf32, #tpu.memory_space<hbm>>
      tpu.wait_dma2 semaphore(%arg23 : memref<!tpu.dma_semaphore, #tpu.memory_space<semaphore_mem>>) src(%arg10 : memref<128x128xf32, #tpu.memory_space<vmem>>) dst(%dma_wait3A_1216 : memref<128x128xf32, #tpu.memory_space<hbm>>)
      %dma_wait3A_1217 = arith.constant 0 : i32
      %dma_wait3A_1218 = tpu.memref_slice %arg7[%multiple_of3A_884, %dma_wait3A_1217] : memref<327680x128xf32, #tpu.memory_space<hbm>> -> memref<128x128xf32, #tpu.memory_space<hbm>>
      %dma_wait3A_1219 = arith.constant 0 : i32
      %dma_wait3A_1220 = tpu.memref_slice %arg7[%multiple_of3A_884, %dma_wait3A_1219] : memref<327680x128xf32, #tpu.memory_space<hbm>> -> memref<128x128xf32, #tpu.memory_space<hbm>>
      tpu.wait_dma2 semaphore(%arg23 : memref<!tpu.dma_semaphore, #tpu.memory_space<semaphore_mem>>) src(%arg11 : memref<128x128xf32, #tpu.memory_space<vmem>>) dst(%dma_wait3A_1220 : memref<128x128xf32, #tpu.memory_space<hbm>>)
      %dma_wait3A_1221 = tpu.memref_slice %arg8[%multiple_of3A_894] : memref<983040xf32, #tpu.memory_space<hbm>> -> memref<384xf32, #tpu.memory_space<hbm>>
      %dma_wait3A_1222 = tpu.memref_slice %arg8[%multiple_of3A_894] : memref<983040xf32, #tpu.memory_space<hbm>> -> memref<384xf32, #tpu.memory_space<hbm>>
      tpu.wait_dma2 semaphore(%arg23 : memref<!tpu.dma_semaphore, #tpu.memory_space<semaphore_mem>>) src(%arg17 : memref<384xf32, #tpu.memory_space<vmem>>) dst(%dma_wait3A_1222 : memref<384xf32, #tpu.memory_space<hbm>>)
      %dma_wait3A_1223 = tpu.memref_slice %arg8[%multiple_of3A_902] : memref<983040xf32, #tpu.memory_space<hbm>> -> memref<384xf32, #tpu.memory_space<hbm>>
      %dma_wait3A_1224 = tpu.memref_slice %arg8[%multiple_of3A_902] : memref<983040xf32, #tpu.memory_space<hbm>> -> memref<384xf32, #tpu.memory_space<hbm>>
      tpu.wait_dma2 semaphore(%arg23 : memref<!tpu.dma_semaphore, #tpu.memory_space<semaphore_mem>>) src(%arg18 : memref<384xf32, #tpu.memory_space<vmem>>) dst(%dma_wait3A_1224 : memref<384xf32, #tpu.memory_space<hbm>>)
      %dma_wait3A_1225 = arith.constant 0 : i32
      %dma_wait3A_1226 = tpu.memref_slice %arg7[%multiple_of3A_1180, %dma_wait3A_1225] : memref<327680x128xf32, #tpu.memory_space<hbm>> -> memref<128x128xf32, #tpu.memory_space<hbm>>
      %dma_wait3A_1227 = arith.constant 0 : i32
      %dma_wait3A_1228 = tpu.memref_slice %arg7[%multiple_of3A_1180, %dma_wait3A_1227] : memref<327680x128xf32, #tpu.memory_space<hbm>> -> memref<128x128xf32, #tpu.memory_space<hbm>>
      tpu.wait_dma2 semaphore(%arg24 : memref<!tpu.dma_semaphore, #tpu.memory_space<semaphore_mem>>) src(%arg12 : memref<128x128xf32, #tpu.memory_space<vmem>>) dst(%dma_wait3A_1228 : memref<128x128xf32, #tpu.memory_space<hbm>>)
      %dma_wait3A_1229 = arith.constant 0 : i32
      %dma_wait3A_1230 = tpu.memref_slice %arg7[%multiple_of3A_1192, %dma_wait3A_1229] : memref<327680x128xf32, #tpu.memory_space<hbm>> -> memref<128x128xf32, #tpu.memory_space<hbm>>
      %dma_wait3A_1231 = arith.constant 0 : i32
      %dma_wait3A_1232 = tpu.memref_slice %arg7[%multiple_of3A_1192, %dma_wait3A_1231] : memref<327680x128xf32, #tpu.memory_space<hbm>> -> memref<128x128xf32, #tpu.memory_space<hbm>>
      tpu.wait_dma2 semaphore(%arg24 : memref<!tpu.dma_semaphore, #tpu.memory_space<semaphore_mem>>) src(%arg13 : memref<128x128xf32, #tpu.memory_space<vmem>>) dst(%dma_wait3A_1232 : memref<128x128xf32, #tpu.memory_space<hbm>>)
      %dma_wait3A_1233 = tpu.memref_slice %arg8[%multiple_of3A_1202] : memref<983040xf32, #tpu.memory_space<hbm>> -> memref<384xf32, #tpu.memory_space<hbm>>
      %dma_wait3A_1234 = tpu.memref_slice %arg8[%multiple_of3A_1202] : memref<983040xf32, #tpu.memory_space<hbm>> -> memref<384xf32, #tpu.memory_space<hbm>>
      tpu.wait_dma2 semaphore(%arg24 : memref<!tpu.dma_semaphore, #tpu.memory_space<semaphore_mem>>) src(%arg19 : memref<384xf32, #tpu.memory_space<vmem>>) dst(%dma_wait3A_1234 : memref<384xf32, #tpu.memory_space<hbm>>)
      %dma_wait3A_1235 = tpu.memref_slice %arg8[%multiple_of3A_1210] : memref<983040xf32, #tpu.memory_space<hbm>> -> memref<384xf32, #tpu.memory_space<hbm>>
      %dma_wait3A_1236 = tpu.memref_slice %arg8[%multiple_of3A_1210] : memref<983040xf32, #tpu.memory_space<hbm>> -> memref<384xf32, #tpu.memory_space<hbm>>
      tpu.wait_dma2 semaphore(%arg24 : memref<!tpu.dma_semaphore, #tpu.memory_space<semaphore_mem>>) src(%arg20 : memref<384xf32, #tpu.memory_space<vmem>>) dst(%dma_wait3A_1236 : memref<384xf32, #tpu.memory_space<hbm>>)
    }
    %scan3A_9 = arith.constant 10 : i32
    return
  }
}

module attributes {stable_mosaic.version = 14 : i64} {
  func.func @_conv_body(%arg0: i32, %arg1: memref<200x32x128xf32, #tpu.memory_space<vmem>>, %arg2: memref<200x32xf32, #tpu.memory_space<vmem>>, %arg3: memref<200x32xf32, #tpu.memory_space<vmem>>, %arg4: memref<200x32xf32, #tpu.memory_space<vmem>>, %arg5: memref<200x8xf32, #tpu.memory_space<vmem>>, %arg6: memref<16x16xf32, #tpu.memory_space<vmem>>, %arg7: memref<1920x128xf32, #tpu.memory_space<vmem>>, %arg8: memref<1x128xf32, #tpu.memory_space<vmem>>, %arg9: memref<200x128xf32, #tpu.memory_space<vmem>>, %arg10: memref<1x8x128xf32, #tpu.memory_space<vmem>>) attributes {dimension_semantics = [#tpu.dimension_semantics<arbitrary>], iteration_bounds = array<i64: 50>, scalar_prefetch = 0 : i64, scratch_operands = 0 : i64, tpu.core_type = #tpu.core_type<tc>, window_params = [{transform_indices = @transform_0, window_bounds = array<i64: 200, 32, 128>}, {transform_indices = @transform_1, window_bounds = array<i64: 200, 32>}, {transform_indices = @transform_2, window_bounds = array<i64: 200, 32>}, {transform_indices = @transform_3, window_bounds = array<i64: 200, 32>}, {transform_indices = @transform_4, window_bounds = array<i64: 200, 8>}, {pipeline_mode = #tpu.pipeline_mode<synchronous>, transform_indices = @transform_5, window_bounds = array<i64: 16, 16>}, {pipeline_mode = #tpu.pipeline_mode<synchronous>, transform_indices = @transform_6, window_bounds = array<i64: 1920, 128>}, {pipeline_mode = #tpu.pipeline_mode<synchronous>, transform_indices = @transform_7, window_bounds = array<i64: 1, 128>}, {transform_indices = @transform_8, window_bounds = array<i64: 200, 128>}, {transform_indices = @transform_9, window_bounds = array<i64: 1, 8, 128>}]} {
    %get3A = arith.constant 0 : index
    %get3A_0 = arith.constant 0 : index
    %get3A_1 = arith.constant 0 : index
    %get3A_2 = vector.load %arg1[%get3A, %get3A_0, %get3A_1] : memref<200x32x128xf32, #tpu.memory_space<vmem>>, vector<200x32x128xf32>
    %get3A_3 = arith.constant 0 : index
    %get3A_4 = arith.constant 0 : index
    %get3A_5 = vector.load %arg2[%get3A_3, %get3A_4] : memref<200x32xf32, #tpu.memory_space<vmem>>, vector<200x32xf32>
    %get3A_6 = arith.constant 0 : index
    %get3A_7 = arith.constant 0 : index
    %get3A_8 = vector.load %arg3[%get3A_6, %get3A_7] : memref<200x32xf32, #tpu.memory_space<vmem>>, vector<200x32xf32>
    %get3A_9 = arith.constant 0 : index
    %get3A_10 = arith.constant 0 : index
    %get3A_11 = vector.load %arg4[%get3A_9, %get3A_10] : memref<200x32xf32, #tpu.memory_space<vmem>>, vector<200x32xf32>
    %get3A_12 = arith.constant 0 : index
    %get3A_13 = arith.constant 0 : index
    %get3A_14 = vector.load %arg5[%get3A_12, %get3A_13] : memref<200x8xf32, #tpu.memory_space<vmem>>, vector<200x1xf32>
    %get3A_15 = arith.constant 0 : index
    %get3A_16 = arith.constant 1 : index
    %get3A_17 = vector.load %arg5[%get3A_15, %get3A_16] : memref<200x8xf32, #tpu.memory_space<vmem>>, vector<200x1xf32>
    %get3A_18 = arith.constant 0 : index
    %get3A_19 = arith.constant 2 : index
    %get3A_20 = vector.load %arg5[%get3A_18, %get3A_19] : memref<200x8xf32, #tpu.memory_space<vmem>>, vector<200x1xf32>
    %reduce_sum3A = arith.constant dense<0.000000e+00> : vector<200x32xf32>
    %reduce_sum3A_21 = vector.multi_reduction <add>, %get3A_2, %reduce_sum3A [2] : vector<200x32x128xf32> to vector<200x32xf32>
    %gt3A = arith.constant 0.000000e+00 : f32
    %gt3A_22 = vector.broadcast %gt3A : f32 to vector<200x32xf32>
    %gt3A_23 = arith.cmpf ogt, %reduce_sum3A_21, %gt3A_22 : vector<200x32xf32>
    %convert_element_type3A = arith.extui %gt3A_23 : vector<200x32xi1> to vector<200x32xi32>
    %convert_element_type3A_24 = arith.sitofp %convert_element_type3A : vector<200x32xi32> to vector<200x32xf32>
    %reduce_sum3A_25 = arith.constant dense<0.000000e+00> : vector<200xf32>
    %reduce_sum3A_26 = vector.multi_reduction <add>, %convert_element_type3A_24, %reduce_sum3A_25 [1] : vector<200x32xf32> to vector<200xf32>
    %max3A = arith.constant 1.000000e+00 : f32
    %max3A_27 = vector.broadcast %max3A : f32 to vector<200xf32>
    %max3A_28 = arith.maximumf %reduce_sum3A_26, %max3A_27 : vector<200xf32>
    %get3A_29 = arith.constant 0 : index
    %get3A_30 = arith.constant 0 : index
    %get3A_31 = vector.load %arg6[%get3A_29, %get3A_30] : memref<16x16xf32, #tpu.memory_space<vmem>>, vector<15x1xf32>
    %get3A_32 = arith.constant 0 : index
    %get3A_33 = arith.constant 1 : index
    %get3A_34 = vector.load %arg6[%get3A_32, %get3A_33] : memref<16x16xf32, #tpu.memory_space<vmem>>, vector<15x1xf32>
    %get3A_35 = arith.constant 0 : index
    %get3A_36 = arith.constant 2 : index
    %get3A_37 = vector.load %arg6[%get3A_35, %get3A_36] : memref<16x16xf32, #tpu.memory_space<vmem>>, vector<15x1xf32>
    %sub3A = vector.broadcast %get3A_14 : vector<200x1xf32> to vector<200x32xf32>
    %sub3A_38 = arith.subf %get3A_5, %sub3A : vector<200x32xf32>
    %broadcast_in_dim3A = vector.shape_cast %sub3A_38 : vector<200x32xf32> to vector<200x1x32xf32>
    %broadcast_in_dim3A_39 = vector.shape_cast %get3A_31 : vector<15x1xf32> to vector<1x15x1xf32>
    %sub3A_40 = vector.broadcast %broadcast_in_dim3A : vector<200x1x32xf32> to vector<200x15x32xf32>
    %sub3A_41 = vector.broadcast %broadcast_in_dim3A_39 : vector<1x15x1xf32> to vector<200x15x32xf32>
    %sub3A_42 = arith.subf %sub3A_40, %sub3A_41 : vector<200x15x32xf32>
    %sub3A_43 = vector.broadcast %get3A_17 : vector<200x1xf32> to vector<200x32xf32>
    %sub3A_44 = arith.subf %get3A_8, %sub3A_43 : vector<200x32xf32>
    %broadcast_in_dim3A_45 = vector.shape_cast %sub3A_44 : vector<200x32xf32> to vector<200x1x32xf32>
    %broadcast_in_dim3A_46 = vector.shape_cast %get3A_34 : vector<15x1xf32> to vector<1x15x1xf32>
    %sub3A_47 = vector.broadcast %broadcast_in_dim3A_45 : vector<200x1x32xf32> to vector<200x15x32xf32>
    %sub3A_48 = vector.broadcast %broadcast_in_dim3A_46 : vector<1x15x1xf32> to vector<200x15x32xf32>
    %sub3A_49 = arith.subf %sub3A_47, %sub3A_48 : vector<200x15x32xf32>
    %sub3A_50 = vector.broadcast %get3A_20 : vector<200x1xf32> to vector<200x32xf32>
    %sub3A_51 = arith.subf %get3A_11, %sub3A_50 : vector<200x32xf32>
    %broadcast_in_dim3A_52 = vector.shape_cast %sub3A_51 : vector<200x32xf32> to vector<200x1x32xf32>
    %broadcast_in_dim3A_53 = vector.shape_cast %get3A_37 : vector<15x1xf32> to vector<1x15x1xf32>
    %sub3A_54 = vector.broadcast %broadcast_in_dim3A_52 : vector<200x1x32xf32> to vector<200x15x32xf32>
    %sub3A_55 = vector.broadcast %broadcast_in_dim3A_53 : vector<1x15x1xf32> to vector<200x15x32xf32>
    %sub3A_56 = arith.subf %sub3A_54, %sub3A_55 : vector<200x15x32xf32>
    %mul3A = arith.mulf %sub3A_42, %sub3A_42 : vector<200x15x32xf32>
    %mul3A_57 = arith.mulf %sub3A_49, %sub3A_49 : vector<200x15x32xf32>
    %add3A = arith.addf %mul3A, %mul3A_57 : vector<200x15x32xf32>
    %mul3A_58 = arith.mulf %sub3A_56, %sub3A_56 : vector<200x15x32xf32>
    %add3A_59 = arith.addf %add3A, %mul3A_58 : vector<200x15x32xf32>
    %sqrt3A = math.sqrt %add3A_59 : vector<200x15x32xf32>
    %mul3A_60 = arith.constant 1.66666663 : f32
    %mul3A_61 = vector.broadcast %mul3A_60 : f32 to vector<200x15x32xf32>
    %mul3A_62 = arith.mulf %sqrt3A, %mul3A_61 : vector<200x15x32xf32>
    %sub3A_63 = arith.constant 1.000000e+00 : f32
    %sub3A_64 = vector.broadcast %sub3A_63 : f32 to vector<200x15x32xf32>
    %sub3A_65 = arith.subf %sub3A_64, %mul3A_62 : vector<200x15x32xf32>
    %max3A_66 = arith.constant 0.000000e+00 : f32
    %max3A_67 = vector.broadcast %max3A_66 : f32 to vector<200x15x32xf32>
    %max3A_68 = arith.maximumf %sub3A_65, %max3A_67 : vector<200x15x32xf32>
    %dot_general3A = arith.constant dense<0.000000e+00> : vector<200x15x128xf32>
    %dot_general3A_69 = tpu.matmul %max3A_68, %get3A_2, %dot_general3A {dimension_numbers = #tpu.dot_dimension_numbers<[2], [1], [1], [2], [0, 0, 0, 1, 1, 2], [0], [0]>, transpose_lhs_hint = false} : vector<200x15x32xf32>, vector<200x32x128xf32>, vector<200x15x128xf32> -> vector<200x15x128xf32>
    %reshape3A = vector.shape_cast %dot_general3A_69 : vector<200x15x128xf32> to vector<200x1920xf32>
    %get3A_70 = arith.constant 0 : index
    %get3A_71 = arith.constant 0 : index
    %get3A_72 = vector.load %arg7[%get3A_70, %get3A_71] : memref<1920x128xf32, #tpu.memory_space<vmem>>, vector<1920x128xf32>
    %dot_general3A_73 = arith.constant dense<0.000000e+00> : vector<200x128xf32>
    %dot_general3A_74 = tpu.matmul %reshape3A, %get3A_72, %dot_general3A_73 {dimension_numbers = #tpu.dot_dimension_numbers<[1], [0], [0], [1], [0, 0, 1, 1], [], []>, transpose_lhs_hint = false} : vector<200x1920xf32>, vector<1920x128xf32>, vector<200x128xf32> -> vector<200x128xf32>
    %broadcast_in_dim3A_75 = vector.shape_cast %max3A_28 : vector<200xf32> to vector<200x1xf32>
    %div3A = vector.broadcast %broadcast_in_dim3A_75 : vector<200x1xf32> to vector<200x128xf32>
    %div3A_76 = arith.divf %dot_general3A_74, %div3A : vector<200x128xf32>
    %get3A_77 = arith.constant 0 : index
    %get3A_78 = arith.constant 0 : index
    %get3A_79 = vector.load %arg8[%get3A_77, %get3A_78] : memref<1x128xf32, #tpu.memory_space<vmem>>, vector<1x128xf32>
    %add3A_80 = vector.broadcast %get3A_79 : vector<1x128xf32> to vector<200x128xf32>
    %add3A_81 = arith.addf %div3A_76, %add3A_80 : vector<200x128xf32>
    %swap3A = arith.constant 0 : index
    %swap3A_82 = arith.constant 0 : index
    %swap3A_83 = vector.load %arg9[%swap3A, %swap3A_82] : memref<200x128xf32, #tpu.memory_space<vmem>>, vector<200x128xf32>
    tpu.vector_store %arg9[%swap3A, %swap3A_82], %add3A_81 {strides = array<i32>} : memref<200x128xf32, #tpu.memory_space<vmem>>, vector<200x128xf32>,
    %reduce_sum3A_84 = arith.constant dense<0.000000e+00> : vector<128xf32>
    %reduce_sum3A_85 = vector.multi_reduction <add>, %add3A_81, %reduce_sum3A_84 [0] : vector<200x128xf32> to vector<128xf32>
    %mul3A_86 = arith.mulf %add3A_81, %add3A_81 : vector<200x128xf32>
    %reduce_sum3A_87 = arith.constant dense<0.000000e+00> : vector<128xf32>
    %reduce_sum3A_88 = vector.multi_reduction <add>, %mul3A_86, %reduce_sum3A_87 [0] : vector<200x128xf32> to vector<128xf32>
    %broadcast_in_dim3A_89 = vector.shape_cast %reduce_sum3A_85 : vector<128xf32> to vector<1x1x128xf32>
    %broadcast_in_dim3A_90 = vector.shape_cast %reduce_sum3A_88 : vector<128xf32> to vector<1x1x128xf32>
    %broadcast_in_dim3A_91 = arith.constant 0.000000e+00 : f32
    %broadcast_in_dim3A_92 = vector.broadcast %broadcast_in_dim3A_91 : f32 to vector<1x6x128xf32>
    %concatenate3A = tpu.concatenate %broadcast_in_dim3A_89, %broadcast_in_dim3A_90, %broadcast_in_dim3A_92 in 1 : vector<1x1x128xf32>, vector<1x1x128xf32>, vector<1x6x128xf32> -> vector<1x8x128xf32>
    %swap3A_93 = arith.constant 0 : index
    %swap3A_94 = arith.constant 0 : index
    %swap3A_95 = arith.constant 0 : index
    %swap3A_96 = vector.load %arg10[%swap3A_93, %swap3A_94, %swap3A_95] : memref<1x8x128xf32, #tpu.memory_space<vmem>>, vector<1x8x128xf32>
    tpu.vector_store %arg10[%swap3A_93, %swap3A_94, %swap3A_95], %concatenate3A {strides = array<i32>} : memref<1x8x128xf32, #tpu.memory_space<vmem>>, vector<1x8x128xf32>,
    return
  }
  func.func @transform_0(%arg0: i32) -> (i32, i32, i32) {
    %c0_i32 = arith.constant 0 : i32
    %c0_i32_0 = arith.constant 0 : i32
    %c0_i32_1 = arith.constant 0 : i32
    return %arg0, %c0_i32, %c0_i32_0 : i32, i32, i32
  }
  func.func @transform_1(%arg0: i32) -> (i32, i32) {
    %c0_i32 = arith.constant 0 : i32
    %c0_i32_0 = arith.constant 0 : i32
    return %arg0, %c0_i32 : i32, i32
  }
  func.func @transform_2(%arg0: i32) -> (i32, i32) {
    %c0_i32 = arith.constant 0 : i32
    %c0_i32_0 = arith.constant 0 : i32
    return %arg0, %c0_i32 : i32, i32
  }
  func.func @transform_3(%arg0: i32) -> (i32, i32) {
    %c0_i32 = arith.constant 0 : i32
    %c0_i32_0 = arith.constant 0 : i32
    return %arg0, %c0_i32 : i32, i32
  }
  func.func @transform_4(%arg0: i32) -> (i32, i32) {
    %c0_i32 = arith.constant 0 : i32
    %c0_i32_0 = arith.constant 0 : i32
    return %arg0, %c0_i32 : i32, i32
  }
  func.func @transform_5(%arg0: i32) -> (i32, i32) {
    %c0_i32 = arith.constant 0 : i32
    %c0_i32_0 = arith.constant 0 : i32
    %c0_i32_1 = arith.constant 0 : i32
    return %c0_i32, %c0_i32_0 : i32, i32
  }
  func.func @transform_6(%arg0: i32) -> (i32, i32) {
    %c0_i32 = arith.constant 0 : i32
    %c0_i32_0 = arith.constant 0 : i32
    %c0_i32_1 = arith.constant 0 : i32
    return %c0_i32, %c0_i32_0 : i32, i32
  }
  func.func @transform_7(%arg0: i32) -> (i32, i32) {
    %c0_i32 = arith.constant 0 : i32
    %c0_i32_0 = arith.constant 0 : i32
    %c0_i32_1 = arith.constant 0 : i32
    return %c0_i32, %c0_i32_0 : i32, i32
  }
  func.func @transform_8(%arg0: i32) -> (i32, i32) {
    %c0_i32 = arith.constant 0 : i32
    %c0_i32_0 = arith.constant 0 : i32
    return %arg0, %c0_i32 : i32, i32
  }
  func.func @transform_9(%arg0: i32) -> (i32, i32, i32) {
    %c0_i32 = arith.constant 0 : i32
    %c0_i32_0 = arith.constant 0 : i32
    %c0_i32_1 = arith.constant 0 : i32
    return %arg0, %c0_i32, %c0_i32_0 : i32, i32, i32
  }
}

module attributes {stable_mosaic.version = 14 : i64} {
  func.func @_norm_body(%arg0: i32, %arg1: memref<200x128xf32, #tpu.memory_space<vmem>>, %arg2: memref<50x8x128xf32, #tpu.memory_space<vmem>>, %arg3: memref<1x128xf32, #tpu.memory_space<vmem>>, %arg4: memref<1x128xf32, #tpu.memory_space<vmem>>, %arg5: memref<200x128xf32, #tpu.memory_space<vmem>>) attributes {dimension_semantics = [#tpu.dimension_semantics<arbitrary>], iteration_bounds = array<i64: 50>, scalar_prefetch = 0 : i64, scratch_operands = 0 : i64, tpu.core_type = #tpu.core_type<tc>, window_params = [{transform_indices = @transform_0, window_bounds = array<i64: 200, 128>}, {pipeline_mode = #tpu.pipeline_mode<synchronous>, transform_indices = @transform_1, window_bounds = array<i64: 50, 8, 128>}, {pipeline_mode = #tpu.pipeline_mode<synchronous>, transform_indices = @transform_2, window_bounds = array<i64: 1, 128>}, {pipeline_mode = #tpu.pipeline_mode<synchronous>, transform_indices = @transform_3, window_bounds = array<i64: 1, 128>}, {transform_indices = @transform_4, window_bounds = array<i64: 200, 128>}]} {
    %get3A = arith.constant 0 : index
    %get3A_0 = arith.constant 0 : index
    %get3A_1 = arith.constant 0 : index
    %get3A_2 = vector.load %arg2[%get3A, %get3A_0, %get3A_1] : memref<50x8x128xf32, #tpu.memory_space<vmem>>, vector<50x8x128xf32>
    %slice3A = vector.extract_strided_slice %get3A_2 {offsets = [0, 0, 0], sizes = [50, 1, 128], strides = [1, 1, 1]} : vector<50x8x128xf32> to vector<50x1x128xf32>
    %squeeze3A = vector.shape_cast %slice3A : vector<50x1x128xf32> to vector<50x128xf32>
    %reduce_sum3A = arith.constant dense<0.000000e+00> : vector<128xf32>
    %reduce_sum3A_3 = vector.multi_reduction <add>, %squeeze3A, %reduce_sum3A [0] : vector<50x128xf32> to vector<128xf32>
    %slice3A_4 = vector.extract_strided_slice %get3A_2 {offsets = [0, 1, 0], sizes = [50, 1, 128], strides = [1, 1, 1]} : vector<50x8x128xf32> to vector<50x1x128xf32>
    %squeeze3A_5 = vector.shape_cast %slice3A_4 : vector<50x1x128xf32> to vector<50x128xf32>
    %reduce_sum3A_6 = arith.constant dense<0.000000e+00> : vector<128xf32>
    %reduce_sum3A_7 = vector.multi_reduction <add>, %squeeze3A_5, %reduce_sum3A_6 [0] : vector<50x128xf32> to vector<128xf32>
    %iota3A = tpu.iota {dimensions = array<i32: 0>} : vector<128x128xi32>
    %jit3A = arith.constant 8 : i32
    %div3A = vector.broadcast %jit3A : i32 to vector<128x128xi32>
    %div3A_8 = arith.divsi %iota3A, %div3A : vector<128x128xi32>
    %sign3A = arith.constant 0 : i32
    %sign3A_9 = vector.broadcast %sign3A : i32 to vector<128x128xi32>
    %sign3A_10 = arith.cmpi sgt, %iota3A, %sign3A_9 : vector<128x128xi32>
    %sign3A_11 = arith.extui %sign3A_10 : vector<128x128xi1> to vector<128x128xi32>
    %sign3A_12 = arith.constant 0 : i32
    %sign3A_13 = vector.broadcast %sign3A_12 : i32 to vector<128x128xi32>
    %sign3A_14 = arith.cmpi slt, %iota3A, %sign3A_13 : vector<128x128xi32>
    %sign3A_15 = arith.extui %sign3A_14 : vector<128x128xi1> to vector<128x128xi32>
    %sign3A_16 = arith.subi %sign3A_11, %sign3A_15 : vector<128x128xi32>
    %sign3A_17 = arith.constant 0 : i32
    %sign3A_18 = arith.cmpi sgt, %jit3A, %sign3A_17 : i32
    %sign3A_19 = arith.extui %sign3A_18 : i1 to i32
    %sign3A_20 = arith.constant 0 : i32
    %sign3A_21 = arith.cmpi slt, %jit3A, %sign3A_20 : i32
    %sign3A_22 = arith.extui %sign3A_21 : i1 to i32
    %sign3A_23 = arith.subi %sign3A_19, %sign3A_22 : i32
    %ne3A = vector.broadcast %sign3A_23 : i32 to vector<128x128xi32>
    %ne3A_24 = arith.cmpi ne, %sign3A_16, %ne3A : vector<128x128xi32>
    %rem3A = vector.broadcast %jit3A : i32 to vector<128x128xi32>
    %rem3A_25 = arith.remsi %iota3A, %rem3A : vector<128x128xi32>
    %ne3A_26 = arith.constant 0 : i32
    %ne3A_27 = vector.broadcast %ne3A_26 : i32 to vector<128x128xi32>
    %ne3A_28 = arith.cmpi ne, %rem3A_25, %ne3A_27 : vector<128x128xi32>
    %and3A = arith.andi %ne3A_24, %ne3A_28 : vector<128x128xi1>
    %sub3A = arith.constant 1 : i32
    %sub3A_29 = vector.broadcast %sub3A : i32 to vector<128x128xi32>
    %sub3A_30 = arith.subi %div3A_8, %sub3A_29 : vector<128x128xi32>
    %select_n3A = arith.select %and3A, %sub3A_30, %div3A_8 : vector<128x128xi1>, vector<128x128xi32>
    %iota3A_31 = tpu.iota {dimensions = array<i32: 1>} : vector<128x128xi32>
    %jit3A_32 = arith.constant 8 : i32
    %div3A_33 = vector.broadcast %jit3A_32 : i32 to vector<128x128xi32>
    %div3A_34 = arith.divsi %iota3A_31, %div3A_33 : vector<128x128xi32>
    %sign3A_35 = arith.constant 0 : i32
    %sign3A_36 = vector.broadcast %sign3A_35 : i32 to vector<128x128xi32>
    %sign3A_37 = arith.cmpi sgt, %iota3A_31, %sign3A_36 : vector<128x128xi32>
    %sign3A_38 = arith.extui %sign3A_37 : vector<128x128xi1> to vector<128x128xi32>
    %sign3A_39 = arith.constant 0 : i32
    %sign3A_40 = vector.broadcast %sign3A_39 : i32 to vector<128x128xi32>
    %sign3A_41 = arith.cmpi slt, %iota3A_31, %sign3A_40 : vector<128x128xi32>
    %sign3A_42 = arith.extui %sign3A_41 : vector<128x128xi1> to vector<128x128xi32>
    %sign3A_43 = arith.subi %sign3A_38, %sign3A_42 : vector<128x128xi32>
    %sign3A_44 = arith.constant 0 : i32
    %sign3A_45 = arith.cmpi sgt, %jit3A_32, %sign3A_44 : i32
    %sign3A_46 = arith.extui %sign3A_45 : i1 to i32
    %sign3A_47 = arith.constant 0 : i32
    %sign3A_48 = arith.cmpi slt, %jit3A_32, %sign3A_47 : i32
    %sign3A_49 = arith.extui %sign3A_48 : i1 to i32
    %sign3A_50 = arith.subi %sign3A_46, %sign3A_49 : i32
    %ne3A_51 = vector.broadcast %sign3A_50 : i32 to vector<128x128xi32>
    %ne3A_52 = arith.cmpi ne, %sign3A_43, %ne3A_51 : vector<128x128xi32>
    %rem3A_53 = vector.broadcast %jit3A_32 : i32 to vector<128x128xi32>
    %rem3A_54 = arith.remsi %iota3A_31, %rem3A_53 : vector<128x128xi32>
    %ne3A_55 = arith.constant 0 : i32
    %ne3A_56 = vector.broadcast %ne3A_55 : i32 to vector<128x128xi32>
    %ne3A_57 = arith.cmpi ne, %rem3A_54, %ne3A_56 : vector<128x128xi32>
    %and3A_58 = arith.andi %ne3A_52, %ne3A_57 : vector<128x128xi1>
    %sub3A_59 = arith.constant 1 : i32
    %sub3A_60 = vector.broadcast %sub3A_59 : i32 to vector<128x128xi32>
    %sub3A_61 = arith.subi %div3A_34, %sub3A_60 : vector<128x128xi32>
    %select_n3A_62 = arith.select %and3A_58, %sub3A_61, %div3A_34 : vector<128x128xi1>, vector<128x128xi32>
    %eq3A = arith.cmpi eq, %select_n3A, %select_n3A_62 : vector<128x128xi32>
    %convert_element_type3A = arith.extui %eq3A : vector<128x128xi1> to vector<128x128xi32>
    %convert_element_type3A_63 = arith.sitofp %convert_element_type3A : vector<128x128xi32> to vector<128x128xf32>
    %broadcast_in_dim3A = vector.shape_cast %reduce_sum3A_3 : vector<128xf32> to vector<1x128xf32>
    %dot_general3A = arith.constant dense<0.000000e+00> : vector<1x128xf32>
    %dot_general3A_64 = tpu.matmul %broadcast_in_dim3A, %convert_element_type3A_63, %dot_general3A {dimension_numbers = #tpu.dot_dimension_numbers<[1], [0], [0], [1], [0, 0, 1, 1], [], []>, transpose_lhs_hint = false} : vector<1x128xf32>, vector<128x128xf32>, vector<1x128xf32> -> vector<1x128xf32>
    %div3A_65 = arith.constant 8.000000e+04 : f32
    %div3A_66 = vector.broadcast %div3A_65 : f32 to vector<1x128xf32>
    %div3A_67 = arith.divf %dot_general3A_64, %div3A_66 : vector<1x128xf32>
    %broadcast_in_dim3A_68 = vector.shape_cast %reduce_sum3A_7 : vector<128xf32> to vector<1x128xf32>
    %dot_general3A_69 = arith.constant dense<0.000000e+00> : vector<1x128xf32>
    %dot_general3A_70 = tpu.matmul %broadcast_in_dim3A_68, %convert_element_type3A_63, %dot_general3A_69 {dimension_numbers = #tpu.dot_dimension_numbers<[1], [0], [0], [1], [0, 0, 1, 1], [], []>, transpose_lhs_hint = false} : vector<1x128xf32>, vector<128x128xf32>, vector<1x128xf32> -> vector<1x128xf32>
    %div3A_71 = arith.constant 8.000000e+04 : f32
    %div3A_72 = vector.broadcast %div3A_71 : f32 to vector<1x128xf32>
    %div3A_73 = arith.divf %dot_general3A_70, %div3A_72 : vector<1x128xf32>
    %mul3A = arith.mulf %div3A_67, %div3A_67 : vector<1x128xf32>
    %sub3A_74 = arith.subf %div3A_73, %mul3A : vector<1x128xf32>
    %add3A = arith.constant 9.99999974E-6 : f32
    %add3A_75 = vector.broadcast %add3A : f32 to vector<1x128xf32>
    %add3A_76 = arith.addf %sub3A_74, %add3A_75 : vector<1x128xf32>
    %rsqrt3A = math.rsqrt %add3A_76 : vector<1x128xf32>
    %get3A_77 = arith.constant 0 : index
    %get3A_78 = arith.constant 0 : index
    %get3A_79 = vector.load %arg1[%get3A_77, %get3A_78] : memref<200x128xf32, #tpu.memory_space<vmem>>, vector<200x128xf32>
    %sub3A_80 = vector.broadcast %div3A_67 : vector<1x128xf32> to vector<200x128xf32>
    %sub3A_81 = arith.subf %get3A_79, %sub3A_80 : vector<200x128xf32>
    %mul3A_82 = vector.broadcast %rsqrt3A : vector<1x128xf32> to vector<200x128xf32>
    %mul3A_83 = arith.mulf %sub3A_81, %mul3A_82 : vector<200x128xf32>
    %get3A_84 = arith.constant 0 : index
    %get3A_85 = arith.constant 0 : index
    %get3A_86 = vector.load %arg3[%get3A_84, %get3A_85] : memref<1x128xf32, #tpu.memory_space<vmem>>, vector<1x128xf32>
    %mul3A_87 = vector.broadcast %get3A_86 : vector<1x128xf32> to vector<200x128xf32>
    %mul3A_88 = arith.mulf %mul3A_83, %mul3A_87 : vector<200x128xf32>
    %get3A_89 = arith.constant 0 : index
    %get3A_90 = arith.constant 0 : index
    %get3A_91 = vector.load %arg4[%get3A_89, %get3A_90] : memref<1x128xf32, #tpu.memory_space<vmem>>, vector<1x128xf32>
    %add3A_92 = vector.broadcast %get3A_91 : vector<1x128xf32> to vector<200x128xf32>
    %add3A_93 = arith.addf %mul3A_88, %add3A_92 : vector<200x128xf32>
    %ge3A = arith.constant 0.000000e+00 : f32
    %ge3A_94 = vector.broadcast %ge3A : f32 to vector<200x128xf32>
    %ge3A_95 = arith.cmpf oge, %add3A_93, %ge3A_94 : vector<200x128xf32>
    %mul3A_96 = arith.constant 1.000000e-01 : f32
    %mul3A_97 = vector.broadcast %mul3A_96 : f32 to vector<200x128xf32>
    %mul3A_98 = arith.mulf %mul3A_97, %add3A_93 : vector<200x128xf32>
    %select_n3A_99 = arith.select %ge3A_95, %add3A_93, %mul3A_98 : vector<200x128xi1>, vector<200x128xf32>
    %swap3A = arith.constant 0 : index
    %swap3A_100 = arith.constant 0 : index
    %swap3A_101 = vector.load %arg5[%swap3A, %swap3A_100] : memref<200x128xf32, #tpu.memory_space<vmem>>, vector<200x128xf32>
    tpu.vector_store %arg5[%swap3A, %swap3A_100], %select_n3A_99 {strides = array<i32>} : memref<200x128xf32, #tpu.memory_space<vmem>>, vector<200x128xf32>,
    return
  }
  func.func @transform_0(%arg0: i32) -> (i32, i32) {
    %c0_i32 = arith.constant 0 : i32
    %c0_i32_0 = arith.constant 0 : i32
    return %arg0, %c0_i32 : i32, i32
  }
  func.func @transform_1(%arg0: i32) -> (i32, i32, i32) {
    %c0_i32 = arith.constant 0 : i32
    %c0_i32_0 = arith.constant 0 : i32
    %c0_i32_1 = arith.constant 0 : i32
    %c0_i32_2 = arith.constant 0 : i32
    return %c0_i32, %c0_i32_0, %c0_i32_1 : i32, i32, i32
  }
  func.func @transform_2(%arg0: i32) -> (i32, i32) {
    %c0_i32 = arith.constant 0 : i32
    %c0_i32_0 = arith.constant 0 : i32
    %c0_i32_1 = arith.constant 0 : i32
    return %c0_i32, %c0_i32_0 : i32, i32
  }
  func.func @transform_3(%arg0: i32) -> (i32, i32) {
    %c0_i32 = arith.constant 0 : i32
    %c0_i32_0 = arith.constant 0 : i32
    %c0_i32_1 = arith.constant 0 : i32
    return %c0_i32, %c0_i32_0 : i32, i32
  }
  func.func @transform_4(%arg0: i32) -> (i32, i32) {
    %c0_i32 = arith.constant 0 : i32
    %c0_i32_0 = arith.constant 0 : i32
    return %arg0, %c0_i32 : i32, i32
  }
}

</mosaic_0001>

<sc_bundles>
// kernel: kernel.5.cloned.1.call-start
scs
__scs_entry_jumppad:
0x0: {  	(pc) =	sbr.rel $0x88, $3  }
0x1: {  	(tag) =	ssettag $0x0;
	lr =	simm.s32 $0x1  }
0x2: {  	[smem:$0x3F98] =	sst lr;
	_ =	strace $0xD0000000  }
0x3: {  	_ = 	snop  }
0x4: {  	_ = 	snop  }
0x5: {  	_ = 	snop  }
0x6: {  	_ = 	snop  }
0x7: {  	_ = 	snop  }
__scs_overlays_trampoline_lowered:
0x8: {  	[smem:$0x3FA7] =	sst s0  }
0x9: {  	[smem:$0x3FA8] =	sst s1  }
0xa: {  	[smem:$0x3FA9] =	sst s2  }
0xb: {  	[smem:$0x3FAA] =	sst s3  }
0xc: {  	[smem:$0x3FAB] =	sst s4  }
0xd: {  	[smem:$0x3FAC] =	sst s5  }
0xe: {  	[smem:$0x3FAD] =	sst s6  }
0xf: {  	[smem:$0x3FAE] =	sst s7  }
0x10: {  	[smem:$0x3FAF] =	sst s8  }
0x11: {  	[smem:$0x3FB0] =	sst s9;
	s0 =	simm.s32 @!p0 $0x0  }
0x12: {  	s1 =	sld [smem:$0x3F96];
	s0 =	simm.s32 @p0 $0x1  }
0x13: {  	[smem:$0x3FB1] =	sst s0;
	s0 =	simm.s32 @!p1 $0x0  }
0x14: {  	s2 =	sld [smem:$0x3F95];
	s0 =	simm.s32 @p1 $0x1  }
0x15: {  	[smem:$0x3FB2] =	sst s0;
	s0 =	simm.s32 @!p2 $0x0  }
0x16: {  	s3 =	sld [smem:$0x3FDB];
	s0 =	simm.s32 @p2 $0x1  }
0x17: {  	s4 =	simm.s32 $0x1BF5;
	[smem:$0x3FB4] =	sst s0  }
0x18: {  	s0 =	sld [smem:$0x3F97];
	_ =	swait.ge [sflag:s4], $0x0  }
0x19: {  	s7 =	sld [smem:$0x3F98]  }
0x1a: {  	s8 =	sadd.s32 $0xFFFFE003, lr  }
0x1b: {  	s9 =	sadd.s32 $0xFFFFFEF7, lr;
	s5 =	simm.s32 $0xFFFFFFFF;
	p2 =	slt.u32 s8, $0xFFFFF086  }
0x1c: {  	p1 =	slt.u32 s9, $0xF7A;
	s5 =	simm.s32 @!p2 $0x0  }
0x1d: {  	s5 =	simm.s32 @p1 $0x1;
	p0 =	seq.s32 s7, s2  }
0x1e: {  	s7 =	smul.u32 @!p0 $0xF7A, s2;
	p2 =	seq.s32 @!p0 s5, $0x0  }
0x1f: {  	s9 =	smul.u32 $0xF7A, s1;
	s8 =	simm.s32 @!p0 $0x1BF5;
	p2 =	por !p2, p0  }
0x20: {  	[sflag:s8] =	ssyncset.s32 @!p0 $0xFFFFF086;
	s6 =	sadd.s32 @!p0 s3, s7;
	s7 =	simm.s32 @!p0 $0x108  }
0x21: {  	s3 =	sadd.s32 s3, s9;
	s6 =	sadd.s32 @!p0 $0x88, s6;
	s7 =	simm.s32 @p2 $0x1082  }
0x22: {  	[simem:s7], [sflag:s8] =	dma.local @!p0 [hbm:s6], $0xF7A  }
0x23: {  	s9 =	sor.u32 $0xD0000000, s2;
	s6 =	simm.s32 $0x108;
	_ =	swait.ge @!p0 [sflag:s8], $0x0  }
0x24: {  	s3 =	sadd.s32 $0x88, s3;
	s6 =	simm.s32 @!p1 $0x1082;
	[sflag:s4] =	ssyncset.s32 $0xFFFFF086  }
0x25: {  	[simem:s6], [sflag:s4] =	dma.local [hbm:s3], $0xF7A  }
0x26: {  	[smem:$0x3F98] =	sst s1;
	(tag) =	ssettag s2;
	_ =	strace s9  }
0x27: {  	s1 =	sld [smem:$0x3FA8]  }
0x28: {  	s2 =	sld [smem:$0x3FA9]  }
0x29: {  	s4 =	sld [smem:$0x3FAB]  }
0x2a: {  	p0 =	seq.s32 s5, $0x0;
	s5 =	sld [smem:$0x3FAC]  }
0x2b: {  	s6 =	sld [smem:$0x3FAD]  }
0x2c: {  	s7 =	sld [smem:$0x3FAE]  }
0x2d: {  	s3 =	simm.s32 $0x108;
	s8 =	sld [smem:$0x3FAF]  }
0x2e: {  	s3 =	simm.s32 @!p0 $0x1082;
	s9 =	sld [smem:$0x3FB0]  }
0x2f: {  	lr =	sadd.s32 s0, s3;
	s0 =	sld [smem:$0x3FA7]  }
0x30: {  	s3 =	sld [smem:$0x3FAA]  }
0x31: {  	[smem:$0x3FB3] =	sst s10  }
0x32: {  	s10 =	sld [smem:$0x3FB1];
	_ =	sdelay $0x3  }
0x33: {  	p0 =	seq.s32 s10, $0x1;
	s10 =	sld [smem:$0x3FB3];
	_ =	sdelay $0x3  }
0x34: {  	[smem:$0x3FB3] =	sst s10  }
0x35: {  	s10 =	sld [smem:$0x3FB2];
	_ =	sdelay $0x3  }
0x36: {  	p1 =	seq.s32 s10, $0x1;
	s10 =	sld [smem:$0x3FB3];
	_ =	sdelay $0x3  }
0x37: {  	[smem:$0x3FB3] =	sst s10  }
0x38: {  	s10 =	sld [smem:$0x3FB4]  }
0x39: {  	_ = 	snop;
	(pc) =	sbr.ind lr, $3  }
0x3a: {  	_ = 	snop  }
0x3b: {  	_ = 	snop  }
0x3c: {  	p2 =	seq.s32 s10, $0x1;
	s10 =	sld [smem:$0x3FB3]  }
0x3d: {  	_ =	shalt  }
0x3e: {  	_ =	shalt  }
0x3f: {  	_ =	shalt  }
0x40: {  	_ =	shalt  }
0x41: {  	_ =	shalt  }
0x42: {  	_ =	shalt  }
0x43: {  	_ =	shalt  }
0x44: {  	_ =	shalt  }
0x45: {  	_ =	shalt  }
0x46: {  	_ =	shalt  }
0x47: {  	_ =	shalt  }
0x48: {  	_ =	shalt  }
0x49: {  	_ =	shalt  }
0x4a: {  	_ =	shalt  }
0x4b: {  	_ =	shalt  }
0x4c: {  	_ =	shalt  }
0x4d: {  	_ =	shalt  }
0x4e: {  	_ =	shalt  }
0x4f: {  	_ =	shalt  }
0x50: {  	_ =	shalt  }
0x51: {  	_ =	shalt  }
0x52: {  	_ =	shalt  }
0x53: {  	_ =	shalt  }
0x54: {  	_ =	shalt  }
0x55: {  	_ =	shalt  }
0x56: {  	_ =	shalt  }
0x57: {  	_ =	shalt  }
0x58: {  	_ =	shalt  }
0x59: {  	_ =	shalt  }
0x5a: {  	_ =	shalt  }
0x5b: {  	_ =	shalt  }
0x5c: {  	_ =	shalt  }
0x5d: {  	_ =	shalt  }
0x5e: {  	_ =	shalt  }
0x5f: {  	_ =	shalt  }
0x60: {  	_ =	shalt  }
0x61: {  	_ =	shalt  }
0x62: {  	_ =	shalt  }
0x63: {  	_ =	shalt  }
0x64: {  	_ =	shalt  }
0x65: {  	_ =	shalt  }
0x66: {  	_ =	shalt  }
0x67: {  	_ =	shalt  }
0x68: {  	_ =	shalt  }
0x69: {  	_ =	shalt  }
0x6a: {  	_ =	shalt  }
0x6b: {  	_ =	shalt  }
0x6c: {  	_ =	shalt  }
0x6d: {  	_ =	shalt  }
0x6e: {  	_ =	shalt  }
0x6f: {  	_ =	shalt  }
0x70: {  	_ =	shalt  }
0x71: {  	_ =	shalt  }
0x72: {  	_ =	shalt  }
0x73: {  	_ =	shalt  }
0x74: {  	_ =	shalt  }
0x75: {  	_ =	shalt  }
0x76: {  	_ =	shalt  }
0x77: {  	_ =	shalt  }
0x78: {  	_ =	shalt  }
0x79: {  	_ =	shalt  }
0x7a: {  	_ =	shalt  }
0x7b: {  	_ =	shalt  }
0x7c: {  	_ =	shalt  }
0x7d: {  	_ =	shalt  }
0x7e: {  	_ =	shalt  }
0x7f: {  	_ =	shalt  }
0x80: {  	_ =	shalt  }
0x81: {  	_ =	shalt  }
0x82: {  	_ =	shalt  }
0x83: {  	_ =	shalt  }
0x84: {  	_ =	shalt  }
0x85: {  	_ =	shalt  }
0x86: {  	_ =	shalt  }
0x87: {  	_ =	shalt  }
.Lfunc_end0:
.L_simem_size_0:
called_computation_lowered:
.L_overlay_start_0:
0x88: {  	s2 =	sld [smem:$0x3FD9]  }
0x89: {  	s3 =	sld [smem:$0x3FFE];
	_ =	sdelay $0x1  }
0x8a: {  	s1 =	srdreg.scid  }
0x8b: {  	s0 =	sand.u32 $0x1, s1  }
0x8c: {  	s17 =	sshll.u32 s0, $0xA;
	s2 =	sadd.s32 s3, s2  }
0x8d: {  	s2 =	sadd.s32 s2, s17  }
0x8e: {  	[smem:$0x3FBF] =	sst s2  }
0x8f: {  	_ = 	snop  }
0x90: {  	s2 =	sld [smem:$0x3FC9]  }
0x91: {  	s18 =	sld [smem:$0x3FD0];
	(tm) =	ssettm $0x1  }
0x92: {  	s4 =	sld [smem:$0x3FFB];
	_ =	sdelay $0x3  }
0x93: {  	_ =	strace s4  }
0x94: {  	s4 =	sld [smem:$0x3FFC];
	_ =	sdelay $0x3  }
0x95: {  	_ =	strace s4  }
0x96: {  	s4 =	sld [smem:$0x3FFD];
	_ =	sdelay $0x3  }
0x97: {  	_ =	strace s4  }
0x98: {  	_ =	strace $0x8FFFFFFF  }
0x99: {  	s19 =	sld [smem:$0x3FDB];
	_ =	sdelay $0x1  }
0x9a: {  	s5 =	simm.s32 $_scs_section_size  }
0x9b: {  	s6 =	simm.s32 $_size__tile_overlayer_lowered;
	s7 =	simm.s32 $_tile_overlayer_lowered  }
0x9c: {  	s22 =	simm.s32 $0x1BFF;
	s21 =	sshll.u32 s7, $0x1;
	s4 =	sadd.s32 s5, s19  }
0x9d: {  	s8 =	simm.s32 $0x0;
	s20 =	sshll.u32 s6, $0x1;
	s6 =	sadd.s32 s21, s4  }
0x9e: {  	[timem:s8], [sflag:s22] =	dma.local [hbm:s6], s20  }
0x9f: {  	_ =	swait.ge [sflag:s22], s20  }
0xa0: {  	s5 =	ssub.s32 $0x0, s20;
	[sflag:s22] =	ssyncset.done $0x0  }
0xa1: {  	[sflag:s22] =	ssyncadd.s32 s5;
	_ =	sdelay $0x1  }
0xa2: {  	s23 =	simm.s32 $0x1B8B  }
0xa3: {  	_ =	swait.ge [sflag:s23], $0x1  }
0xa4: {  	[sflag:s23] =	ssyncset.done $0x0  }
0xa5: {  	s25 =	simm.s32 $0x1B8E;
	s24 =	sld [smem:$0x3FFE];
	[sflag:s23] =	ssyncadd.s32 $0xFFFFFFFF  }
0xa6: {  	s26 =	simm.s32 $execute0_lowered;
	[smem:$0x3FD2] =	sst s25  }
0xa7: {  	s6 =	sshll.u32 s26, $0x1;
	_ =	strace $0x80000046;
	[dreg:$0x1] =	wrdreg $0xFFFFFFFF  }
0xa8: {  	s28 =	simm.s32 $_size_execute0_lowered;
	s4 =	sadd.s32 s4, s6;
	[dreg:$0x0] =	wrdreg $0x0  }
0xa9: {  	s6 =	sshll.u32 s28, $0x1;
	[dreg:$0x2] =	wrdreg s4  }
0xaa: {  	[dreg:$0x3] =	wrdreg s6  }
0xab: {  	[dreg:$0x4] =	wrdreg $0xC0  }
0xac: {  	_ =	task [dreg:s8], $0x5FFFF  }
0xad: {  	[dreg:$0x1] =	wrdreg $0xFFFFFFFF  }
0xae: {  	[dreg:$0x0] =	wrdreg $0x60  }
0xaf: {  	[dreg:$0x2] =	wrdreg s2  }
0xb0: {  	[dreg:$0x3] =	wrdreg s24  }
0xb1: {  	[dreg:$0x4] =	wrdreg s18  }
0xb2: {  	[dreg:$0x5] =	wrdreg $0x9  }
0xb3: {  	_ =	task.clear_ibuf [dreg:s8], $0x6FFFF;
	_ =	strace $0x90000046  }
0xb4: {  	s29 =	simm.s32 $0x9;
	_ =	strace $0x80000048  }
0xb5: {  	_ =	swait.ge [sflag:s29], $0x1  }
0xb6: {  	[sflag:s29] =	ssyncadd.s32 $0xFFFFFFFF  }
0xb7: {  	_ =	strace $0x90000048  }
0xb8: {  	_ =	sfence  }
0xb9: {  	s30 =	sld [smem:$0x0];
	_ =	sdelay $0x2  }
0xba: {  	s31 =	sshll.u32 s1, $0xD;
	s1 =	sshrl.u32 s1, $0x2  }
0xbb: {  	s3 =	sand.u32 $0x4000, s31;
	s1 =	sadd.s32 s1, s30  }
0xbc: {  	s0 =	sor.u32 s3, s0;
	s1 =	sshll.u32 s1, $0x11  }
0xbd: {  	s0 =	sor.u32 s1, s0  }
0xbe: {  	s0 =	sadd.s32 $0x8F2B, s0  }
0xbf: {  	[sflag:s0] =	ssyncadd.remote.s32 $0x1  }
0xc0: {  	_ =	sfence.sel $0xFFFF  }
0xc1: {  	[dreg:$0x0] =	wrdreg $0xFFFFFFFF;
	(pc) =	sbr.abs _section_cstart, $3  }
0xc2: {  	[dreg:$0x1] =	wrdreg $0xFFFFFFFF  }
0xc3: {  	_ =	task.clear_ibuf [dreg:s8], $0x2FFFF;
	_ =	strace $0x9FFFFFFF  }
0xc4: {  	(tm) =	ssettm $0x7FFFFFFF  }
0xc5: {  	_ =	shalt  }
tec
execute0_lowered:
.L_overlay_start_1:
0x0: {  	(tag) =	ssettag $0x1  }
0x1: {  	s1 =	rddreg [dreg:$0x0]  }
0x2: {  	s0 =	rddreg [dreg:$0x1];
	s2 =	srdreg.scid  }
0x3: {  	s14 =	stileid.u32;
	s9 =	rddreg [dreg:$0x2];
	s3 =	simm.s32 $0x0  }
0x4: {  	s28 =	simm.s32 $0x4;
	s29 =	simm.s32 $0x0;
	s10 =	smul.u32 $0x280000, s14  }
0x5: {  	s2 =	sand.u32 $0x1, s2;
	s4 =	sshll.u32 s14, $0x1;
	s13 =	smul.u32 $0x1E00, s14  }
0x6: {  	[smem:$0x7FF] =	sst s3;
	s31 =	sadd.s32 $0x1600, s0;
	s15 =	smul.u32 $0x50000, s14  }
0x7: {  	s5 =	sadd.s32 $0x1000, s0;
	s6 =	sadd.s32 $0xA00, s0;
	s12 =	smul.u32 $0x140000, s2  }
0x8: {  	s14 =	simm.s32 $0x17700;
	s4 =	sor.u32 s2, s4;
	s17 =	smul.u32 $0x28000, s2  }
0x9: {  	_ =	strace $0x80000047;
	s11 =	ssub.s32 $0x2, s2;
	s2 =	smul.u32 $0xF00, s2  }
0xa: {  	[dreg:$0xc] =	wrdreg s31;
	s7 =	smul.u32 $0x2800, s4;
	s4 =	sshrl.u32 s11, $0x1  }
0xb: {  	s9 =	sadd.s32 s13, s9;
	s10 =	sadd.s32 s12, s10;
	s19 =	sadd.s32 s17, s15  }
0xc: {  	s2 =	sadd.s32 s2, s9;
	s12 =	simm.s32 $0x12800;
	s15 =	simm.s32 $0x80  }
0xd: {  	s17 =	simm.s32 $0x6800;
	s7 =	sshrl.u32 s7, $0x3;
	s13 =	sor.u32 $0x4000, s10  }
0xe: {  	s16 =	sor.u32 $0x8000, s10;
	s20 =	sor.u32 $0x1C000, s10;
	[dreg:$0x6] =	wrdreg s19  }
0xf: {  	s22 =	sor.u32 $0xC000, s10;
	s24 =	sor.u32 $0x10000, s10;
	s26 =	sor.u32 $0x18000, s10  }
0x10: {  	s10 =	sor.u32 $0x14000, s10;
	s19 =	simm.s32 $0x19E80;
	s8 =	sadd.s32 s7, s0  }
0x11: {  	s7 =	sadd.s32 $0xBC00, s0;
	s0 =	ssub.s32 s11, s4;
	s11 =	sshrl.u32 s13, $0x3  }
0x12: {  	s18 =	sshrl.u32 s16, $0x3;
	s21 =	sshrl.u32 s20, $0x3;
	s23 =	sshrl.u32 s22, $0x3  }
0x13: {  	s25 =	sshrl.u32 s24, $0x3;
	s30 =	sshrl.u32 s26, $0x3;
	[dreg:$0x4] =	wrdreg s11  }
0x14: {  	s31 =	sshrl.u32 s10, $0x3;
	s10 =	sadd.s32 $0x150, s2;
	[dreg:$0x5] =	wrdreg s18  }
0x15: {  	s13 =	simm.s32 $0x14F80;
	s16 =	simm.s32 $0x2800;
	[dreg:$0x7] =	wrdreg s21  }
0x16: {  	s20 =	simm.s32 $0x1A000;
	s22 =	simm.s32 $0xE800;
	[dreg:$0x8] =	wrdreg s23  }
0x17: {  	s24 =	simm.s32 $0x1A180;
	s26 =	simm.s32 $0x3;
	[dreg:$0x9] =	wrdreg s25  }
0x18: {  	s8 =	sadd.s32 $0x1C00, s8;
	[dreg:$0xa] =	wrdreg s30;
	s9 =	smax.u32 s0, $0x1  }
0x19: {  	[dreg:$0xb] =	wrdreg s31;
	s11 =	simm.s32 $0x5;
	s18 =	simm.s32 $0x1  }
0x1a: {  	s21 =	simm.s32 $0xA800;
	s23 =	simm.s32 $0x2;
	s25 =	simm.s32 $0x1A300  }
.LBB2_1:
0x1b: {  	[tilespmem:s3], [sflag:$0x5] =	stream.linear.gather [hbm4b:s8+s3], $0x2800, $0x38;
	[tilespmem:$0x1A480] =	vst v63  }
0x1c: {  	_ =	swait.ge [sflag:s11], $0x2800  }
0x1d: {  	[sflag:s11] =	ssyncset.done $0x0  }
0x1e: {  	s0 =	rddreg [dreg:$0xc];
	[sflag:s11] =	ssyncadd.s32 $0xFFFFD800  }
0x1f: {  	[tilespmem:s12], [sflag:$0x5] =	stream.linear.gather [hbm4b:s0+s3], $0x2780, $0x38;
	[tilespmem:$0x1A480] =	vst v63  }
0x20: {  	_ =	swait.ge [sflag:s11], $0x2780  }
0x21: {  	[sflag:s11] =	ssyncset.done $0x0  }
0x22: {  	[sflag:s11] =	ssyncadd.s32 $0xFFFFD880  }
0x23: {  	[tilespmem:s13], [sflag:$0x5] =	stream.linear.gather [hbm4b:s5+s3], $0x2780, $0x38;
	[tilespmem:$0x1A480] =	vst v63  }
0x24: {  	_ =	swait.ge [sflag:s11], $0x2780  }
0x25: {  	[sflag:s11] =	ssyncset.done $0x0  }
0x26: {  	[sflag:s11] =	ssyncadd.s32 $0xFFFFD880  }
0x27: {  	[tilespmem:s14], [sflag:$0x5] =	stream.linear.gather [hbm4b:s6+s3], $0x2780, $0x38;
	[tilespmem:$0x1A480] =	vst v63  }
0x28: {  	_ =	swait.ge [sflag:s11], $0x2780  }
0x29: {  	s30 =	smov.u32 s7;
	[sflag:s11] =	ssyncset.done $0x0  }
0x2a: {  	s31 =	smov.u32 s10;
	s2 =	simm.s32 $0x0;
	[sflag:s11] =	ssyncadd.s32 $0xFFFFD880  }
.LBB2_2:
0x2b: {  	s0 =	sshra.s32 s2, $0x2  }
0x2c: {  	[tilespmem:s16], [sflag:$0x1] =	stream.indirect.gather [hbm4b:s1+s15], $0x80, s0, s15, $0xb8;
	[tilespmem:$0x1A480] =	vst v63  }
0x2d: {  	s4 =	sadd.s32 $0x80, s0  }
0x2e: {  	[tilespmem:s17], [sflag:$0x1] =	stream.indirect.gather [hbm4b:s1+s15], $0x80, s4, s15, $0xb8;
	[tilespmem:$0x1A480] =	vst v63  }
0x2f: {  	v0 =	vld [tilespmem:s0+$0x0];
	_ =	sdelay $0x7  }
0x30: {  	v1 =	vld.idx.msk [tilespmem:v0+s12+$0x0], $0xffff;
	_ =	sdelay $0x4  }
0x31: {  	[tilespmem:$0x19E80] =	vst v1  }
0x32: {  	v1 =	vld.idx.msk [tilespmem:v0+s13+$0x0], $0xffff;
	_ =	sdelay $0x4  }
0x33: {  	[tilespmem:$0x19F00] =	vst v1  }
0x34: {  	v0 =	vld.idx.msk [tilespmem:v0+s14+$0x0], $0xffff;
	_ =	sdelay $0x4  }
0x35: {  	[tilespmem:$0x19F80] =	vst v0  }
0x36: {  	v0 =	vld [tilespmem:s0+$0x10];
	_ =	sdelay $0x7  }
0x37: {  	v1 =	vld.idx.msk [tilespmem:v0+s12+$0x0], $0xffff;
	_ =	sdelay $0x4  }
0x38: {  	[tilespmem:$0x19E90] =	vst v1  }
0x39: {  	v1 =	vld.idx.msk [tilespmem:v0+s13+$0x0], $0xffff;
	_ =	sdelay $0x4  }
0x3a: {  	[tilespmem:$0x19F10] =	vst v1  }
0x3b: {  	v0 =	vld.idx.msk [tilespmem:v0+s14+$0x0], $0xffff;
	_ =	sdelay $0x4  }
0x3c: {  	[tilespmem:$0x19F90] =	vst v0  }
0x3d: {  	v0 =	vld [tilespmem:s0+$0x20];
	_ =	sdelay $0x7  }
0x3e: {  	v1 =	vld.idx.msk [tilespmem:v0+s12+$0x0], $0xffff;
	_ =	sdelay $0x4  }
0x3f: {  	[tilespmem:$0x19EA0] =	vst v1  }
0x40: {  	v1 =	vld.idx.msk [tilespmem:v0+s13+$0x0], $0xffff;
	_ =	sdelay $0x4  }
0x41: {  	[tilespmem:$0x19F20] =	vst v1  }
0x42: {  	v0 =	vld.idx.msk [tilespmem:v0+s14+$0x0], $0xffff;
	_ =	sdelay $0x4  }
0x43: {  	[tilespmem:$0x19FA0] =	vst v0  }
0x44: {  	v0 =	vld [tilespmem:s0+$0x30];
	_ =	sdelay $0x7  }
0x45: {  	v1 =	vld.idx.msk [tilespmem:v0+s12+$0x0], $0xffff;
	_ =	sdelay $0x4  }
0x46: {  	[tilespmem:$0x19EB0] =	vst v1  }
0x47: {  	v1 =	vld.idx.msk [tilespmem:v0+s13+$0x0], $0xffff;
	_ =	sdelay $0x4  }
0x48: {  	[tilespmem:$0x19F30] =	vst v1  }
0x49: {  	v0 =	vld.idx.msk [tilespmem:v0+s14+$0x0], $0xffff;
	_ =	sdelay $0x4  }
0x4a: {  	[tilespmem:$0x19FB0] =	vst v0  }
0x4b: {  	v0 =	vld [tilespmem:s0+$0x40];
	_ =	sdelay $0x7  }
0x4c: {  	v57 =	vld.idx.msk [tilespmem:v0+s12+$0x0], $0xffff;
	_ =	sdelay $0x4  }
0x4d: {  	[tilespmem:$0x19EC0] =	vst v57  }
0x4e: {  	v1 =	vld.idx.msk [tilespmem:v0+s13+$0x0], $0xffff;
	_ =	sdelay $0x4  }
0x4f: {  	[tilespmem:$0x19F40] =	vst v1  }
0x50: {  	v0 =	vld.idx.msk [tilespmem:v0+s14+$0x0], $0xffff;
	_ =	sdelay $0x4  }
0x51: {  	[tilespmem:$0x19FC0] =	vst v0  }
0x52: {  	v0 =	vld [tilespmem:s0+$0x50];
	_ =	sdelay $0x7  }
0x53: {  	v1 =	vld.idx.msk [tilespmem:v0+s12+$0x0], $0xffff;
	_ =	sdelay $0x4  }
0x54: {  	[tilespmem:$0x19ED0] =	vst v1  }
0x55: {  	v1 =	vld.idx.msk [tilespmem:v0+s13+$0x0], $0xffff;
	_ =	sdelay $0x4  }
0x56: {  	[tilespmem:$0x19F50] =	vst v1  }
0x57: {  	v0 =	vld.idx.msk [tilespmem:v0+s14+$0x0], $0xffff;
	_ =	sdelay $0x4  }
0x58: {  	[tilespmem:$0x19FD0] =	vst v0  }
0x59: {  	v0 =	vld [tilespmem:s0+$0x60];
	_ =	sdelay $0x7  }
0x5a: {  	v1 =	vld.idx.msk [tilespmem:v0+s12+$0x0], $0xffff;
	_ =	sdelay $0x4  }
0x5b: {  	[tilespmem:$0x19EE0] =	vst v1  }
0x5c: {  	v1 =	vld.idx.msk [tilespmem:v0+s13+$0x0], $0xffff;
	_ =	sdelay $0x4  }
0x5d: {  	[tilespmem:$0x19F60] =	vst v1  }
0x5e: {  	v0 =	vld.idx.msk [tilespmem:v0+s14+$0x0], $0xffff;
	_ =	sdelay $0x4  }
0x5f: {  	[tilespmem:$0x19FE0] =	vst v0  }
0x60: {  	v0 =	vld [tilespmem:s0+$0x70];
	_ =	sdelay $0x7  }
0x61: {  	v1 =	vld.idx.msk [tilespmem:v0+s12+$0x0], $0xffff;
	_ =	sdelay $0x4  }
0x62: {  	[tilespmem:$0x19EF0] =	vst v1  }
0x63: {  	v1 =	vld.idx.msk [tilespmem:v0+s13+$0x0], $0xffff;
	_ =	sdelay $0x4  }
0x64: {  	[tilespmem:$0x19F70] =	vst v1  }
0x65: {  	v0 =	vld.idx.msk [tilespmem:v0+s14+$0x0], $0xffff;
	_ =	sdelay $0x4  }
0x66: {  	[tilespmem:$0x19FF0] =	vst v0  }
0x67: {  	v0 =	vld [tilespmem:s0+$0x80];
	_ =	sdelay $0x7  }
0x68: {  	v1 =	vld.idx.msk [tilespmem:v0+s12+$0x0], $0xffff;
	_ =	sdelay $0x4  }
0x69: {  	[tilespmem:$0x1A000] =	vst v1  }
0x6a: {  	v1 =	vld.idx.msk [tilespmem:v0+s13+$0x0], $0xffff;
	_ =	sdelay $0x4  }
0x6b: {  	[tilespmem:$0x1A080] =	vst v1  }
0x6c: {  	v0 =	vld.idx.msk [tilespmem:v0+s14+$0x0], $0xffff;
	_ =	sdelay $0x4  }
0x6d: {  	[tilespmem:$0x1A100] =	vst v0  }
0x6e: {  	v0 =	vld [tilespmem:s0+$0x90];
	_ =	sdelay $0x7  }
0x6f: {  	v1 =	vld.idx.msk [tilespmem:v0+s12+$0x0], $0xffff;
	_ =	sdelay $0x4  }
0x70: {  	[tilespmem:$0x1A010] =	vst v1  }
0x71: {  	v1 =	vld.idx.msk [tilespmem:v0+s13+$0x0], $0xffff;
	_ =	sdelay $0x4  }
0x72: {  	[tilespmem:$0x1A090] =	vst v1  }
0x73: {  	v0 =	vld.idx.msk [tilespmem:v0+s14+$0x0], $0xffff;
	_ =	sdelay $0x4  }
0x74: {  	[tilespmem:$0x1A110] =	vst v0  }
0x75: {  	v0 =	vld [tilespmem:s0+$0xA0];
	_ =	sdelay $0x7  }
0x76: {  	v1 =	vld.idx.msk [tilespmem:v0+s12+$0x0], $0xffff;
	_ =	sdelay $0x4  }
0x77: {  	[tilespmem:$0x1A020] =	vst v1  }
0x78: {  	v1 =	vld.idx.msk [tilespmem:v0+s13+$0x0], $0xffff;
	_ =	sdelay $0x4  }
0x79: {  	[tilespmem:$0x1A0A0] =	vst v1  }
0x7a: {  	v0 =	vld.idx.msk [tilespmem:v0+s14+$0x0], $0xffff;
	_ =	sdelay $0x4  }
0x7b: {  	[tilespmem:$0x1A120] =	vst v0  }
0x7c: {  	v0 =	vld [tilespmem:s0+$0xB0];
	_ =	sdelay $0x7  }
0x7d: {  	v1 =	vld.idx.msk [tilespmem:v0+s12+$0x0], $0xffff;
	_ =	sdelay $0x4  }
0x7e: {  	[tilespmem:$0x1A030] =	vst v1  }
0x7f: {  	v1 =	vld.idx.msk [tilespmem:v0+s13+$0x0], $0xffff;
	_ =	sdelay $0x4  }
0x80: {  	[tilespmem:$0x1A0B0] =	vst v1  }
0x81: {  	v0 =	vld.idx.msk [tilespmem:v0+s14+$0x0], $0xffff;
	_ =	sdelay $0x4  }
0x82: {  	[tilespmem:$0x1A130] =	vst v0  }
0x83: {  	v0 =	vld [tilespmem:s0+$0xC0];
	_ =	sdelay $0x7  }
0x84: {  	v1 =	vld.idx.msk [tilespmem:v0+s12+$0x0], $0xffff;
	_ =	sdelay $0x4  }
0x85: {  	[tilespmem:$0x1A040] =	vst v1  }
0x86: {  	v1 =	vld.idx.msk [tilespmem:v0+s13+$0x0], $0xffff;
	_ =	sdelay $0x4  }
0x87: {  	[tilespmem:$0x1A0C0] =	vst v1  }
0x88: {  	v0 =	vld.idx.msk [tilespmem:v0+s14+$0x0], $0xffff;
	_ =	sdelay $0x4  }
0x89: {  	[tilespmem:$0x1A140] =	vst v0  }
0x8a: {  	v0 =	vld [tilespmem:s0+$0xD0];
	_ =	sdelay $0x7  }
0x8b: {  	v1 =	vld.idx.msk [tilespmem:v0+s12+$0x0], $0xffff;
	_ =	sdelay $0x4  }
0x8c: {  	[tilespmem:$0x1A050] =	vst v1  }
0x8d: {  	v1 =	vld.idx.msk [tilespmem:v0+s13+$0x0], $0xffff;
	_ =	sdelay $0x4  }
0x8e: {  	[tilespmem:$0x1A0D0] =	vst v1  }
0x8f: {  	v0 =	vld.idx.msk [tilespmem:v0+s14+$0x0], $0xffff;
	_ =	sdelay $0x4  }
0x90: {  	[tilespmem:$0x1A150] =	vst v0  }
0x91: {  	v0 =	vld [tilespmem:s0+$0xE0];
	_ =	sdelay $0x7  }
0x92: {  	v1 =	vld.idx.msk [tilespmem:v0+s12+$0x0], $0xffff;
	_ =	sdelay $0x4  }
0x93: {  	[tilespmem:$0x1A060] =	vst v1  }
0x94: {  	v1 =	vld.idx.msk [tilespmem:v0+s13+$0x0], $0xffff;
	_ =	sdelay $0x4  }
0x95: {  	[tilespmem:$0x1A0E0] =	vst v1  }
0x96: {  	v0 =	vld.idx.msk [tilespmem:v0+s14+$0x0], $0xffff;
	_ =	sdelay $0x4  }
0x97: {  	[tilespmem:$0x1A160] =	vst v0  }
0x98: {  	v0 =	vld [tilespmem:s0+$0xF0];
	_ =	sdelay $0x7  }
0x99: {  	v1 =	vld.idx.msk [tilespmem:v0+s12+$0x0], $0xffff;
	_ =	sdelay $0x4  }
0x9a: {  	[tilespmem:$0x1A070] =	vst v1  }
0x9b: {  	v1 =	vld.idx.msk [tilespmem:v0+s13+$0x0], $0xffff;
	_ =	sdelay $0x4  }
0x9c: {  	[tilespmem:$0x1A0F0] =	vst v1  }
0x9d: {  	v0 =	vld.idx.msk [tilespmem:v0+s14+$0x0], $0xffff;
	_ =	sdelay $0x4  }
0x9e: {  	[tilespmem:$0x1A170] =	vst v0  }
0x9f: {  	_ =	swait.ge [sflag:s18], $0x4000  }
0xa0: {  	s4 =	rddreg [dreg:$0x6];
	[sflag:s18] =	ssyncset.done $0x0  }
0xa1: {  	[sflag:s18] =	ssyncadd.s32 $0xFFFFC000;
	s4 =	sadd.s32 s30, s4  }
0xa2: {  	[hbm4b:s4+s3] =	stream.linear.scatter [tilespmem:s16], [sflag:$0x3], $0x4000, $0x38;
	[tilespmem:$0x1A480] =	vst v63  }
0xa3: {  	_ =	swait.ge [sflag:s18], $0x4000  }
0xa4: {  	s4 =	rddreg [dreg:$0x4];
	[sflag:s18] =	ssyncset.done $0x0  }
0xa5: {  	[sflag:s18] =	ssyncadd.s32 $0xFFFFC000;
	s4 =	sadd.s32 s30, s4  }
0xa6: {  	[hbm4b:s4+s3] =	stream.linear.scatter [tilespmem:s17], [sflag:$0x3], $0x4000, $0x38;
	[tilespmem:$0x1A480] =	vst v63  }
0xa7: {  	s4 =	sadd.s32 $0xFFFFFEB0, s31  }
0xa8: {  	[hbm4b:s4+s3] =	stream.linear.scatter [tilespmem:s19], [sflag:$0x3], $0x180, $0x38;
	[tilespmem:$0x1A480] =	vst v63  }
0xa9: {  	s4 =	sadd.s32 $0xFFFFFEE0, s31  }
0xaa: {  	[hbm4b:s4+s3] =	stream.linear.scatter [tilespmem:s20], [sflag:$0x3], $0x180, $0x38;
	[tilespmem:$0x1A480] =	vst v63  }
0xab: {  	s4 =	sadd.s32 $0x100, s0  }
0xac: {  	[tilespmem:s21], [sflag:$0x2] =	stream.indirect.gather [hbm4b:s1+s15], $0x80, s4, s15, $0xb8;
	[tilespmem:$0x1A480] =	vst v63  }
0xad: {  	s4 =	sadd.s32 $0x180, s0  }
0xae: {  	[tilespmem:s22], [sflag:$0x2] =	stream.indirect.gather [hbm4b:s1+s15], $0x80, s4, s15, $0xb8;
	[tilespmem:$0x1A480] =	vst v63  }
0xaf: {  	v58 =	vld [tilespmem:s0+$0x100];
	_ =	sdelay $0x7  }
0xb0: {  	v59 =	vld.idx.msk [tilespmem:v58+s12+$0x0], $0xffff;
	_ =	sdelay $0x4  }
0xb1: {  	[tilespmem:$0x1A180] =	vst v59  }
0xb2: {  	v1 =	vld.idx.msk [tilespmem:v58+s13+$0x0], $0xffff;
	_ =	sdelay $0x4  }
0xb3: {  	[tilespmem:$0x1A200] =	vst v1  }
0xb4: {  	v0 =	vld.idx.msk [tilespmem:v58+s14+$0x0], $0xffff;
	_ =	sdelay $0x4  }
0xb5: {  	[tilespmem:$0x1A280] =	vst v0  }
0xb6: {  	v0 =	vld [tilespmem:s0+$0x110];
	_ =	sdelay $0x7  }
0xb7: {  	v1 =	vld.idx.msk [tilespmem:v0+s12+$0x0], $0xffff;
	_ =	sdelay $0x4  }
0xb8: {  	[tilespmem:$0x1A190] =	vst v1  }
0xb9: {  	v1 =	vld.idx.msk [tilespmem:v0+s13+$0x0], $0xffff;
	_ =	sdelay $0x4  }
0xba: {  	[tilespmem:$0x1A210] =	vst v1  }
0xbb: {  	v0 =	vld.idx.msk [tilespmem:v0+s14+$0x0], $0xffff;
	_ =	sdelay $0x4  }
0xbc: {  	[tilespmem:$0x1A290] =	vst v0  }
0xbd: {  	v0 =	vld [tilespmem:s0+$0x120];
	_ =	sdelay $0x7  }
0xbe: {  	v1 =	vld.idx.msk [tilespmem:v0+s12+$0x0], $0xffff;
	_ =	sdelay $0x4  }
0xbf: {  	[tilespmem:$0x1A1A0] =	vst v1  }
0xc0: {  	v1 =	vld.idx.msk [tilespmem:v0+s13+$0x0], $0xffff;
	_ =	sdelay $0x4  }
0xc1: {  	[tilespmem:$0x1A220] =	vst v1  }
0xc2: {  	v0 =	vld.idx.msk [tilespmem:v0+s14+$0x0], $0xffff;
	_ =	sdelay $0x4  }
0xc3: {  	[tilespmem:$0x1A2A0] =	vst v0  }
0xc4: {  	v0 =	vld [tilespmem:s0+$0x130];
	_ =	sdelay $0x7  }
0xc5: {  	v1 =	vld.idx.msk [tilespmem:v0+s12+$0x0], $0xffff;
	_ =	sdelay $0x4  }
0xc6: {  	[tilespmem:$0x1A1B0] =	vst v1  }
0xc7: {  	v1 =	vld.idx.msk [tilespmem:v0+s13+$0x0], $0xffff;
	_ =	sdelay $0x4  }
0xc8: {  	[tilespmem:$0x1A230] =	vst v1  }
0xc9: {  	v0 =	vld.idx.msk [tilespmem:v0+s14+$0x0], $0xffff;
	_ =	sdelay $0x4  }
0xca: {  	[tilespmem:$0x1A2B0] =	vst v0  }
0xcb: {  	v0 =	vld [tilespmem:s0+$0x140];
	_ =	sdelay $0x7  }
0xcc: {  	v1 =	vld.idx.msk [tilespmem:v0+s12+$0x0], $0xffff;
	_ =	sdelay $0x4  }
0xcd: {  	[tilespmem:$0x1A1C0] =	vst v1  }
0xce: {  	v1 =	vld.idx.msk [tilespmem:v0+s13+$0x0], $0xffff;
	_ =	sdelay $0x4  }
0xcf: {  	[tilespmem:$0x1A240] =	vst v1  }
0xd0: {  	v0 =	vld.idx.msk [tilespmem:v0+s14+$0x0], $0xffff;
	_ =	sdelay $0x4  }
0xd1: {  	[tilespmem:$0x1A2C0] =	vst v0  }
0xd2: {  	v0 =	vld [tilespmem:s0+$0x150];
	_ =	sdelay $0x7  }
0xd3: {  	v1 =	vld.idx.msk [tilespmem:v0+s12+$0x0], $0xffff;
	_ =	sdelay $0x4  }
0xd4: {  	[tilespmem:$0x1A1D0] =	vst v1  }
0xd5: {  	v1 =	vld.idx.msk [tilespmem:v0+s13+$0x0], $0xffff;
	_ =	sdelay $0x4  }
0xd6: {  	[tilespmem:$0x1A250] =	vst v1  }
0xd7: {  	v0 =	vld.idx.msk [tilespmem:v0+s14+$0x0], $0xffff;
	_ =	sdelay $0x4  }
0xd8: {  	[tilespmem:$0x1A2D0] =	vst v0  }
0xd9: {  	v0 =	vld [tilespmem:s0+$0x160];
	_ =	sdelay $0x7  }
0xda: {  	v1 =	vld.idx.msk [tilespmem:v0+s12+$0x0], $0xffff;
	_ =	sdelay $0x4  }
0xdb: {  	[tilespmem:$0x1A1E0] =	vst v1  }
0xdc: {  	v1 =	vld.idx.msk [tilespmem:v0+s13+$0x0], $0xffff;
	_ =	sdelay $0x4  }
0xdd: {  	[tilespmem:$0x1A260] =	vst v1  }
0xde: {  	v0 =	vld.idx.msk [tilespmem:v0+s14+$0x0], $0xffff;
	_ =	sdelay $0x4  }
0xdf: {  	[tilespmem:$0x1A2E0] =	vst v0  }
0xe0: {  	v0 =	vld [tilespmem:s0+$0x170];
	_ =	sdelay $0x7  }
0xe1: {  	v1 =	vld.idx.msk [tilespmem:v0+s12+$0x0], $0xffff;
	_ =	sdelay $0x4  }
0xe2: {  	[tilespmem:$0x1A1F0] =	vst v1  }
0xe3: {  	v1 =	vld.idx.msk [tilespmem:v0+s13+$0x0], $0xffff;
	_ =	sdelay $0x4  }
0xe4: {  	[tilespmem:$0x1A270] =	vst v1  }
0xe5: {  	v0 =	vld.idx.msk [tilespmem:v0+s14+$0x0], $0xffff;
	_ =	sdelay $0x4  }
0xe6: {  	[tilespmem:$0x1A2F0] =	vst v0  }
0xe7: {  	v0 =	vld [tilespmem:s0+$0x180];
	_ =	sdelay $0x7  }
0xe8: {  	v1 =	vld.idx.msk [tilespmem:v0+s12+$0x0], $0xffff;
	_ =	sdelay $0x4  }
0xe9: {  	[tilespmem:$0x1A300] =	vst v1  }
0xea: {  	v1 =	vld.idx.msk [tilespmem:v0+s13+$0x0], $0xffff;
	_ =	sdelay $0x4  }
0xeb: {  	[tilespmem:$0x1A380] =	vst v1  }
0xec: {  	v0 =	vld.idx.msk [tilespmem:v0+s14+$0x0], $0xffff;
	_ =	sdelay $0x4  }
0xed: {  	[tilespmem:$0x1A400] =	vst v0  }
0xee: {  	v0 =	vld [tilespmem:s0+$0x190];
	_ =	sdelay $0x7  }
0xef: {  	v1 =	vld.idx.msk [tilespmem:v0+s12+$0x0], $0xffff;
	_ =	sdelay $0x4  }
0xf0: {  	[tilespmem:$0x1A310] =	vst v1  }
0xf1: {  	v1 =	vld.idx.msk [tilespmem:v0+s13+$0x0], $0xffff;
	_ =	sdelay $0x4  }
0xf2: {  	[tilespmem:$0x1A390] =	vst v1  }
0xf3: {  	v0 =	vld.idx.msk [tilespmem:v0+s14+$0x0], $0xffff;
	_ =	sdelay $0x4  }
0xf4: {  	[tilespmem:$0x1A410] =	vst v0  }
0xf5: {  	v0 =	vld [tilespmem:s0+$0x1A0];
	_ =	sdelay $0x7  }
0xf6: {  	v1 =	vld.idx.msk [tilespmem:v0+s12+$0x0], $0xffff;
	_ =	sdelay $0x4  }
0xf7: {  	[tilespmem:$0x1A320] =	vst v1  }
0xf8: {  	v1 =	vld.idx.msk [tilespmem:v0+s13+$0x0], $0xffff;
	_ =	sdelay $0x4  }
0xf9: {  	[tilespmem:$0x1A3A0] =	vst v1  }
0xfa: {  	v0 =	vld.idx.msk [tilespmem:v0+s14+$0x0], $0xffff;
	_ =	sdelay $0x4  }
0xfb: {  	[tilespmem:$0x1A420] =	vst v0  }
0xfc: {  	v0 =	vld [tilespmem:s0+$0x1B0];
	_ =	sdelay $0x7  }
0xfd: {  	v1 =	vld.idx.msk [tilespmem:v0+s12+$0x0], $0xffff;
	_ =	sdelay $0x4  }
0xfe: {  	[tilespmem:$0x1A330] =	vst v1  }
0xff: {  	v1 =	vld.idx.msk [tilespmem:v0+s13+$0x0], $0xffff;
	_ =	sdelay $0x4  }
0x100: {  	[tilespmem:$0x1A3B0] =	vst v1  }
0x101: {  	v0 =	vld.idx.msk [tilespmem:v0+s14+$0x0], $0xffff;
	_ =	sdelay $0x4  }
0x102: {  	[tilespmem:$0x1A430] =	vst v0  }
0x103: {  	v0 =	vld [tilespmem:s0+$0x1C0];
	_ =	sdelay $0x7  }
0x104: {  	v1 =	vld.idx.msk [tilespmem:v0+s12+$0x0], $0xffff;
	_ =	sdelay $0x4  }
0x105: {  	[tilespmem:$0x1A340] =	vst v1  }
0x106: {  	v1 =	vld.idx.msk [tilespmem:v0+s13+$0x0], $0xffff;
	_ =	sdelay $0x4  }
0x107: {  	[tilespmem:$0x1A3C0] =	vst v1  }
0x108: {  	v0 =	vld.idx.msk [tilespmem:v0+s14+$0x0], $0xffff;
	_ =	sdelay $0x4  }
0x109: {  	[tilespmem:$0x1A440] =	vst v0  }
0x10a: {  	v0 =	vld [tilespmem:s0+$0x1D0];
	_ =	sdelay $0x7  }
0x10b: {  	v1 =	vld.idx.msk [tilespmem:v0+s12+$0x0], $0xffff;
	_ =	sdelay $0x4  }
0x10c: {  	[tilespmem:$0x1A350] =	vst v1  }
0x10d: {  	v1 =	vld.idx.msk [tilespmem:v0+s13+$0x0], $0xffff;
	_ =	sdelay $0x4  }
0x10e: {  	[tilespmem:$0x1A3D0] =	vst v1  }
0x10f: {  	v0 =	vld.idx.msk [tilespmem:v0+s14+$0x0], $0xffff;
	_ =	sdelay $0x4  }
0x110: {  	[tilespmem:$0x1A450] =	vst v0  }
0x111: {  	v0 =	vld [tilespmem:s0+$0x1E0];
	_ =	sdelay $0x7  }
0x112: {  	v1 =	vld.idx.msk [tilespmem:v0+s12+$0x0], $0xffff;
	_ =	sdelay $0x4  }
0x113: {  	[tilespmem:$0x1A360] =	vst v1  }
0x114: {  	v1 =	vld.idx.msk [tilespmem:v0+s13+$0x0], $0xffff;
	_ =	sdelay $0x4  }
0x115: {  	[tilespmem:$0x1A3E0] =	vst v1  }
0x116: {  	v0 =	vld.idx.msk [tilespmem:v0+s14+$0x0], $0xffff;
	_ =	sdelay $0x4  }
0x117: {  	[tilespmem:$0x1A460] =	vst v0  }
0x118: {  	v0 =	vld [tilespmem:s0+$0x1F0];
	_ =	sdelay $0x7  }
0x119: {  	v1 =	vld.idx.msk [tilespmem:v0+s12+$0x0], $0xffff;
	_ =	sdelay $0x4  }
0x11a: {  	[tilespmem:$0x1A370] =	vst v1  }
0x11b: {  	v1 =	vld.idx.msk [tilespmem:v0+s13+$0x0], $0xffff;
	_ =	sdelay $0x4  }
0x11c: {  	[tilespmem:$0x1A3F0] =	vst v1  }
0x11d: {  	v0 =	vld.idx.msk [tilespmem:v0+s14+$0x0], $0xffff;
	_ =	sdelay $0x4  }
0x11e: {  	[tilespmem:$0x1A470] =	vst v0  }
0x11f: {  	_ =	swait.ge [sflag:s23], $0x4000  }
0x120: {  	s4 =	rddreg [dreg:$0x5];
	[sflag:s23] =	ssyncset.done $0x0  }
0x121: {  	[sflag:s23] =	ssyncadd.s32 $0xFFFFC000;
	s4 =	sadd.s32 s30, s4  }
0x122: {  	[hbm4b:s4+s3] =	stream.linear.scatter [tilespmem:s21], [sflag:$0x4], $0x4000, $0x38;
	[tilespmem:$0x1A480] =	vst v63  }
0x123: {  	_ =	swait.ge [sflag:s23], $0x4000  }
0x124: {  	s4 =	rddreg [dreg:$0x8];
	[sflag:s23] =	ssyncset.done $0x0  }
0x125: {  	[sflag:s23] =	ssyncadd.s32 $0xFFFFC000;
	s4 =	sadd.s32 s30, s4  }
0x126: {  	[hbm4b:s4+s3] =	stream.linear.scatter [tilespmem:s22], [sflag:$0x4], $0x4000, $0x38;
	[tilespmem:$0x1A480] =	vst v63  }
0x127: {  	s4 =	sadd.s32 $0xFFFFFF10, s31  }
0x128: {  	[hbm4b:s4+s3] =	stream.linear.scatter [tilespmem:s24], [sflag:$0x4], $0x180, $0x38;
	[tilespmem:$0x1A480] =	vst v63  }
0x129: {  	s4 =	sadd.s32 $0xFFFFFF40, s31  }
0x12a: {  	[hbm4b:s4+s3] =	stream.linear.scatter [tilespmem:s25], [sflag:$0x4], $0x180, $0x38;
	[tilespmem:$0x1A480] =	vst v63  }
0x12b: {  	_ =	swait.ge [sflag:s26], $0x4000  }
0x12c: {  	[sflag:s26] =	ssyncset.done $0x0  }
0x12d: {  	[sflag:s26] =	ssyncadd.s32 $0xFFFFC000  }
0x12e: {  	_ =	swait.ge [sflag:s26], $0x4000  }
0x12f: {  	[sflag:s26] =	ssyncset.done $0x0  }
0x130: {  	[sflag:s26] =	ssyncadd.s32 $0xFFFFC000  }
0x131: {  	_ =	swait.ge [sflag:s26], $0x180  }
0x132: {  	[sflag:s26] =	ssyncset.done $0x0  }
0x133: {  	[sflag:s26] =	ssyncadd.s32 $0xFFFFFE80  }
0x134: {  	_ =	swait.ge [sflag:s26], $0x180  }
0x135: {  	[sflag:s26] =	ssyncset.done $0x0  }
0x136: {  	s4 =	sadd.s32 $0x200, s0;
	[sflag:s26] =	ssyncadd.s32 $0xFFFFFE80  }
0x137: {  	[tilespmem:s16], [sflag:$0x1] =	stream.indirect.gather [hbm4b:s1+s15], $0x80, s4, s15, $0xb8;
	[tilespmem:$0x1A480] =	vst v63  }
0x138: {  	s4 =	sadd.s32 $0x280, s0  }
0x139: {  	[tilespmem:s17], [sflag:$0x1] =	stream.indirect.gather [hbm4b:s1+s15], $0x80, s4, s15, $0xb8;
	[tilespmem:$0x1A480] =	vst v63  }
0x13a: {  	v60 =	vld [tilespmem:s0+$0x200];
	_ =	sdelay $0x7  }
0x13b: {  	v61 =	vld.idx.msk [tilespmem:v60+s12+$0x0], $0xffff;
	_ =	sdelay $0x4  }
0x13c: {  	[tilespmem:$0x19E80] =	vst v61  }
0x13d: {  	v1 =	vld.idx.msk [tilespmem:v60+s13+$0x0], $0xffff;
	_ =	sdelay $0x4  }
0x13e: {  	[tilespmem:$0x19F00] =	vst v1  }
0x13f: {  	v0 =	vld.idx.msk [tilespmem:v60+s14+$0x0], $0xffff;
	_ =	sdelay $0x4  }
0x140: {  	[tilespmem:$0x19F80] =	vst v0  }
0x141: {  	v0 =	vld [tilespmem:s0+$0x210];
	_ =	sdelay $0x7  }
0x142: {  	v1 =	vld.idx.msk [tilespmem:v0+s12+$0x0], $0xffff;
	_ =	sdelay $0x4  }
0x143: {  	[tilespmem:$0x19E90] =	vst v1  }
0x144: {  	v1 =	vld.idx.msk [tilespmem:v0+s13+$0x0], $0xffff;
	_ =	sdelay $0x4  }
0x145: {  	[tilespmem:$0x19F10] =	vst v1  }
0x146: {  	v0 =	vld.idx.msk [tilespmem:v0+s14+$0x0], $0xffff;
	_ =	sdelay $0x4  }
0x147: {  	[tilespmem:$0x19F90] =	vst v0  }
0x148: {  	v0 =	vld [tilespmem:s0+$0x220];
	_ =	sdelay $0x7  }
0x149: {  	v1 =	vld.idx.msk [tilespmem:v0+s12+$0x0], $0xffff;
	_ =	sdelay $0x4  }
0x14a: {  	[tilespmem:$0x19EA0] =	vst v1  }
0x14b: {  	v1 =	vld.idx.msk [tilespmem:v0+s13+$0x0], $0xffff;
	_ =	sdelay $0x4  }
0x14c: {  	[tilespmem:$0x19F20] =	vst v1  }
0x14d: {  	v0 =	vld.idx.msk [tilespmem:v0+s14+$0x0], $0xffff;
	_ =	sdelay $0x4  }
0x14e: {  	[tilespmem:$0x19FA0] =	vst v0  }
0x14f: {  	v0 =	vld [tilespmem:s0+$0x230];
	_ =	sdelay $0x7  }
0x150: {  	v1 =	vld.idx.msk [tilespmem:v0+s12+$0x0], $0xffff;
	_ =	sdelay $0x4  }
0x151: {  	[tilespmem:$0x19EB0] =	vst v1  }
0x152: {  	v1 =	vld.idx.msk [tilespmem:v0+s13+$0x0], $0xffff;
	_ =	sdelay $0x4  }
0x153: {  	[tilespmem:$0x19F30] =	vst v1  }
0x154: {  	v0 =	vld.idx.msk [tilespmem:v0+s14+$0x0], $0xffff;
	_ =	sdelay $0x4  }
0x155: {  	[tilespmem:$0x19FB0] =	vst v0  }
0x156: {  	v0 =	vld [tilespmem:s0+$0x240];
	_ =	sdelay $0x7  }
0x157: {  	v1 =	vld.idx.msk [tilespmem:v0+s12+$0x0], $0xffff;
	_ =	sdelay $0x4  }
0x158: {  	[tilespmem:$0x19EC0] =	vst v1  }
0x159: {  	v1 =	vld.idx.msk [tilespmem:v0+s13+$0x0], $0xffff;
	_ =	sdelay $0x4  }
0x15a: {  	[tilespmem:$0x19F40] =	vst v1  }
0x15b: {  	v0 =	vld.idx.msk [tilespmem:v0+s14+$0x0], $0xffff;
	_ =	sdelay $0x4  }
0x15c: {  	[tilespmem:$0x19FC0] =	vst v0  }
0x15d: {  	v0 =	vld [tilespmem:s0+$0x250];
	_ =	sdelay $0x7  }
0x15e: {  	v1 =	vld.idx.msk [tilespmem:v0+s12+$0x0], $0xffff;
	_ =	sdelay $0x4  }
0x15f: {  	[tilespmem:$0x19ED0] =	vst v1  }
0x160: {  	v1 =	vld.idx.msk [tilespmem:v0+s13+$0x0], $0xffff;
	_ =	sdelay $0x4  }
0x161: {  	[tilespmem:$0x19F50] =	vst v1  }
0x162: {  	v0 =	vld.idx.msk [tilespmem:v0+s14+$0x0], $0xffff;
	_ =	sdelay $0x4  }
0x163: {  	[tilespmem:$0x19FD0] =	vst v0  }
0x164: {  	v0 =	vld [tilespmem:s0+$0x260];
	_ =	sdelay $0x7  }
0x165: {  	v1 =	vld.idx.msk [tilespmem:v0+s12+$0x0], $0xffff;
	_ =	sdelay $0x4  }
0x166: {  	[tilespmem:$0x19EE0] =	vst v1  }
0x167: {  	v1 =	vld.idx.msk [tilespmem:v0+s13+$0x0], $0xffff;
	_ =	sdelay $0x4  }
0x168: {  	[tilespmem:$0x19F60] =	vst v1  }
0x169: {  	v0 =	vld.idx.msk [tilespmem:v0+s14+$0x0], $0xffff;
	_ =	sdelay $0x4  }
0x16a: {  	[tilespmem:$0x19FE0] =	vst v0  }
0x16b: {  	v0 =	vld [tilespmem:s0+$0x270];
	_ =	sdelay $0x7  }
0x16c: {  	v1 =	vld.idx.msk [tilespmem:v0+s12+$0x0], $0xffff;
	_ =	sdelay $0x4  }
0x16d: {  	[tilespmem:$0x19EF0] =	vst v1  }
0x16e: {  	v1 =	vld.idx.msk [tilespmem:v0+s13+$0x0], $0xffff;
	_ =	sdelay $0x4  }
0x16f: {  	[tilespmem:$0x19F70] =	vst v1  }
0x170: {  	v0 =	vld.idx.msk [tilespmem:v0+s14+$0x0], $0xffff;
	_ =	sdelay $0x4  }
0x171: {  	[tilespmem:$0x19FF0] =	vst v0  }
0x172: {  	v0 =	vld [tilespmem:s0+$0x280];
	_ =	sdelay $0x7  }
0x173: {  	v1 =	vld.idx.msk [tilespmem:v0+s12+$0x0], $0xffff;
	_ =	sdelay $0x4  }
0x174: {  	[tilespmem:$0x1A000] =	vst v1  }
0x175: {  	v1 =	vld.idx.msk [tilespmem:v0+s13+$0x0], $0xffff;
	_ =	sdelay $0x4  }
0x176: {  	[tilespmem:$0x1A080] =	vst v1  }
0x177: {  	v0 =	vld.idx.msk [tilespmem:v0+s14+$0x0], $0xffff;
	_ =	sdelay $0x4  }
0x178: {  	[tilespmem:$0x1A100] =	vst v0  }
0x179: {  	v0 =	vld [tilespmem:s0+$0x290];
	_ =	sdelay $0x7  }
0x17a: {  	v1 =	vld.idx.msk [tilespmem:v0+s12+$0x0], $0xffff;
	_ =	sdelay $0x4  }
0x17b: {  	[tilespmem:$0x1A010] =	vst v1  }
0x17c: {  	v1 =	vld.idx.msk [tilespmem:v0+s13+$0x0], $0xffff;
	_ =	sdelay $0x4  }
0x17d: {  	[tilespmem:$0x1A090] =	vst v1  }
0x17e: {  	v0 =	vld.idx.msk [tilespmem:v0+s14+$0x0], $0xffff;
	_ =	sdelay $0x4  }
0x17f: {  	[tilespmem:$0x1A110] =	vst v0  }
0x180: {  	v0 =	vld [tilespmem:s0+$0x2A0];
	_ =	sdelay $0x7  }
0x181: {  	v1 =	vld.idx.msk [tilespmem:v0+s12+$0x0], $0xffff;
	_ =	sdelay $0x4  }
0x182: {  	[tilespmem:$0x1A020] =	vst v1  }
0x183: {  	v1 =	vld.idx.msk [tilespmem:v0+s13+$0x0], $0xffff;
	_ =	sdelay $0x4  }
0x184: {  	[tilespmem:$0x1A0A0] =	vst v1  }
0x185: {  	v0 =	vld.idx.msk [tilespmem:v0+s14+$0x0], $0xffff;
	_ =	sdelay $0x4  }
0x186: {  	[tilespmem:$0x1A120] =	vst v0  }
0x187: {  	v0 =	vld [tilespmem:s0+$0x2B0];
	_ =	sdelay $0x7  }
0x188: {  	v1 =	vld.idx.msk [tilespmem:v0+s12+$0x0], $0xffff;
	_ =	sdelay $0x4  }
0x189: {  	[tilespmem:$0x1A030] =	vst v1  }
0x18a: {  	v1 =	vld.idx.msk [tilespmem:v0+s13+$0x0], $0xffff;
	_ =	sdelay $0x4  }
0x18b: {  	[tilespmem:$0x1A0B0] =	vst v1  }
0x18c: {  	v0 =	vld.idx.msk [tilespmem:v0+s14+$0x0], $0xffff;
	_ =	sdelay $0x4  }
0x18d: {  	[tilespmem:$0x1A130] =	vst v0  }
0x18e: {  	v0 =	vld [tilespmem:s0+$0x2C0];
	_ =	sdelay $0x7  }
0x18f: {  	v1 =	vld.idx.msk [tilespmem:v0+s12+$0x0], $0xffff;
	_ =	sdelay $0x4  }
0x190: {  	[tilespmem:$0x1A040] =	vst v1  }
0x191: {  	v1 =	vld.idx.msk [tilespmem:v0+s13+$0x0], $0xffff;
	_ =	sdelay $0x4  }
0x192: {  	[tilespmem:$0x1A0C0] =	vst v1  }
0x193: {  	v0 =	vld.idx.msk [tilespmem:v0+s14+$0x0], $0xffff;
	_ =	sdelay $0x4  }
0x194: {  	[tilespmem:$0x1A140] =	vst v0  }
0x195: {  	v0 =	vld [tilespmem:s0+$0x2D0];
	_ =	sdelay $0x7  }
0x196: {  	v1 =	vld.idx.msk [tilespmem:v0+s12+$0x0], $0xffff;
	_ =	sdelay $0x4  }
0x197: {  	[tilespmem:$0x1A050] =	vst v1  }
0x198: {  	v1 =	vld.idx.msk [tilespmem:v0+s13+$0x0], $0xffff;
	_ =	sdelay $0x4  }
0x199: {  	[tilespmem:$0x1A0D0] =	vst v1  }
0x19a: {  	v0 =	vld.idx.msk [tilespmem:v0+s14+$0x0], $0xffff;
	_ =	sdelay $0x4  }
0x19b: {  	[tilespmem:$0x1A150] =	vst v0  }
0x19c: {  	v0 =	vld [tilespmem:s0+$0x2E0];
	_ =	sdelay $0x7  }
0x19d: {  	v1 =	vld.idx.msk [tilespmem:v0+s12+$0x0], $0xffff;
	_ =	sdelay $0x4  }
0x19e: {  	[tilespmem:$0x1A060] =	vst v1  }
0x19f: {  	v1 =	vld.idx.msk [tilespmem:v0+s13+$0x0], $0xffff;
	_ =	sdelay $0x4  }
0x1a0: {  	[tilespmem:$0x1A0E0] =	vst v1  }
0x1a1: {  	v0 =	vld.idx.msk [tilespmem:v0+s14+$0x0], $0xffff;
	_ =	sdelay $0x4  }
0x1a2: {  	[tilespmem:$0x1A160] =	vst v0  }
0x1a3: {  	v0 =	vld [tilespmem:s0+$0x2F0];
	_ =	sdelay $0x7  }
0x1a4: {  	v1 =	vld.idx.msk [tilespmem:v0+s12+$0x0], $0xffff;
	_ =	sdelay $0x4  }
0x1a5: {  	[tilespmem:$0x1A070] =	vst v1  }
0x1a6: {  	v1 =	vld.idx.msk [tilespmem:v0+s13+$0x0], $0xffff;
	_ =	sdelay $0x4  }
0x1a7: {  	[tilespmem:$0x1A0F0] =	vst v1  }
0x1a8: {  	v0 =	vld.idx.msk [tilespmem:v0+s14+$0x0], $0xffff;
	_ =	sdelay $0x4  }
0x1a9: {  	[tilespmem:$0x1A170] =	vst v0  }
0x1aa: {  	_ =	swait.ge [sflag:s18], $0x4000  }
0x1ab: {  	s4 =	rddreg [dreg:$0x9];
	[sflag:s18] =	ssyncset.done $0x0  }
0x1ac: {  	[sflag:s18] =	ssyncadd.s32 $0xFFFFC000;
	s4 =	sadd.s32 s30, s4  }
0x1ad: {  	[hbm4b:s4+s3] =	stream.linear.scatter [tilespmem:s16], [sflag:$0x3], $0x4000, $0x38;
	[tilespmem:$0x1A480] =	vst v63  }
0x1ae: {  	_ =	swait.ge [sflag:s18], $0x4000  }
0x1af: {  	s4 =	rddreg [dreg:$0xb];
	[sflag:s18] =	ssyncset.done $0x0  }
0x1b0: {  	[sflag:s18] =	ssyncadd.s32 $0xFFFFC000;
	s4 =	sadd.s32 s30, s4  }
0x1b1: {  	[hbm4b:s4+s3] =	stream.linear.scatter [tilespmem:s17], [sflag:$0x3], $0x4000, $0x38;
	[tilespmem:$0x1A480] =	vst v63  }
0x1b2: {  	s4 =	sadd.s32 $0xFFFFFF70, s31  }
0x1b3: {  	[hbm4b:s4+s3] =	stream.linear.scatter [tilespmem:s19], [sflag:$0x3], $0x180, $0x38;
	[tilespmem:$0x1A480] =	vst v63  }
0x1b4: {  	s4 =	sadd.s32 $0xFFFFFFA0, s31  }
0x1b5: {  	[hbm4b:s4+s3] =	stream.linear.scatter [tilespmem:s20], [sflag:$0x3], $0x180, $0x38;
	[tilespmem:$0x1A480] =	vst v63  }
0x1b6: {  	_ =	swait.ge [sflag:s28], $0x4000  }
0x1b7: {  	[sflag:s28] =	ssyncset.done $0x0  }
0x1b8: {  	[sflag:s28] =	ssyncadd.s32 $0xFFFFC000  }
0x1b9: {  	_ =	swait.ge [sflag:s28], $0x4000  }
0x1ba: {  	[sflag:s28] =	ssyncset.done $0x0  }
0x1bb: {  	[sflag:s28] =	ssyncadd.s32 $0xFFFFC000  }
0x1bc: {  	_ =	swait.ge [sflag:s28], $0x180  }
0x1bd: {  	[sflag:s28] =	ssyncset.done $0x0  }
0x1be: {  	[sflag:s28] =	ssyncadd.s32 $0xFFFFFE80  }
0x1bf: {  	_ =	swait.ge [sflag:s28], $0x180  }
0x1c0: {  	[sflag:s28] =	ssyncset.done $0x0  }
0x1c1: {  	s4 =	sadd.s32 $0x300, s0;
	[sflag:s28] =	ssyncadd.s32 $0xFFFFFE80  }
0x1c2: {  	[tilespmem:s21], [sflag:$0x2] =	stream.indirect.gather [hbm4b:s1+s15], $0x80, s4, s15, $0xb8;
	[tilespmem:$0x1A480] =	vst v63  }
0x1c3: {  	s4 =	sadd.s32 $0x380, s0  }
0x1c4: {  	[tilespmem:s22], [sflag:$0x2] =	stream.indirect.gather [hbm4b:s1+s15], $0x80, s4, s15, $0xb8;
	[tilespmem:$0x1A480] =	vst v63  }
0x1c5: {  	v62 =	vld [tilespmem:s0+$0x300];
	_ =	sdelay $0x7  }
0x1c6: {  	v63 =	vld.idx.msk [tilespmem:v62+s12+$0x0], $0xffff;
	_ =	sdelay $0x4  }
0x1c7: {  	[tilespmem:$0x1A180] =	vst v63  }
0x1c8: {  	v1 =	vld.idx.msk [tilespmem:v62+s13+$0x0], $0xffff;
	_ =	sdelay $0x4  }
0x1c9: {  	[tilespmem:$0x1A200] =	vst v1  }
0x1ca: {  	v0 =	vld.idx.msk [tilespmem:v62+s14+$0x0], $0xffff;
	_ =	sdelay $0x4  }
0x1cb: {  	[tilespmem:$0x1A280] =	vst v0  }
0x1cc: {  	v0 =	vld [tilespmem:s0+$0x310];
	_ =	sdelay $0x7  }
0x1cd: {  	v1 =	vld.idx.msk [tilespmem:v0+s12+$0x0], $0xffff;
	_ =	sdelay $0x4  }
0x1ce: {  	[tilespmem:$0x1A190] =	vst v1  }
0x1cf: {  	v1 =	vld.idx.msk [tilespmem:v0+s13+$0x0], $0xffff;
	_ =	sdelay $0x4  }
0x1d0: {  	[tilespmem:$0x1A210] =	vst v1  }
0x1d1: {  	v0 =	vld.idx.msk [tilespmem:v0+s14+$0x0], $0xffff;
	_ =	sdelay $0x4  }
0x1d2: {  	[tilespmem:$0x1A290] =	vst v0  }
0x1d3: {  	v0 =	vld [tilespmem:s0+$0x320];
	_ =	sdelay $0x7  }
0x1d4: {  	v1 =	vld.idx.msk [tilespmem:v0+s12+$0x0], $0xffff;
	_ =	sdelay $0x4  }
0x1d5: {  	[tilespmem:$0x1A1A0] =	vst v1  }
0x1d6: {  	v1 =	vld.idx.msk [tilespmem:v0+s13+$0x0], $0xffff;
	_ =	sdelay $0x4  }
0x1d7: {  	[tilespmem:$0x1A220] =	vst v1  }
0x1d8: {  	v0 =	vld.idx.msk [tilespmem:v0+s14+$0x0], $0xffff;
	_ =	sdelay $0x4  }
0x1d9: {  	[tilespmem:$0x1A2A0] =	vst v0  }
0x1da: {  	v0 =	vld [tilespmem:s0+$0x330];
	_ =	sdelay $0x7  }
0x1db: {  	v1 =	vld.idx.msk [tilespmem:v0+s12+$0x0], $0xffff;
	_ =	sdelay $0x4  }
0x1dc: {  	[tilespmem:$0x1A1B0] =	vst v1  }
0x1dd: {  	v1 =	vld.idx.msk [tilespmem:v0+s13+$0x0], $0xffff;
	_ =	sdelay $0x4  }
0x1de: {  	[tilespmem:$0x1A230] =	vst v1  }
0x1df: {  	v0 =	vld.idx.msk [tilespmem:v0+s14+$0x0], $0xffff;
	_ =	sdelay $0x4  }
0x1e0: {  	[tilespmem:$0x1A2B0] =	vst v0  }
0x1e1: {  	v0 =	vld [tilespmem:s0+$0x340];
	_ =	sdelay $0x7  }
0x1e2: {  	v1 =	vld.idx.msk [tilespmem:v0+s12+$0x0], $0xffff;
	_ =	sdelay $0x4  }
0x1e3: {  	[tilespmem:$0x1A1C0] =	vst v1  }
0x1e4: {  	v1 =	vld.idx.msk [tilespmem:v0+s13+$0x0], $0xffff;
	_ =	sdelay $0x4  }
0x1e5: {  	[tilespmem:$0x1A240] =	vst v1  }
0x1e6: {  	v0 =	vld.idx.msk [tilespmem:v0+s14+$0x0], $0xffff;
	_ =	sdelay $0x4  }
0x1e7: {  	[tilespmem:$0x1A2C0] =	vst v0  }
0x1e8: {  	v0 =	vld [tilespmem:s0+$0x350];
	_ =	sdelay $0x7  }
0x1e9: {  	v1 =	vld.idx.msk [tilespmem:v0+s12+$0x0], $0xffff;
	_ =	sdelay $0x4  }
0x1ea: {  	[tilespmem:$0x1A1D0] =	vst v1  }
0x1eb: {  	v1 =	vld.idx.msk [tilespmem:v0+s13+$0x0], $0xffff;
	_ =	sdelay $0x4  }
0x1ec: {  	[tilespmem:$0x1A250] =	vst v1  }
0x1ed: {  	v0 =	vld.idx.msk [tilespmem:v0+s14+$0x0], $0xffff;
	_ =	sdelay $0x4  }
0x1ee: {  	[tilespmem:$0x1A2D0] =	vst v0  }
0x1ef: {  	v0 =	vld [tilespmem:s0+$0x360];
	_ =	sdelay $0x7  }
0x1f0: {  	v1 =	vld.idx.msk [tilespmem:v0+s12+$0x0], $0xffff;
	_ =	sdelay $0x4  }
0x1f1: {  	[tilespmem:$0x1A1E0] =	vst v1  }
0x1f2: {  	v1 =	vld.idx.msk [tilespmem:v0+s13+$0x0], $0xffff;
	_ =	sdelay $0x4  }
0x1f3: {  	[tilespmem:$0x1A260] =	vst v1  }
0x1f4: {  	v0 =	vld.idx.msk [tilespmem:v0+s14+$0x0], $0xffff;
	_ =	sdelay $0x4  }
0x1f5: {  	[tilespmem:$0x1A2E0] =	vst v0  }
0x1f6: {  	v0 =	vld [tilespmem:s0+$0x370];
	_ =	sdelay $0x7  }
0x1f7: {  	v1 =	vld.idx.msk [tilespmem:v0+s12+$0x0], $0xffff;
	_ =	sdelay $0x4  }
0x1f8: {  	[tilespmem:$0x1A1F0] =	vst v1  }
0x1f9: {  	v1 =	vld.idx.msk [tilespmem:v0+s13+$0x0], $0xffff;
	_ =	sdelay $0x4  }
0x1fa: {  	[tilespmem:$0x1A270] =	vst v1  }
0x1fb: {  	v0 =	vld.idx.msk [tilespmem:v0+s14+$0x0], $0xffff;
	_ =	sdelay $0x4  }
0x1fc: {  	[tilespmem:$0x1A2F0] =	vst v0  }
0x1fd: {  	v0 =	vld [tilespmem:s0+$0x380];
	_ =	sdelay $0x7  }
0x1fe: {  	v1 =	vld.idx.msk [tilespmem:v0+s12+$0x0], $0xffff;
	_ =	sdelay $0x4  }
0x1ff: {  	[tilespmem:$0x1A300] =	vst v1  }
0x200: {  	v1 =	vld.idx.msk [tilespmem:v0+s13+$0x0], $0xffff;
	_ =	sdelay $0x4  }
0x201: {  	[tilespmem:$0x1A380] =	vst v1  }
0x202: {  	v0 =	vld.idx.msk [tilespmem:v0+s14+$0x0], $0xffff;
	_ =	sdelay $0x4  }
0x203: {  	[tilespmem:$0x1A400] =	vst v0  }
0x204: {  	v0 =	vld [tilespmem:s0+$0x390];
	_ =	sdelay $0x7  }
0x205: {  	v1 =	vld.idx.msk [tilespmem:v0+s12+$0x0], $0xffff;
	_ =	sdelay $0x4  }
0x206: {  	[tilespmem:$0x1A310] =	vst v1  }
0x207: {  	v1 =	vld.idx.msk [tilespmem:v0+s13+$0x0], $0xffff;
	_ =	sdelay $0x4  }
0x208: {  	[tilespmem:$0x1A390] =	vst v1  }
0x209: {  	v0 =	vld.idx.msk [tilespmem:v0+s14+$0x0], $0xffff;
	_ =	sdelay $0x4  }
0x20a: {  	[tilespmem:$0x1A410] =	vst v0  }
0x20b: {  	v0 =	vld [tilespmem:s0+$0x3A0];
	_ =	sdelay $0x7  }
0x20c: {  	v1 =	vld.idx.msk [tilespmem:v0+s12+$0x0], $0xffff;
	_ =	sdelay $0x4  }
0x20d: {  	[tilespmem:$0x1A320] =	vst v1  }
0x20e: {  	v1 =	vld.idx.msk [tilespmem:v0+s13+$0x0], $0xffff;
	_ =	sdelay $0x4  }
0x20f: {  	[tilespmem:$0x1A3A0] =	vst v1  }
0x210: {  	v0 =	vld.idx.msk [tilespmem:v0+s14+$0x0], $0xffff;
	_ =	sdelay $0x4  }
0x211: {  	[tilespmem:$0x1A420] =	vst v0  }
0x212: {  	v0 =	vld [tilespmem:s0+$0x3B0];
	_ =	sdelay $0x7  }
0x213: {  	v1 =	vld.idx.msk [tilespmem:v0+s12+$0x0], $0xffff;
	_ =	sdelay $0x4  }
0x214: {  	[tilespmem:$0x1A330] =	vst v1  }
0x215: {  	v1 =	vld.idx.msk [tilespmem:v0+s13+$0x0], $0xffff;
	_ =	sdelay $0x4  }
0x216: {  	[tilespmem:$0x1A3B0] =	vst v1  }
0x217: {  	v0 =	vld.idx.msk [tilespmem:v0+s14+$0x0], $0xffff;
	_ =	sdelay $0x4  }
0x218: {  	[tilespmem:$0x1A430] =	vst v0  }
0x219: {  	v0 =	vld [tilespmem:s0+$0x3C0];
	_ =	sdelay $0x7  }
0x21a: {  	v1 =	vld.idx.msk [tilespmem:v0+s12+$0x0], $0xffff;
	_ =	sdelay $0x4  }
0x21b: {  	[tilespmem:$0x1A340] =	vst v1  }
0x21c: {  	v1 =	vld.idx.msk [tilespmem:v0+s13+$0x0], $0xffff;
	_ =	sdelay $0x4  }
0x21d: {  	[tilespmem:$0x1A3C0] =	vst v1  }
0x21e: {  	v0 =	vld.idx.msk [tilespmem:v0+s14+$0x0], $0xffff;
	_ =	sdelay $0x4  }
0x21f: {  	[tilespmem:$0x1A440] =	vst v0  }
0x220: {  	v0 =	vld [tilespmem:s0+$0x3D0];
	_ =	sdelay $0x7  }
0x221: {  	v1 =	vld.idx.msk [tilespmem:v0+s12+$0x0], $0xffff;
	_ =	sdelay $0x4  }
0x222: {  	[tilespmem:$0x1A350] =	vst v1  }
0x223: {  	v1 =	vld.idx.msk [tilespmem:v0+s13+$0x0], $0xffff;
	_ =	sdelay $0x4  }
0x224: {  	[tilespmem:$0x1A3D0] =	vst v1  }
0x225: {  	v0 =	vld.idx.msk [tilespmem:v0+s14+$0x0], $0xffff;
	_ =	sdelay $0x4  }
0x226: {  	[tilespmem:$0x1A450] =	vst v0  }
0x227: {  	v0 =	vld [tilespmem:s0+$0x3E0];
	_ =	sdelay $0x7  }
0x228: {  	v1 =	vld.idx.msk [tilespmem:v0+s12+$0x0], $0xffff;
	_ =	sdelay $0x4  }
0x229: {  	[tilespmem:$0x1A360] =	vst v1  }
0x22a: {  	v1 =	vld.idx.msk [tilespmem:v0+s13+$0x0], $0xffff;
	_ =	sdelay $0x4  }
0x22b: {  	[tilespmem:$0x1A3E0] =	vst v1  }
0x22c: {  	v0 =	vld.idx.msk [tilespmem:v0+s14+$0x0], $0xffff;
	_ =	sdelay $0x4  }
0x22d: {  	[tilespmem:$0x1A460] =	vst v0  }
0x22e: {  	v0 =	vld [tilespmem:s0+$0x3F0];
	_ =	sdelay $0x7  }
0x22f: {  	v1 =	vld.idx.msk [tilespmem:v0+s12+$0x0], $0xffff;
	_ =	sdelay $0x4  }
0x230: {  	[tilespmem:$0x1A370] =	vst v1  }
0x231: {  	v1 =	vld.idx.msk [tilespmem:v0+s13+$0x0], $0xffff;
	_ =	sdelay $0x4  }
0x232: {  	[tilespmem:$0x1A3F0] =	vst v1  }
0x233: {  	v0 =	vld.idx.msk [tilespmem:v0+s14+$0x0], $0xffff;
	_ =	sdelay $0x4  }
0x234: {  	[tilespmem:$0x1A470] =	vst v0  }
0x235: {  	_ =	swait.ge [sflag:s23], $0x4000  }
0x236: {  	s4 =	rddreg [dreg:$0xa];
	[sflag:s23] =	ssyncset.done $0x0  }
0x237: {  	[sflag:s23] =	ssyncadd.s32 $0xFFFFC000;
	s0 =	sadd.s32 s30, s4  }
0x238: {  	[hbm4b:s0+s3] =	stream.linear.scatter [tilespmem:s21], [sflag:$0x4], $0x4000, $0x38;
	[tilespmem:$0x1A480] =	vst v63  }
0x239: {  	_ =	swait.ge [sflag:s23], $0x4000  }
0x23a: {  	s4 =	rddreg [dreg:$0x7];
	[sflag:s23] =	ssyncset.done $0x0  }
0x23b: {  	[sflag:s23] =	ssyncadd.s32 $0xFFFFC000;
	s0 =	sadd.s32 s30, s4  }
0x23c: {  	[hbm4b:s0+s3] =	stream.linear.scatter [tilespmem:s22], [sflag:$0x4], $0x4000, $0x38;
	[tilespmem:$0x1A480] =	vst v63  }
0x23d: {  	s4 =	sadd.s32 $0xFFFFFFD0, s31  }
0x23e: {  	[hbm4b:s4+s3] =	stream.linear.scatter [tilespmem:s24], [sflag:$0x4], $0x180, $0x38;
	[tilespmem:$0x1A480] =	vst v63  }
0x23f: {  	_ = 	snop  }
0x240: {  	[hbm4b:s31+s3] =	stream.linear.scatter [tilespmem:s25], [sflag:$0x4], $0x180, $0x38;
	[tilespmem:$0x1A480] =	vst v63  }
0x241: {  	_ =	swait.ge [sflag:s26], $0x4000  }
0x242: {  	[sflag:s26] =	ssyncset.done $0x0  }
0x243: {  	[sflag:s26] =	ssyncadd.s32 $0xFFFFC000  }
0x244: {  	_ =	swait.ge [sflag:s26], $0x4000  }
0x245: {  	[sflag:s26] =	ssyncset.done $0x0  }
0x246: {  	[sflag:s26] =	ssyncadd.s32 $0xFFFFC000  }
0x247: {  	_ =	swait.ge [sflag:s26], $0x180  }
0x248: {  	[sflag:s26] =	ssyncset.done $0x0  }
0x249: {  	[sflag:s26] =	ssyncadd.s32 $0xFFFFFE80  }
0x24a: {  	_ =	swait.ge [sflag:s26], $0x180  }
0x24b: {  	[sflag:s26] =	ssyncset.done $0x0  }
0x24c: {  	[sflag:s26] =	ssyncadd.s32 $0xFFFFFE80  }
0x24d: {  	_ =	swait.ge [sflag:s28], $0x4000  }
0x24e: {  	[sflag:s28] =	ssyncset.done $0x0  }
0x24f: {  	[sflag:s28] =	ssyncadd.s32 $0xFFFFC000  }
0x250: {  	_ =	swait.ge [sflag:s28], $0x4000  }
0x251: {  	[sflag:s28] =	ssyncset.done $0x0  }
0x252: {  	[sflag:s28] =	ssyncadd.s32 $0xFFFFC000  }
0x253: {  	p0 =	sne.s32 s2, $0x9000;
	_ =	swait.ge [sflag:s28], $0x180  }
.Ltmp0:
0x254: {  	[sflag:s28] =	ssyncset.done $0x0;
	(pc) =	sbr.rel @p0 .LBB2_2-.Ltmp0, $4  }
0x255: {  	[sflag:s28] =	ssyncadd.s32 $0xFFFFFE80  }
0x256: {  	_ =	swait.ge [sflag:s28], $0x180  }
0x257: {  	s2 =	sadd.s32 $0x1000, s2;
	[sflag:s28] =	ssyncset.done $0x0  }
0x258: {  	s30 =	sadd.s32 $0x4000, s30;
	s31 =	sadd.s32 $0x180, s31;
	[sflag:s28] =	ssyncadd.s32 $0xFFFFFE80  }
0x259: {  	s29 =	sadd.s32 $0x1, s29  }
0x25a: {  	p0 =	sne.s32 s29, s9  }
.Ltmp1:
0x25b: {  	_ = 	snop;
	(pc) =	sbr.rel @p0 .LBB2_1-.Ltmp1, $1  }
0x25c: {  	_ =	sdelay $0x3  }
0x25d: {  	_ =	sfence.sel $0x180000  }
0x25e: {  	[bflag:$0x0] =	sbarrier.arrive $0xFFFF  }
0x25f: {  	_ =	strace $0x90000047  }
0x260: {  	s0 =	stileid.u32;
	[bflag:$0x2] =	sbarrier.arrive $0xFFFF  }
0x261: {  	p0 =	sne.s32 s0, $0x0;
	s0 =	rddreg [dreg:$0x3]  }
0x262: {  	s0 =	sadd.s32 @!p0 $0x100000, s0  }
0x263: {  	[sflag:s0] =	ssyncadd.tile.s32 @!p0 $0x1;
	_ =	shalt  }
.Lfunc_end2:
_tile_overlayer_lowered:
.L_overlay_start_2:
0x264: {  	(tag) =	ssettag $0x2  }
0x265: {  	s0 =	rddreg [dreg:$0x0];
	s2 =	stileid.u32  }
0x266: {  	s1 =	rddreg [dreg:$0x1];
	p0 =	sne.s32 s2, $0x0  }
0x267: {  	s3 =	rddreg [dreg:$0x2];
	[bflag:$0x3] =	sbarrier.arrive $0xFFFF;
	s2 =	simm.s32 @!p0 $0x1C05  }
0x268: {  	[timem:s3], [sflag:s2] =	dma.local @!p0 [hbm:s0], s1  }
0x269: {  	s0 =	simm.s32 @!p0 $0x5  }
0x26a: {  	_ =	swait.ge @!p0 [sflag:s0], s1  }
0x26b: {  	s1 =	ssub.s32 @!p0 $0x0, s1;
	[sflag:s0] =	ssyncset.done @!p0 $0x0  }
0x26c: {  	[sflag:s0] =	ssyncadd.s32 @!p0 s1  }
0x26d: {  	[bflag:$0x3] =	sbarrier.arrive $0xFFFF  }
0x26e: {  	_ =	shalt  }

</sc_bundles>
